<compile_context>
chip_gen: v7x
topology: tpu7x:2x2x1
jax: 0.10.2.dev20260603
libtpu: 0.0.44.dev20260713+nightly
codegen_flags: <defaults>
</compile_context>

<pallas_src>
import functools

import jax
import jax.numpy as jnp
from jax import lax
from jax.experimental import pallas as pl
from jax.experimental.pallas import tpu as pltpu
from jax.experimental.pallas import tpu_sc as plsc

_NE = 1024
_D = 256
_T = 16384
_DECAY = 0.99
_EPS = 1e-05

_BT = 1024
_NBLK = _T // _BT

_NC = 2
_NS = 16
_NW = _NC * _NS
_PW = _T // _NW
_CHUNK = 64
_NCHUNK = _PW // _CHUNK


def _dist_body(x_ref, cbt_ref, cb2_ref, idx_ref, disc_ref, cnt_ref):
    xb = x_ref[...]
    dots = jnp.dot(xb, cbt_ref[...],
                   precision=jax.lax.Precision.DEFAULT)
    x2 = jnp.sum(xb * xb, axis=1, keepdims=True)
    d = (x2 + (-2.0) * dots) + cb2_ref[...]
    dmin = jnp.min(d, axis=1, keepdims=True)
    iota = lax.broadcasted_iota(jnp.int32, (_BT, _NE), 1)
    big = jnp.int32(2 ** 30)
    idx = jnp.min(jnp.where(d == dmin, iota, big), axis=1)
    idx_ref[...] = idx.reshape(1, 1, _BT)
    disc = (iota == idx[:, None]).astype(jnp.float32)
    disc_ref[...] = disc
    part = jnp.sum(disc, axis=0, keepdims=True)
    i = pl.program_id(0)

    @pl.when(i == 0)
    def _():
        cnt_ref[...] = part

    @pl.when(i > 0)
    def _():
        cnt_ref[...] = cnt_ref[...] + part


def _dist_call(xf, cbt, cb2):
    return pl.pallas_call(
        _dist_body,
        grid=(_NBLK,),
        in_specs=[
            pl.BlockSpec((_BT, _D), lambda i: (i, 0)),
            pl.BlockSpec((_D, _NE), lambda i: (0, 0)),
            pl.BlockSpec((1, _NE), lambda i: (0, 0)),
        ],
        out_specs=[
            pl.BlockSpec((1, 1, _BT), lambda i: (i, 0, 0)),
            pl.BlockSpec((_BT, _NE), lambda i: (i, 0)),
            pl.BlockSpec((1, _NE), lambda i: (0, 0)),
        ],
        out_shape=[
            jax.ShapeDtypeStruct((_NBLK, 1, _BT), jnp.int32),
            jax.ShapeDtypeStruct((_T, _NE), jnp.float32),
            jax.ShapeDtypeStruct((1, _NE), jnp.float32),
        ],
    )(xf, cbt, cb2)


def _sc_body(x_hbm, idx_hbm, cb_hbm, zsum_hbm,
             quant_hbm, psum_hbm,
             rows_v, xlo_v, xhi_v, ssum_lo, ssum_hi,
             i0, i1, i2, i3, i4, i5, i6, i7,
             semi, sg0, sg1, sx0, sx1, sq0, sq1, ss0, ss1):
    cid = lax.axis_index("c")
    sid = lax.axis_index("s")
    wid = sid * _NC + cid
    base = wid * _PW

    ibufs = [i0, i1, i2, i3, i4, i5, i6, i7]
    sg = [sg0, sg1]
    sx = [sx0, sx1]
    sq = [sq0, sq1]
    ss = [ss0, ss1]

    hidx = [pltpu.async_copy(idx_hbm.at[pl.ds(base + k * _CHUNK, _CHUNK)],
                             ibufs[k], semi)
            for k in range(_NCHUNK)]
    rows = pl.ds(sid * (_NE // _NS), _NE // _NS)
    pltpu.sync_copy(zsum_hbm.at[rows], ssum_lo.at[rows])
    pltpu.sync_copy(zsum_hbm.at[rows], ssum_hi.at[rows])
    plsc.subcore_barrier()
    for h in hidx:
        h.wait()

    hg = [None, None]
    hxl = [None, None]
    hxh = [None, None]
    hq = [None, None]
    hsl = [None, None]
    hsh = [None, None]

    def fire(ck):
        s = ck % 2
        if hq[s] is not None:
            hq[s].wait()
            hsl[s].wait()
            hsh[s].wait()
        sl = pl.ds(base + ck * _CHUNK, _CHUNK)
        hg[s] = pltpu.async_copy(cb_hbm.at[ibufs[ck]], rows_v.at[s], sg[s])
        hxl[s] = pltpu.async_copy(x_hbm.at[sl, pl.ds(0, 128)], xlo_v.at[s], sx[s])
        hxh[s] = pltpu.async_copy(x_hbm.at[sl, pl.ds(128, 128)], xhi_v.at[s], sx[s])

    fire(0)
    for ck in range(_NCHUNK):
        s = ck % 2
        if ck + 1 < _NCHUNK:
            fire(ck + 1)
        sl = pl.ds(base + ck * _CHUNK, _CHUNK)
        hg[s].wait()
        hq[s] = pltpu.async_copy(rows_v.at[s], quant_hbm.at[sl], sq[s])
        hxl[s].wait()
        hxh[s].wait()
        hsl[s] = pltpu.async_copy(xlo_v.at[s], ssum_lo.at[ibufs[ck]], ss[s],
                                  add=True)
        hsh[s] = pltpu.async_copy(xhi_v.at[s], ssum_hi.at[ibufs[ck]], ss[s],
                                  add=True)

    for s in (0, 1):
        if hq[s] is not None:
            hq[s].wait()
            hsl[s].wait()
            hsh[s].wait()

    plsc.subcore_barrier()
    pltpu.sync_copy(ssum_lo.at[rows], psum_hbm.at[cid, 0, rows])
    pltpu.sync_copy(ssum_hi.at[rows], psum_hbm.at[cid, 1, rows])


def _sc_call(xf, idx, codebook, zsum):
    mesh = plsc.VectorSubcoreMesh(core_axis_name="c", subcore_axis_name="s")
    f = functools.partial(
        pl.kernel,
        mesh=mesh,
        out_type=[
            jax.ShapeDtypeStruct((_T, _D), jnp.float32),
            jax.ShapeDtypeStruct((_NC, 2, _NE, 128), jnp.float32),
        ],
        scratch_types=(
            [
                pltpu.VMEM((2, _CHUNK, _D), jnp.float32),
                pltpu.VMEM((2, _CHUNK, 128), jnp.float32),
                pltpu.VMEM((2, _CHUNK, 128), jnp.float32),
                pltpu.VMEM_SHARED((_NE, 128), jnp.float32),
                pltpu.VMEM_SHARED((_NE, 128), jnp.float32),
            ]
            + [pltpu.VMEM((_CHUNK,), jnp.int32)] * _NCHUNK
            + [pltpu.SemaphoreType.DMA] * 9
        ),
    )(_sc_body)
    return f(xf, idx, codebook, zsum)


def _fin_body(ps_ref, pc_ref, ec_ref, ew_ref, nc_ref, nw_ref, ncb_ref):
    counts = pc_ref[...]
    nc0 = ec_ref[...] * _DECAY + counts * (1.0 - _DECAY)
    n = jnp.sum(nc0)
    ncnt = (nc0 + _EPS) / (n + _NE * _EPS) * n
    sums = jnp.concatenate(
        [ps_ref[0, 0] + ps_ref[1, 0], ps_ref[0, 1] + ps_ref[1, 1]], axis=1)
    nw = ew_ref[...] * _DECAY + sums * (1.0 - _DECAY)
    nc_ref[...] = ncnt
    nw_ref[...] = nw
    ncb_ref[...] = nw / ncnt


def _fin_call(psum, counts, ema_count, ema_weight):
    return pl.pallas_call(
        _fin_body,
        out_shape=[
            jax.ShapeDtypeStruct((_NE, 1), jnp.float32),
            jax.ShapeDtypeStruct((_NE, _D), jnp.float32),
            jax.ShapeDtypeStruct((_NE, _D), jnp.float32),
        ],
    )(psum, counts.reshape(_NE, 1), ema_count.reshape(_NE, 1), ema_weight)


def kernel(x, codebook, ema_count, ema_weight):
    xf = x.reshape(_T, _D)
    cb2 = jnp.sum(codebook ** 2, axis=1)
    idx3, discrete, counts = _dist_call(xf, codebook.T, cb2.reshape(1, _NE))
    idx = idx3.reshape(_T)

    zsum = jnp.zeros((_NE, 128), jnp.float32)
    quant, psum = _sc_call(xf, idx, codebook, zsum)

    ncnt, nw, ncb = _fin_call(psum, counts, ema_count, ema_weight)
    return (discrete, quant.reshape(x.shape), ncnt.reshape(_NE), nw, ncb)

# --- scband reference (transcript-rebuilt; emitter-appended) ---
"""Pipeline reference for scband-vector-quantizer-ema-78451872629293 (READ-ONLY COPY).

The authoritative reference and input builder live on the scoring server;
editing this copy changes nothing except your own understanding.
"""

import jax, jax.numpy as jnp
import numpy as np

NUM_EMB = 1024
EMB_DIM = 256
DECAY = 0.99
EPS = 1e-05


def setup_inputs(seed: int = 0) -> dict:
    key = jax.random.key(seed)
    k1, k2 = jax.random.split(key)
    x = jax.random.normal(k1, (16, 1024, 256), dtype=jnp.float32)
    codebook = jax.random.normal(k2, (NUM_EMB, EMB_DIM), dtype=jnp.float32) * 0.02
    ema_count = jnp.zeros((NUM_EMB,), dtype=jnp.float32)
    ema_weight = codebook  # initialized to codebook value, as in the module
    return {"x": x, "codebook": codebook, "ema_count": ema_count, "ema_weight": ema_weight}


def reference(x, codebook, ema_count, ema_weight):
    # VectorQuantizerEMA.__call__ with training=True, projection_dim=None, normalize=False
    x_flatten = x.reshape(-1, EMB_DIM)
    distances = (jnp.sum(x_flatten ** 2, axis=1, keepdims=True)
                 + (-2.0) * jnp.dot(x_flatten, codebook.T)
                 + jnp.sum(codebook ** 2, axis=1))
    idx = jnp.argmin(distances, axis=1)
    discrete = jax.nn.one_hot(idx, NUM_EMB, dtype=x.dtype)
    quantized = jnp.dot(discrete, codebook)
    quantized = quantized.reshape(x.shape)
    # EMA state update (stop_gradient side effect in the module)
    new_count = ema_count * DECAY + jnp.sum(discrete, axis=0) * (1.0 - DECAY)
    n = jnp.sum(new_count)
    new_count = (new_count + EPS) / (n + NUM_EMB * EPS) * n
    new_weight = ema_weight * DECAY + jnp.dot(discrete.T, x_flatten) * (1.0 - DECAY)
    new_codebook = new_weight / new_count[:, None]
    new_count = jax.lax.stop_gradient(new_count)
    new_weight = jax.lax.stop_gradient(new_weight)
    new_codebook = jax.lax.stop_gradient(new_codebook)
    return (discrete, quantized, new_count, new_weight, new_codebook)

if __name__ == "__main__":
    import jax
    _d = setup_inputs()
    print(jax.jit(kernel)(*tuple(_d.values())))

</pallas_src>

<mosaic_0001>
#map = affine_map<(d0, d1) -> (0, 0)>
#map1 = affine_map<(d0, d1) -> (0)>
#map2 = affine_map<(d0, d1) -> (0, 0, 0, 0)>
module attributes {stable_mosaic.version = 14 : i64} {
  func.func @_sc_body(%arg0: i32, %arg1: i32, %arg2: memref<16384x256xf32, #tpu.memory_space<hbm>>, %arg3: memref<16384xi32, #tpu.memory_space<hbm>>, %arg4: memref<1024x256xf32, #tpu.memory_space<hbm>>, %arg5: memref<1024x128xf32, #tpu.memory_space<hbm>>, %arg6: memref<16384x256xf32, #tpu.memory_space<hbm>>, %arg7: memref<2x2x1024x128xf32, #tpu.memory_space<hbm>>, %arg8: memref<2x64x256xf32, #tpu.memory_space<vmem>>, %arg9: memref<2x64x128xf32, #tpu.memory_space<vmem>>, %arg10: memref<2x64x128xf32, #tpu.memory_space<vmem>>, %arg11: memref<1024x128xf32, #tpu.memory_space<vmem_shared>>, %arg12: memref<1024x128xf32, #tpu.memory_space<vmem_shared>>, %arg13: memref<64xi32, #tpu.memory_space<vmem>>, %arg14: memref<64xi32, #tpu.memory_space<vmem>>, %arg15: memref<64xi32, #tpu.memory_space<vmem>>, %arg16: memref<64xi32, #tpu.memory_space<vmem>>, %arg17: memref<64xi32, #tpu.memory_space<vmem>>, %arg18: memref<64xi32, #tpu.memory_space<vmem>>, %arg19: memref<64xi32, #tpu.memory_space<vmem>>, %arg20: memref<64xi32, #tpu.memory_space<vmem>>, %arg21: memref<!tpu.dma_semaphore, #tpu.memory_space<semaphore_mem>>, %arg22: memref<!tpu.dma_semaphore, #tpu.memory_space<semaphore_mem>>, %arg23: memref<!tpu.dma_semaphore, #tpu.memory_space<semaphore_mem>>, %arg24: memref<!tpu.dma_semaphore, #tpu.memory_space<semaphore_mem>>, %arg25: memref<!tpu.dma_semaphore, #tpu.memory_space<semaphore_mem>>, %arg26: memref<!tpu.dma_semaphore, #tpu.memory_space<semaphore_mem>>, %arg27: memref<!tpu.dma_semaphore, #tpu.memory_space<semaphore_mem>>, %arg28: memref<!tpu.dma_semaphore, #tpu.memory_space<semaphore_mem>>, %arg29: memref<!tpu.dma_semaphore, #tpu.memory_space<semaphore_mem>>) attributes {dimension_semantics = [#tpu.dimension_semantics<core_parallel>, #tpu.dimension_semantics<subcore_parallel>], iteration_bounds = array<i64: 2, 16>, scalar_prefetch = 0 : i64, scratch_operands = 22 : i64, tpu.core_type = #tpu.core_type<sc_vector_subcore>, window_params = [{transform_indices = #map}, {transform_indices = #map1}, {transform_indices = #map}, {transform_indices = #map}, {transform_indices = #map}, {transform_indices = #map2}]} {
    %mul3A = arith.constant 2 : i32
    %mul3A_0 = arith.muli %arg1, %mul3A : i32
    %add3A = arith.addi %mul3A_0, %arg0 : i32
    %mul3A_1 = arith.constant 512 : i32
    %mul3A_2 = arith.muli %add3A, %mul3A_1 : i32
    %add3A_3 = arith.constant 0 : i32
    %add3A_4 = arith.addi %mul3A_2, %add3A_3 : i32
    %dma_start3A = tpu.memref_slice %arg3[%add3A_4] : memref<16384xi32, #tpu.memory_space<hbm>> -> memref<64xi32, #tpu.memory_space<hbm>>
    %dma_start3A_5 = tpu.memref_slice %arg3[%add3A_4] : memref<16384xi32, #tpu.memory_space<hbm>> -> memref<64xi32, #tpu.memory_space<hbm>>
    tpu.enqueue_dma source(%dma_start3A_5 : memref<64xi32, #tpu.memory_space<hbm>>) target(%arg13 : memref<64xi32, #tpu.memory_space<vmem>>) target_semaphore(%arg21 : memref<!tpu.dma_semaphore, #tpu.memory_space<semaphore_mem>>)
    %add3A_6 = arith.constant 64 : i32
    %add3A_7 = arith.addi %mul3A_2, %add3A_6 : i32
    %dma_start3A_8 = tpu.memref_slice %arg3[%add3A_7] : memref<16384xi32, #tpu.memory_space<hbm>> -> memref<64xi32, #tpu.memory_space<hbm>>
    %dma_start3A_9 = tpu.memref_slice %arg3[%add3A_7] : memref<16384xi32, #tpu.memory_space<hbm>> -> memref<64xi32, #tpu.memory_space<hbm>>
    tpu.enqueue_dma source(%dma_start3A_9 : memref<64xi32, #tpu.memory_space<hbm>>) target(%arg14 : memref<64xi32, #tpu.memory_space<vmem>>) target_semaphore(%arg21 : memref<!tpu.dma_semaphore, #tpu.memory_space<semaphore_mem>>)
    %add3A_10 = arith.constant 128 : i32
    %add3A_11 = arith.addi %mul3A_2, %add3A_10 : i32
    %dma_start3A_12 = tpu.memref_slice %arg3[%add3A_11] : memref<16384xi32, #tpu.memory_space<hbm>> -> memref<64xi32, #tpu.memory_space<hbm>>
    %dma_start3A_13 = tpu.memref_slice %arg3[%add3A_11] : memref<16384xi32, #tpu.memory_space<hbm>> -> memref<64xi32, #tpu.memory_space<hbm>>
    tpu.enqueue_dma source(%dma_start3A_13 : memref<64xi32, #tpu.memory_space<hbm>>) target(%arg15 : memref<64xi32, #tpu.memory_space<vmem>>) target_semaphore(%arg21 : memref<!tpu.dma_semaphore, #tpu.memory_space<semaphore_mem>>)
    %add3A_14 = arith.constant 192 : i32
    %add3A_15 = arith.addi %mul3A_2, %add3A_14 : i32
    %dma_start3A_16 = tpu.memref_slice %arg3[%add3A_15] : memref<16384xi32, #tpu.memory_space<hbm>> -> memref<64xi32, #tpu.memory_space<hbm>>
    %dma_start3A_17 = tpu.memref_slice %arg3[%add3A_15] : memref<16384xi32, #tpu.memory_space<hbm>> -> memref<64xi32, #tpu.memory_space<hbm>>
    tpu.enqueue_dma source(%dma_start3A_17 : memref<64xi32, #tpu.memory_space<hbm>>) target(%arg16 : memref<64xi32, #tpu.memory_space<vmem>>) target_semaphore(%arg21 : memref<!tpu.dma_semaphore, #tpu.memory_space<semaphore_mem>>)
    %add3A_18 = arith.constant 256 : i32
    %add3A_19 = arith.addi %mul3A_2, %add3A_18 : i32
    %dma_start3A_20 = tpu.memref_slice %arg3[%add3A_19] : memref<16384xi32, #tpu.memory_space<hbm>> -> memref<64xi32, #tpu.memory_space<hbm>>
    %dma_start3A_21 = tpu.memref_slice %arg3[%add3A_19] : memref<16384xi32, #tpu.memory_space<hbm>> -> memref<64xi32, #tpu.memory_space<hbm>>
    tpu.enqueue_dma source(%dma_start3A_21 : memref<64xi32, #tpu.memory_space<hbm>>) target(%arg17 : memref<64xi32, #tpu.memory_space<vmem>>) target_semaphore(%arg21 : memref<!tpu.dma_semaphore, #tpu.memory_space<semaphore_mem>>)
    %add3A_22 = arith.constant 320 : i32
    %add3A_23 = arith.addi %mul3A_2, %add3A_22 : i32
    %dma_start3A_24 = tpu.memref_slice %arg3[%add3A_23] : memref<16384xi32, #tpu.memory_space<hbm>> -> memref<64xi32, #tpu.memory_space<hbm>>
    %dma_start3A_25 = tpu.memref_slice %arg3[%add3A_23] : memref<16384xi32, #tpu.memory_space<hbm>> -> memref<64xi32, #tpu.memory_space<hbm>>
    tpu.enqueue_dma source(%dma_start3A_25 : memref<64xi32, #tpu.memory_space<hbm>>) target(%arg18 : memref<64xi32, #tpu.memory_space<vmem>>) target_semaphore(%arg21 : memref<!tpu.dma_semaphore, #tpu.memory_space<semaphore_mem>>)
    %add3A_26 = arith.constant 384 : i32
    %add3A_27 = arith.addi %mul3A_2, %add3A_26 : i32
    %dma_start3A_28 = tpu.memref_slice %arg3[%add3A_27] : memref<16384xi32, #tpu.memory_space<hbm>> -> memref<64xi32, #tpu.memory_space<hbm>>
    %dma_start3A_29 = tpu.memref_slice %arg3[%add3A_27] : memref<16384xi32, #tpu.memory_space<hbm>> -> memref<64xi32, #tpu.memory_space<hbm>>
    tpu.enqueue_dma source(%dma_start3A_29 : memref<64xi32, #tpu.memory_space<hbm>>) target(%arg19 : memref<64xi32, #tpu.memory_space<vmem>>) target_semaphore(%arg21 : memref<!tpu.dma_semaphore, #tpu.memory_space<semaphore_mem>>)
    %add3A_30 = arith.constant 448 : i32
    %add3A_31 = arith.addi %mul3A_2, %add3A_30 : i32
    %dma_start3A_32 = tpu.memref_slice %arg3[%add3A_31] : memref<16384xi32, #tpu.memory_space<hbm>> -> memref<64xi32, #tpu.memory_space<hbm>>
    %dma_start3A_33 = tpu.memref_slice %arg3[%add3A_31] : memref<16384xi32, #tpu.memory_space<hbm>> -> memref<64xi32, #tpu.memory_space<hbm>>
    tpu.enqueue_dma source(%dma_start3A_33 : memref<64xi32, #tpu.memory_space<hbm>>) target(%arg20 : memref<64xi32, #tpu.memory_space<vmem>>) target_semaphore(%arg21 : memref<!tpu.dma_semaphore, #tpu.memory_space<semaphore_mem>>)
    %mul3A_34 = arith.constant 64 : i32
    %mul3A_35 = arith.muli %arg1, %mul3A_34 : i32
    "tpu.region"() ({
      %run_scoped3A_1093 = tpu.sem_alloc : memref<!tpu.dma_semaphore, #tpu.memory_space<semaphore_mem>>
      %dma_start3A_1094 = arith.constant 0 : i32
      %dma_start3A_1095 = tpu.memref_slice %arg11[%mul3A_35, %dma_start3A_1094] : memref<1024x128xf32, #tpu.memory_space<vmem_shared>> -> memref<64x128xf32, #tpu.memory_space<vmem_shared>>
      %dma_start3A_1096 = arith.constant 0 : i32
      %dma_start3A_1097 = tpu.memref_slice %arg5[%mul3A_35, %dma_start3A_1096] : memref<1024x128xf32, #tpu.memory_space<hbm>> -> memref<64x128xf32, #tpu.memory_space<hbm>>
      tpu.enqueue_dma source(%dma_start3A_1097 : memref<64x128xf32, #tpu.memory_space<hbm>>) target(%dma_start3A_1095 : memref<64x128xf32, #tpu.memory_space<vmem_shared>>) target_semaphore(%run_scoped3A_1093 : memref<!tpu.dma_semaphore, #tpu.memory_space<semaphore_mem>>)
      %dma_wait3A_1098 = arith.constant 0 : i32
      %dma_wait3A_1099 = tpu.memref_slice %arg11[%mul3A_35, %dma_wait3A_1098] : memref<1024x128xf32, #tpu.memory_space<vmem_shared>> -> memref<64x128xf32, #tpu.memory_space<vmem_shared>>
      %dma_wait3A_1100 = arith.constant 0 : i32
      %dma_wait3A_1101 = tpu.memref_slice %arg5[%mul3A_35, %dma_wait3A_1100] : memref<1024x128xf32, #tpu.memory_space<hbm>> -> memref<64x128xf32, #tpu.memory_space<hbm>>
      tpu.wait_dma2 semaphore(%run_scoped3A_1093 : memref<!tpu.dma_semaphore, #tpu.memory_space<semaphore_mem>>) src(%dma_wait3A_1101 : memref<64x128xf32, #tpu.memory_space<hbm>>) dst(%dma_wait3A_1099 : memref<64x128xf32, #tpu.memory_space<vmem_shared>>)
      tpu.yield
    }) : () -> ()
    "tpu.region"() ({
      %run_scoped3A_1093 = tpu.sem_alloc : memref<!tpu.dma_semaphore, #tpu.memory_space<semaphore_mem>>
      %dma_start3A_1094 = arith.constant 0 : i32
      %dma_start3A_1095 = tpu.memref_slice %arg12[%mul3A_35, %dma_start3A_1094] : memref<1024x128xf32, #tpu.memory_space<vmem_shared>> -> memref<64x128xf32, #tpu.memory_space<vmem_shared>>
      %dma_start3A_1096 = arith.constant 0 : i32
      %dma_start3A_1097 = tpu.memref_slice %arg5[%mul3A_35, %dma_start3A_1096] : memref<1024x128xf32, #tpu.memory_space<hbm>> -> memref<64x128xf32, #tpu.memory_space<hbm>>
      tpu.enqueue_dma source(%dma_start3A_1097 : memref<64x128xf32, #tpu.memory_space<hbm>>) target(%dma_start3A_1095 : memref<64x128xf32, #tpu.memory_space<vmem_shared>>) target_semaphore(%run_scoped3A_1093 : memref<!tpu.dma_semaphore, #tpu.memory_space<semaphore_mem>>)
      %dma_wait3A_1098 = arith.constant 0 : i32
      %dma_wait3A_1099 = tpu.memref_slice %arg12[%mul3A_35, %dma_wait3A_1098] : memref<1024x128xf32, #tpu.memory_space<vmem_shared>> -> memref<64x128xf32, #tpu.memory_space<vmem_shared>>
      %dma_wait3A_1100 = arith.constant 0 : i32
      %dma_wait3A_1101 = tpu.memref_slice %arg5[%mul3A_35, %dma_wait3A_1100] : memref<1024x128xf32, #tpu.memory_space<hbm>> -> memref<64x128xf32, #tpu.memory_space<hbm>>
      tpu.wait_dma2 semaphore(%run_scoped3A_1093 : memref<!tpu.dma_semaphore, #tpu.memory_space<semaphore_mem>>) src(%dma_wait3A_1101 : memref<64x128xf32, #tpu.memory_space<hbm>>) dst(%dma_wait3A_1099 : memref<64x128xf32, #tpu.memory_space<vmem_shared>>)
      tpu.yield
    }) : () -> ()
    %barrier3A = arith.constant 0 : index
    tpu.barrier barrier_id(%barrier3A)
    %dma_wait3A = tpu.memref_slice %arg3[%add3A_4] : memref<16384xi32, #tpu.memory_space<hbm>> -> memref<64xi32, #tpu.memory_space<hbm>>
    %dma_wait3A_36 = tpu.memref_slice %arg3[%add3A_4] : memref<16384xi32, #tpu.memory_space<hbm>> -> memref<64xi32, #tpu.memory_space<hbm>>
    tpu.wait_dma2 semaphore(%arg21 : memref<!tpu.dma_semaphore, #tpu.memory_space<semaphore_mem>>) src(%dma_wait3A_36 : memref<64xi32, #tpu.memory_space<hbm>>) dst(%arg13 : memref<64xi32, #tpu.memory_space<vmem>>)
    %dma_wait3A_37 = tpu.memref_slice %arg3[%add3A_7] : memref<16384xi32, #tpu.memory_space<hbm>> -> memref<64xi32, #tpu.memory_space<hbm>>
    %dma_wait3A_38 = tpu.memref_slice %arg3[%add3A_7] : memref<16384xi32, #tpu.memory_space<hbm>> -> memref<64xi32, #tpu.memory_space<hbm>>
    tpu.wait_dma2 semaphore(%arg21 : memref<!tpu.dma_semaphore, #tpu.memory_space<semaphore_mem>>) src(%dma_wait3A_38 : memref<64xi32, #tpu.memory_space<hbm>>) dst(%arg14 : memref<64xi32, #tpu.memory_space<vmem>>)
    %dma_wait3A_39 = tpu.memref_slice %arg3[%add3A_11] : memref<16384xi32, #tpu.memory_space<hbm>> -> memref<64xi32, #tpu.memory_space<hbm>>
    %dma_wait3A_40 = tpu.memref_slice %arg3[%add3A_11] : memref<16384xi32, #tpu.memory_space<hbm>> -> memref<64xi32, #tpu.memory_space<hbm>>
    tpu.wait_dma2 semaphore(%arg21 : memref<!tpu.dma_semaphore, #tpu.memory_space<semaphore_mem>>) src(%dma_wait3A_40 : memref<64xi32, #tpu.memory_space<hbm>>) dst(%arg15 : memref<64xi32, #tpu.memory_space<vmem>>)
    %dma_wait3A_41 = tpu.memref_slice %arg3[%add3A_15] : memref<16384xi32, #tpu.memory_space<hbm>> -> memref<64xi32, #tpu.memory_space<hbm>>
    %dma_wait3A_42 = tpu.memref_slice %arg3[%add3A_15] : memref<16384xi32, #tpu.memory_space<hbm>> -> memref<64xi32, #tpu.memory_space<hbm>>
    tpu.wait_dma2 semaphore(%arg21 : memref<!tpu.dma_semaphore, #tpu.memory_space<semaphore_mem>>) src(%dma_wait3A_42 : memref<64xi32, #tpu.memory_space<hbm>>) dst(%arg16 : memref<64xi32, #tpu.memory_space<vmem>>)
    %dma_wait3A_43 = tpu.memref_slice %arg3[%add3A_19] : memref<16384xi32, #tpu.memory_space<hbm>> -> memref<64xi32, #tpu.memory_space<hbm>>
    %dma_wait3A_44 = tpu.memref_slice %arg3[%add3A_19] : memref<16384xi32, #tpu.memory_space<hbm>> -> memref<64xi32, #tpu.memory_space<hbm>>
    tpu.wait_dma2 semaphore(%arg21 : memref<!tpu.dma_semaphore, #tpu.memory_space<semaphore_mem>>) src(%dma_wait3A_44 : memref<64xi32, #tpu.memory_space<hbm>>) dst(%arg17 : memref<64xi32, #tpu.memory_space<vmem>>)
    %dma_wait3A_45 = tpu.memref_slice %arg3[%add3A_23] : memref<16384xi32, #tpu.memory_space<hbm>> -> memref<64xi32, #tpu.memory_space<hbm>>
    %dma_wait3A_46 = tpu.memref_slice %arg3[%add3A_23] : memref<16384xi32, #tpu.memory_space<hbm>> -> memref<64xi32, #tpu.memory_space<hbm>>
    tpu.wait_dma2 semaphore(%arg21 : memref<!tpu.dma_semaphore, #tpu.memory_space<semaphore_mem>>) src(%dma_wait3A_46 : memref<64xi32, #tpu.memory_space<hbm>>) dst(%arg18 : memref<64xi32, #tpu.memory_space<vmem>>)
    %dma_wait3A_47 = tpu.memref_slice %arg3[%add3A_27] : memref<16384xi32, #tpu.memory_space<hbm>> -> memref<64xi32, #tpu.memory_space<hbm>>
    %dma_wait3A_48 = tpu.memref_slice %arg3[%add3A_27] : memref<16384xi32, #tpu.memory_space<hbm>> -> memref<64xi32, #tpu.memory_space<hbm>>
    tpu.wait_dma2 semaphore(%arg21 : memref<!tpu.dma_semaphore, #tpu.memory_space<semaphore_mem>>) src(%dma_wait3A_48 : memref<64xi32, #tpu.memory_space<hbm>>) dst(%arg19 : memref<64xi32, #tpu.memory_space<vmem>>)
    %dma_wait3A_49 = tpu.memref_slice %arg3[%add3A_31] : memref<16384xi32, #tpu.memory_space<hbm>> -> memref<64xi32, #tpu.memory_space<hbm>>
    %dma_wait3A_50 = tpu.memref_slice %arg3[%add3A_31] : memref<16384xi32, #tpu.memory_space<hbm>> -> memref<64xi32, #tpu.memory_space<hbm>>
    tpu.wait_dma2 semaphore(%arg21 : memref<!tpu.dma_semaphore, #tpu.memory_space<semaphore_mem>>) src(%dma_wait3A_50 : memref<64xi32, #tpu.memory_space<hbm>>) dst(%arg20 : memref<64xi32, #tpu.memory_space<vmem>>)
    %add3A_51 = arith.constant 0 : i32
    %add3A_52 = arith.addi %mul3A_2, %add3A_51 : i32
    %dma_start3A_53 = arith.constant 0 : i32
    %dma_start3A_54 = arith.constant 0 : i32
    %dma_start3A_55 = arith.constant 0 : i32
    %dma_start3A_56 = tpu.memref_slice %arg8[%dma_start3A_53, %dma_start3A_54, %dma_start3A_55] : memref<2x64x256xf32, #tpu.memory_space<vmem>> -> memref<1x64x256xf32, #tpu.memory_space<vmem>>
    %dma_start3A_57 = tpu.memref_squeeze %dma_start3A_56 : memref<1x64x256xf32, #tpu.memory_space<vmem>> -> memref<64x256xf32, #tpu.memory_space<vmem>>
    %dma_start3A_58 = arith.constant 0 : i32
    %dma_start3A_59 = arith.constant 0 : i32
    %dma_start3A_60 = tpu.memref_slice %arg4[%dma_start3A_58, %dma_start3A_59] : memref<1024x256xf32, #tpu.memory_space<hbm>> -> memref<1024x256xf32, #tpu.memory_space<hbm>>
    tpu.enqueue_indirect_dma source(%dma_start3A_60 : memref<1024x256xf32, #tpu.memory_space<hbm>>) target(%dma_start3A_57 : memref<64x256xf32, #tpu.memory_space<vmem>>) offsets(%arg13 : memref<64xi32, #tpu.memory_space<vmem>>) semaphore(%arg22 : memref<!tpu.dma_semaphore, #tpu.memory_space<semaphore_mem>>)
    %dma_start3A_61 = arith.constant 0 : i32
    %dma_start3A_62 = arith.constant 0 : i32
    %dma_start3A_63 = arith.constant 0 : i32
    %dma_start3A_64 = tpu.memref_slice %arg9[%dma_start3A_61, %dma_start3A_62, %dma_start3A_63] : memref<2x64x128xf32, #tpu.memory_space<vmem>> -> memref<1x64x128xf32, #tpu.memory_space<vmem>>
    %dma_start3A_65 = tpu.memref_squeeze %dma_start3A_64 : memref<1x64x128xf32, #tpu.memory_space<vmem>> -> memref<64x128xf32, #tpu.memory_space<vmem>>
    %dma_start3A_66 = arith.constant 0 : i32
    %dma_start3A_67 = tpu.memref_slice %arg2[%add3A_52, %dma_start3A_66] : memref<16384x256xf32, #tpu.memory_space<hbm>> -> memref<64x128xf32, #tpu.memory_space<hbm>>
    %dma_start3A_68 = arith.constant 0 : i32
    %dma_start3A_69 = arith.constant 0 : i32
    %dma_start3A_70 = tpu.memref_slice %arg9[%dma_start3A_61, %dma_start3A_68, %dma_start3A_69] : memref<2x64x128xf32, #tpu.memory_space<vmem>> -> memref<1x64x128xf32, #tpu.memory_space<vmem>>
    %dma_start3A_71 = tpu.memref_squeeze %dma_start3A_70 : memref<1x64x128xf32, #tpu.memory_space<vmem>> -> memref<64x128xf32, #tpu.memory_space<vmem>>
    %dma_start3A_72 = arith.constant 0 : i32
    %dma_start3A_73 = tpu.memref_slice %arg2[%add3A_52, %dma_start3A_72] : memref<16384x256xf32, #tpu.memory_space<hbm>> -> memref<64x128xf32, #tpu.memory_space<hbm>>
    tpu.enqueue_dma source(%dma_start3A_73 : memref<64x128xf32, #tpu.memory_space<hbm>>) target(%dma_start3A_71 : memref<64x128xf32, #tpu.memory_space<vmem>>) target_semaphore(%arg24 : memref<!tpu.dma_semaphore, #tpu.memory_space<semaphore_mem>>)
    %dma_start3A_74 = arith.constant 0 : i32
    %dma_start3A_75 = arith.constant 0 : i32
    %dma_start3A_76 = arith.constant 0 : i32
    %dma_start3A_77 = tpu.memref_slice %arg10[%dma_start3A_74, %dma_start3A_75, %dma_start3A_76] : memref<2x64x128xf32, #tpu.memory_space<vmem>> -> memref<1x64x128xf32, #tpu.memory_space<vmem>>
    %dma_start3A_78 = tpu.memref_squeeze %dma_start3A_77 : memref<1x64x128xf32, #tpu.memory_space<vmem>> -> memref<64x128xf32, #tpu.memory_space<vmem>>
    %dma_start3A_79 = arith.constant 128 : i32
    %dma_start3A_80 = tpu.memref_slice %arg2[%add3A_52, %dma_start3A_79] : memref<16384x256xf32, #tpu.memory_space<hbm>> -> memref<64x128xf32, #tpu.memory_space<hbm>>
    %dma_start3A_81 = arith.constant 0 : i32
    %dma_start3A_82 = arith.constant 0 : i32
    %dma_start3A_83 = tpu.memref_slice %arg10[%dma_start3A_74, %dma_start3A_81, %dma_start3A_82] : memref<2x64x128xf32, #tpu.memory_space<vmem>> -> memref<1x64x128xf32, #tpu.memory_space<vmem>>
    %dma_start3A_84 = tpu.memref_squeeze %dma_start3A_83 : memref<1x64x128xf32, #tpu.memory_space<vmem>> -> memref<64x128xf32, #tpu.memory_space<vmem>>
    %dma_start3A_85 = arith.constant 128 : i32
    %dma_start3A_86 = tpu.memref_slice %arg2[%add3A_52, %dma_start3A_85] : memref<16384x256xf32, #tpu.memory_space<hbm>> -> memref<64x128xf32, #tpu.memory_space<hbm>>
    tpu.enqueue_dma source(%dma_start3A_86 : memref<64x128xf32, #tpu.memory_space<hbm>>) target(%dma_start3A_84 : memref<64x128xf32, #tpu.memory_space<vmem>>) target_semaphore(%arg24 : memref<!tpu.dma_semaphore, #tpu.memory_space<semaphore_mem>>)
    %add3A_87 = arith.constant 64 : i32
    %add3A_88 = arith.addi %mul3A_2, %add3A_87 : i32
    %dma_start3A_89 = arith.constant 1 : i32
    %dma_start3A_90 = arith.constant 0 : i32
    %dma_start3A_91 = arith.constant 0 : i32
    %dma_start3A_92 = tpu.memref_slice %arg8[%dma_start3A_89, %dma_start3A_90, %dma_start3A_91] : memref<2x64x256xf32, #tpu.memory_space<vmem>> -> memref<1x64x256xf32, #tpu.memory_space<vmem>>
    %dma_start3A_93 = tpu.memref_squeeze %dma_start3A_92 : memref<1x64x256xf32, #tpu.memory_space<vmem>> -> memref<64x256xf32, #tpu.memory_space<vmem>>
    %dma_start3A_94 = arith.constant 0 : i32
    %dma_start3A_95 = arith.constant 0 : i32
    %dma_start3A_96 = tpu.memref_slice %arg4[%dma_start3A_94, %dma_start3A_95] : memref<1024x256xf32, #tpu.memory_space<hbm>> -> memref<1024x256xf32, #tpu.memory_space<hbm>>
    tpu.enqueue_indirect_dma source(%dma_start3A_96 : memref<1024x256xf32, #tpu.memory_space<hbm>>) target(%dma_start3A_93 : memref<64x256xf32, #tpu.memory_space<vmem>>) offsets(%arg14 : memref<64xi32, #tpu.memory_space<vmem>>) semaphore(%arg23 : memref<!tpu.dma_semaphore, #tpu.memory_space<semaphore_mem>>)
    %dma_start3A_97 = arith.constant 1 : i32
    %dma_start3A_98 = arith.constant 0 : i32
    %dma_start3A_99 = arith.constant 0 : i32
    %dma_start3A_100 = tpu.memref_slice %arg9[%dma_start3A_97, %dma_start3A_98, %dma_start3A_99] : memref<2x64x128xf32, #tpu.memory_space<vmem>> -> memref<1x64x128xf32, #tpu.memory_space<vmem>>
    %dma_start3A_101 = tpu.memref_squeeze %dma_start3A_100 : memref<1x64x128xf32, #tpu.memory_space<vmem>> -> memref<64x128xf32, #tpu.memory_space<vmem>>
    %dma_start3A_102 = arith.constant 0 : i32
    %dma_start3A_103 = tpu.memref_slice %arg2[%add3A_88, %dma_start3A_102] : memref<16384x256xf32, #tpu.memory_space<hbm>> -> memref<64x128xf32, #tpu.memory_space<hbm>>
    %dma_start3A_104 = arith.constant 0 : i32
    %dma_start3A_105 = arith.constant 0 : i32
    %dma_start3A_106 = tpu.memref_slice %arg9[%dma_start3A_97, %dma_start3A_104, %dma_start3A_105] : memref<2x64x128xf32, #tpu.memory_space<vmem>> -> memref<1x64x128xf32, #tpu.memory_space<vmem>>
    %dma_start3A_107 = tpu.memref_squeeze %dma_start3A_106 : memref<1x64x128xf32, #tpu.memory_space<vmem>> -> memref<64x128xf32, #tpu.memory_space<vmem>>
    %dma_start3A_108 = arith.constant 0 : i32
    %dma_start3A_109 = tpu.memref_slice %arg2[%add3A_88, %dma_start3A_108] : memref<16384x256xf32, #tpu.memory_space<hbm>> -> memref<64x128xf32, #tpu.memory_space<hbm>>
    tpu.enqueue_dma source(%dma_start3A_109 : memref<64x128xf32, #tpu.memory_space<hbm>>) target(%dma_start3A_107 : memref<64x128xf32, #tpu.memory_space<vmem>>) target_semaphore(%arg25 : memref<!tpu.dma_semaphore, #tpu.memory_space<semaphore_mem>>)
    %dma_start3A_110 = arith.constant 1 : i32
    %dma_start3A_111 = arith.constant 0 : i32
    %dma_start3A_112 = arith.constant 0 : i32
    %dma_start3A_113 = tpu.memref_slice %arg10[%dma_start3A_110, %dma_start3A_111, %dma_start3A_112] : memref<2x64x128xf32, #tpu.memory_space<vmem>> -> memref<1x64x128xf32, #tpu.memory_space<vmem>>
    %dma_start3A_114 = tpu.memref_squeeze %dma_start3A_113 : memref<1x64x128xf32, #tpu.memory_space<vmem>> -> memref<64x128xf32, #tpu.memory_space<vmem>>
    %dma_start3A_115 = arith.constant 128 : i32
    %dma_start3A_116 = tpu.memref_slice %arg2[%add3A_88, %dma_start3A_115] : memref<16384x256xf32, #tpu.memory_space<hbm>> -> memref<64x128xf32, #tpu.memory_space<hbm>>
    %dma_start3A_117 = arith.constant 0 : i32
    %dma_start3A_118 = arith.constant 0 : i32
    %dma_start3A_119 = tpu.memref_slice %arg10[%dma_start3A_110, %dma_start3A_117, %dma_start3A_118] : memref<2x64x128xf32, #tpu.memory_space<vmem>> -> memref<1x64x128xf32, #tpu.memory_space<vmem>>
    %dma_start3A_120 = tpu.memref_squeeze %dma_start3A_119 : memref<1x64x128xf32, #tpu.memory_space<vmem>> -> memref<64x128xf32, #tpu.memory_space<vmem>>
    %dma_start3A_121 = arith.constant 128 : i32
    %dma_start3A_122 = tpu.memref_slice %arg2[%add3A_88, %dma_start3A_121] : memref<16384x256xf32, #tpu.memory_space<hbm>> -> memref<64x128xf32, #tpu.memory_space<hbm>>
    tpu.enqueue_dma source(%dma_start3A_122 : memref<64x128xf32, #tpu.memory_space<hbm>>) target(%dma_start3A_120 : memref<64x128xf32, #tpu.memory_space<vmem>>) target_semaphore(%arg25 : memref<!tpu.dma_semaphore, #tpu.memory_space<semaphore_mem>>)
    %add3A_123 = arith.constant 0 : i32
    %add3A_124 = arith.addi %mul3A_2, %add3A_123 : i32
    %dma_wait3A_125 = arith.constant 0 : i32
    %dma_wait3A_126 = arith.constant 0 : i32
    %dma_wait3A_127 = arith.constant 0 : i32
    %dma_wait3A_128 = tpu.memref_slice %arg8[%dma_wait3A_125, %dma_wait3A_126, %dma_wait3A_127] : memref<2x64x256xf32, #tpu.memory_space<vmem>> -> memref<1x64x256xf32, #tpu.memory_space<vmem>>
    %dma_wait3A_129 = tpu.memref_squeeze %dma_wait3A_128 : memref<1x64x256xf32, #tpu.memory_space<vmem>> -> memref<64x256xf32, #tpu.memory_space<vmem>>
    %dma_wait3A_130 = arith.constant 0 : i32
    %dma_wait3A_131 = arith.constant 0 : i32
    %dma_wait3A_132 = tpu.memref_slice %arg4[%dma_wait3A_130, %dma_wait3A_131] : memref<1024x256xf32, #tpu.memory_space<hbm>> -> memref<1024x256xf32, #tpu.memory_space<hbm>>
    tpu.wait_indirect_dma semaphore(%arg22 : memref<!tpu.dma_semaphore, #tpu.memory_space<semaphore_mem>>) src(%dma_wait3A_132 : memref<1024x256xf32, #tpu.memory_space<hbm>>) dst(%dma_wait3A_129 : memref<64x256xf32, #tpu.memory_space<vmem>>)
    %dma_start3A_133 = arith.constant 0 : i32
    %dma_start3A_134 = arith.constant 0 : i32
    %dma_start3A_135 = arith.constant 0 : i32
    %dma_start3A_136 = tpu.memref_slice %arg8[%dma_start3A_133, %dma_start3A_134, %dma_start3A_135] : memref<2x64x256xf32, #tpu.memory_space<vmem>> -> memref<1x64x256xf32, #tpu.memory_space<vmem>>
    %dma_start3A_137 = tpu.memref_squeeze %dma_start3A_136 : memref<1x64x256xf32, #tpu.memory_space<vmem>> -> memref<64x256xf32, #tpu.memory_space<vmem>>
    %dma_start3A_138 = arith.constant 0 : i32
    %dma_start3A_139 = tpu.memref_slice %arg6[%add3A_124, %dma_start3A_138] : memref<16384x256xf32, #tpu.memory_space<hbm>> -> memref<64x256xf32, #tpu.memory_space<hbm>>
    %dma_start3A_140 = arith.constant 0 : i32
    %dma_start3A_141 = tpu.memref_slice %arg6[%add3A_124, %dma_start3A_140] : memref<16384x256xf32, #tpu.memory_space<hbm>> -> memref<64x256xf32, #tpu.memory_space<hbm>>
    %dma_start3A_142 = arith.constant 0 : i32
    %dma_start3A_143 = arith.constant 0 : i32
    %dma_start3A_144 = tpu.memref_slice %arg8[%dma_start3A_133, %dma_start3A_142, %dma_start3A_143] : memref<2x64x256xf32, #tpu.memory_space<vmem>> -> memref<1x64x256xf32, #tpu.memory_space<vmem>>
    %dma_start3A_145 = tpu.memref_squeeze %dma_start3A_144 : memref<1x64x256xf32, #tpu.memory_space<vmem>> -> memref<64x256xf32, #tpu.memory_space<vmem>>
    tpu.enqueue_dma source(%dma_start3A_145 : memref<64x256xf32, #tpu.memory_space<vmem>>) target(%dma_start3A_141 : memref<64x256xf32, #tpu.memory_space<hbm>>) target_semaphore(%arg26 : memref<!tpu.dma_semaphore, #tpu.memory_space<semaphore_mem>>)
    %dma_wait3A_146 = arith.constant 0 : i32
    %dma_wait3A_147 = arith.constant 0 : i32
    %dma_wait3A_148 = arith.constant 0 : i32
    %dma_wait3A_149 = tpu.memref_slice %arg9[%dma_wait3A_146, %dma_wait3A_147, %dma_wait3A_148] : memref<2x64x128xf32, #tpu.memory_space<vmem>> -> memref<1x64x128xf32, #tpu.memory_space<vmem>>
    %dma_wait3A_150 = tpu.memref_squeeze %dma_wait3A_149 : memref<1x64x128xf32, #tpu.memory_space<vmem>> -> memref<64x128xf32, #tpu.memory_space<vmem>>
    %dma_wait3A_151 = arith.constant 0 : i32
    %dma_wait3A_152 = tpu.memref_slice %arg2[%add3A_52, %dma_wait3A_151] : memref<16384x256xf32, #tpu.memory_space<hbm>> -> memref<64x128xf32, #tpu.memory_space<hbm>>
    %dma_wait3A_153 = arith.constant 0 : i32
    %dma_wait3A_154 = arith.constant 0 : i32
    %dma_wait3A_155 = tpu.memref_slice %arg9[%dma_wait3A_146, %dma_wait3A_153, %dma_wait3A_154] : memref<2x64x128xf32, #tpu.memory_space<vmem>> -> memref<1x64x128xf32, #tpu.memory_space<vmem>>
    %dma_wait3A_156 = tpu.memref_squeeze %dma_wait3A_155 : memref<1x64x128xf32, #tpu.memory_space<vmem>> -> memref<64x128xf32, #tpu.memory_space<vmem>>
    %dma_wait3A_157 = arith.constant 0 : i32
    %dma_wait3A_158 = tpu.memref_slice %arg2[%add3A_52, %dma_wait3A_157] : memref<16384x256xf32, #tpu.memory_space<hbm>> -> memref<64x128xf32, #tpu.memory_space<hbm>>
    tpu.wait_dma2 semaphore(%arg24 : memref<!tpu.dma_semaphore, #tpu.memory_space<semaphore_mem>>) src(%dma_wait3A_158 : memref<64x128xf32, #tpu.memory_space<hbm>>) dst(%dma_wait3A_156 : memref<64x128xf32, #tpu.memory_space<vmem>>)
    %dma_wait3A_159 = arith.constant 0 : i32
    %dma_wait3A_160 = arith.constant 0 : i32
    %dma_wait3A_161 = arith.constant 0 : i32
    %dma_wait3A_162 = tpu.memref_slice %arg10[%dma_wait3A_159, %dma_wait3A_160, %dma_wait3A_161] : memref<2x64x128xf32, #tpu.memory_space<vmem>> -> memref<1x64x128xf32, #tpu.memory_space<vmem>>
    %dma_wait3A_163 = tpu.memref_squeeze %dma_wait3A_162 : memref<1x64x128xf32, #tpu.memory_space<vmem>> -> memref<64x128xf32, #tpu.memory_space<vmem>>
    %dma_wait3A_164 = arith.constant 128 : i32
    %dma_wait3A_165 = tpu.memref_slice %arg2[%add3A_52, %dma_wait3A_164] : memref<16384x256xf32, #tpu.memory_space<hbm>> -> memref<64x128xf32, #tpu.memory_space<hbm>>
    %dma_wait3A_166 = arith.constant 0 : i32
    %dma_wait3A_167 = arith.constant 0 : i32
    %dma_wait3A_168 = tpu.memref_slice %arg10[%dma_wait3A_159, %dma_wait3A_166, %dma_wait3A_167] : memref<2x64x128xf32, #tpu.memory_space<vmem>> -> memref<1x64x128xf32, #tpu.memory_space<vmem>>
    %dma_wait3A_169 = tpu.memref_squeeze %dma_wait3A_168 : memref<1x64x128xf32, #tpu.memory_space<vmem>> -> memref<64x128xf32, #tpu.memory_space<vmem>>
    %dma_wait3A_170 = arith.constant 128 : i32
    %dma_wait3A_171 = tpu.memref_slice %arg2[%add3A_52, %dma_wait3A_170] : memref<16384x256xf32, #tpu.memory_space<hbm>> -> memref<64x128xf32, #tpu.memory_space<hbm>>
    tpu.wait_dma2 semaphore(%arg24 : memref<!tpu.dma_semaphore, #tpu.memory_space<semaphore_mem>>) src(%dma_wait3A_171 : memref<64x128xf32, #tpu.memory_space<hbm>>) dst(%dma_wait3A_169 : memref<64x128xf32, #tpu.memory_space<vmem>>)
    %dma_start3A_172 = arith.constant 0 : i32
    %dma_start3A_173 = arith.constant 0 : i32
    %dma_start3A_174 = arith.constant 0 : i32
    %dma_start3A_175 = tpu.memref_slice %arg9[%dma_start3A_172, %dma_start3A_173, %dma_start3A_174] : memref<2x64x128xf32, #tpu.memory_space<vmem>> -> memref<1x64x128xf32, #tpu.memory_space<vmem>>
    %dma_start3A_176 = tpu.memref_squeeze %dma_start3A_175 : memref<1x64x128xf32, #tpu.memory_space<vmem>> -> memref<64x128xf32, #tpu.memory_space<vmem>>
    %dma_start3A_177 = arith.constant 0 : i32
    %dma_start3A_178 = arith.constant 0 : i32
    %dma_start3A_179 = tpu.memref_slice %arg11[%dma_start3A_177, %dma_start3A_178] : memref<1024x128xf32, #tpu.memory_space<vmem_shared>> -> memref<1024x128xf32, #tpu.memory_space<vmem_shared>>
    tpu.enqueue_indirect_dma source(%dma_start3A_176 : memref<64x128xf32, #tpu.memory_space<vmem>>) target(%dma_start3A_179 : memref<1024x128xf32, #tpu.memory_space<vmem_shared>>) offsets(%arg13 : memref<64xi32, #tpu.memory_space<vmem>>) semaphore(%arg28 : memref<!tpu.dma_semaphore, #tpu.memory_space<semaphore_mem>>) {add = true}
    %dma_start3A_180 = arith.constant 0 : i32
    %dma_start3A_181 = arith.constant 0 : i32
    %dma_start3A_182 = arith.constant 0 : i32
    %dma_start3A_183 = tpu.memref_slice %arg10[%dma_start3A_180, %dma_start3A_181, %dma_start3A_182] : memref<2x64x128xf32, #tpu.memory_space<vmem>> -> memref<1x64x128xf32, #tpu.memory_space<vmem>>
    %dma_start3A_184 = tpu.memref_squeeze %dma_start3A_183 : memref<1x64x128xf32, #tpu.memory_space<vmem>> -> memref<64x128xf32, #tpu.memory_space<vmem>>
    %dma_start3A_185 = arith.constant 0 : i32
    %dma_start3A_186 = arith.constant 0 : i32
    %dma_start3A_187 = tpu.memref_slice %arg12[%dma_start3A_185, %dma_start3A_186] : memref<1024x128xf32, #tpu.memory_space<vmem_shared>> -> memref<1024x128xf32, #tpu.memory_space<vmem_shared>>
    tpu.enqueue_indirect_dma source(%dma_start3A_184 : memref<64x128xf32, #tpu.memory_space<vmem>>) target(%dma_start3A_187 : memref<1024x128xf32, #tpu.memory_space<vmem_shared>>) offsets(%arg13 : memref<64xi32, #tpu.memory_space<vmem>>) semaphore(%arg28 : memref<!tpu.dma_semaphore, #tpu.memory_space<semaphore_mem>>) {add = true}
    %dma_wait3A_188 = arith.constant 0 : i32
    %dma_wait3A_189 = arith.constant 0 : i32
    %dma_wait3A_190 = arith.constant 0 : i32
    %dma_wait3A_191 = tpu.memref_slice %arg8[%dma_wait3A_188, %dma_wait3A_189, %dma_wait3A_190] : memref<2x64x256xf32, #tpu.memory_space<vmem>> -> memref<1x64x256xf32, #tpu.memory_space<vmem>>
    %dma_wait3A_192 = tpu.memref_squeeze %dma_wait3A_191 : memref<1x64x256xf32, #tpu.memory_space<vmem>> -> memref<64x256xf32, #tpu.memory_space<vmem>>
    %dma_wait3A_193 = arith.constant 0 : i32
    %dma_wait3A_194 = tpu.memref_slice %arg6[%add3A_124, %dma_wait3A_193] : memref<16384x256xf32, #tpu.memory_space<hbm>> -> memref<64x256xf32, #tpu.memory_space<hbm>>
    %dma_wait3A_195 = arith.constant 0 : i32
    %dma_wait3A_196 = tpu.memref_slice %arg6[%add3A_124, %dma_wait3A_195] : memref<16384x256xf32, #tpu.memory_space<hbm>> -> memref<64x256xf32, #tpu.memory_space<hbm>>
    %dma_wait3A_197 = arith.constant 0 : i32
    %dma_wait3A_198 = arith.constant 0 : i32
    %dma_wait3A_199 = tpu.memref_slice %arg8[%dma_wait3A_188, %dma_wait3A_197, %dma_wait3A_198] : memref<2x64x256xf32, #tpu.memory_space<vmem>> -> memref<1x64x256xf32, #tpu.memory_space<vmem>>
    %dma_wait3A_200 = tpu.memref_squeeze %dma_wait3A_199 : memref<1x64x256xf32, #tpu.memory_space<vmem>> -> memref<64x256xf32, #tpu.memory_space<vmem>>
    tpu.wait_dma2 semaphore(%arg26 : memref<!tpu.dma_semaphore, #tpu.memory_space<semaphore_mem>>) src(%dma_wait3A_200 : memref<64x256xf32, #tpu.memory_space<vmem>>) dst(%dma_wait3A_196 : memref<64x256xf32, #tpu.memory_space<hbm>>)
    %dma_wait3A_201 = arith.constant 0 : i32
    %dma_wait3A_202 = arith.constant 0 : i32
    %dma_wait3A_203 = arith.constant 0 : i32
    %dma_wait3A_204 = tpu.memref_slice %arg9[%dma_wait3A_201, %dma_wait3A_202, %dma_wait3A_203] : memref<2x64x128xf32, #tpu.memory_space<vmem>> -> memref<1x64x128xf32, #tpu.memory_space<vmem>>
    %dma_wait3A_205 = tpu.memref_squeeze %dma_wait3A_204 : memref<1x64x128xf32, #tpu.memory_space<vmem>> -> memref<64x128xf32, #tpu.memory_space<vmem>>
    %dma_wait3A_206 = arith.constant 0 : i32
    %dma_wait3A_207 = arith.constant 0 : i32
    %dma_wait3A_208 = tpu.memref_slice %arg11[%dma_wait3A_206, %dma_wait3A_207] : memref<1024x128xf32, #tpu.memory_space<vmem_shared>> -> memref<1024x128xf32, #tpu.memory_space<vmem_shared>>
    tpu.wait_indirect_dma semaphore(%arg28 : memref<!tpu.dma_semaphore, #tpu.memory_space<semaphore_mem>>) src(%dma_wait3A_205 : memref<64x128xf32, #tpu.memory_space<vmem>>) dst(%dma_wait3A_208 : memref<1024x128xf32, #tpu.memory_space<vmem_shared>>)
    %dma_wait3A_209 = arith.constant 0 : i32
    %dma_wait3A_210 = arith.constant 0 : i32
    %dma_wait3A_211 = arith.constant 0 : i32
    %dma_wait3A_212 = tpu.memref_slice %arg10[%dma_wait3A_209, %dma_wait3A_210, %dma_wait3A_211] : memref<2x64x128xf32, #tpu.memory_space<vmem>> -> memref<1x64x128xf32, #tpu.memory_space<vmem>>
    %dma_wait3A_213 = tpu.memref_squeeze %dma_wait3A_212 : memref<1x64x128xf32, #tpu.memory_space<vmem>> -> memref<64x128xf32, #tpu.memory_space<vmem>>
    %dma_wait3A_214 = arith.constant 0 : i32
    %dma_wait3A_215 = arith.constant 0 : i32
    %dma_wait3A_216 = tpu.memref_slice %arg12[%dma_wait3A_214, %dma_wait3A_215] : memref<1024x128xf32, #tpu.memory_space<vmem_shared>> -> memref<1024x128xf32, #tpu.memory_space<vmem_shared>>
    tpu.wait_indirect_dma semaphore(%arg28 : memref<!tpu.dma_semaphore, #tpu.memory_space<semaphore_mem>>) src(%dma_wait3A_213 : memref<64x128xf32, #tpu.memory_space<vmem>>) dst(%dma_wait3A_216 : memref<1024x128xf32, #tpu.memory_space<vmem_shared>>)
    %add3A_217 = arith.constant 128 : i32
    %add3A_218 = arith.addi %mul3A_2, %add3A_217 : i32
    %dma_start3A_219 = arith.constant 0 : i32
    %dma_start3A_220 = arith.constant 0 : i32
    %dma_start3A_221 = arith.constant 0 : i32
    %dma_start3A_222 = tpu.memref_slice %arg8[%dma_start3A_219, %dma_start3A_220, %dma_start3A_221] : memref<2x64x256xf32, #tpu.memory_space<vmem>> -> memref<1x64x256xf32, #tpu.memory_space<vmem>>
    %dma_start3A_223 = tpu.memref_squeeze %dma_start3A_222 : memref<1x64x256xf32, #tpu.memory_space<vmem>> -> memref<64x256xf32, #tpu.memory_space<vmem>>
    %dma_start3A_224 = arith.constant 0 : i32
    %dma_start3A_225 = arith.constant 0 : i32
    %dma_start3A_226 = tpu.memref_slice %arg4[%dma_start3A_224, %dma_start3A_225] : memref<1024x256xf32, #tpu.memory_space<hbm>> -> memref<1024x256xf32, #tpu.memory_space<hbm>>
    tpu.enqueue_indirect_dma source(%dma_start3A_226 : memref<1024x256xf32, #tpu.memory_space<hbm>>) target(%dma_start3A_223 : memref<64x256xf32, #tpu.memory_space<vmem>>) offsets(%arg15 : memref<64xi32, #tpu.memory_space<vmem>>) semaphore(%arg22 : memref<!tpu.dma_semaphore, #tpu.memory_space<semaphore_mem>>)
    %dma_start3A_227 = arith.constant 0 : i32
    %dma_start3A_228 = arith.constant 0 : i32
    %dma_start3A_229 = arith.constant 0 : i32
    %dma_start3A_230 = tpu.memref_slice %arg9[%dma_start3A_227, %dma_start3A_228, %dma_start3A_229] : memref<2x64x128xf32, #tpu.memory_space<vmem>> -> memref<1x64x128xf32, #tpu.memory_space<vmem>>
    %dma_start3A_231 = tpu.memref_squeeze %dma_start3A_230 : memref<1x64x128xf32, #tpu.memory_space<vmem>> -> memref<64x128xf32, #tpu.memory_space<vmem>>
    %dma_start3A_232 = arith.constant 0 : i32
    %dma_start3A_233 = tpu.memref_slice %arg2[%add3A_218, %dma_start3A_232] : memref<16384x256xf32, #tpu.memory_space<hbm>> -> memref<64x128xf32, #tpu.memory_space<hbm>>
    %dma_start3A_234 = arith.constant 0 : i32
    %dma_start3A_235 = arith.constant 0 : i32
    %dma_start3A_236 = tpu.memref_slice %arg9[%dma_start3A_227, %dma_start3A_234, %dma_start3A_235] : memref<2x64x128xf32, #tpu.memory_space<vmem>> -> memref<1x64x128xf32, #tpu.memory_space<vmem>>
    %dma_start3A_237 = tpu.memref_squeeze %dma_start3A_236 : memref<1x64x128xf32, #tpu.memory_space<vmem>> -> memref<64x128xf32, #tpu.memory_space<vmem>>
    %dma_start3A_238 = arith.constant 0 : i32
    %dma_start3A_239 = tpu.memref_slice %arg2[%add3A_218, %dma_start3A_238] : memref<16384x256xf32, #tpu.memory_space<hbm>> -> memref<64x128xf32, #tpu.memory_space<hbm>>
    tpu.enqueue_dma source(%dma_start3A_239 : memref<64x128xf32, #tpu.memory_space<hbm>>) target(%dma_start3A_237 : memref<64x128xf32, #tpu.memory_space<vmem>>) target_semaphore(%arg24 : memref<!tpu.dma_semaphore, #tpu.memory_space<semaphore_mem>>)
    %dma_start3A_240 = arith.constant 0 : i32
    %dma_start3A_241 = arith.constant 0 : i32
    %dma_start3A_242 = arith.constant 0 : i32
    %dma_start3A_243 = tpu.memref_slice %arg10[%dma_start3A_240, %dma_start3A_241, %dma_start3A_242] : memref<2x64x128xf32, #tpu.memory_space<vmem>> -> memref<1x64x128xf32, #tpu.memory_space<vmem>>
    %dma_start3A_244 = tpu.memref_squeeze %dma_start3A_243 : memref<1x64x128xf32, #tpu.memory_space<vmem>> -> memref<64x128xf32, #tpu.memory_space<vmem>>
    %dma_start3A_245 = arith.constant 128 : i32
    %dma_start3A_246 = tpu.memref_slice %arg2[%add3A_218, %dma_start3A_245] : memref<16384x256xf32, #tpu.memory_space<hbm>> -> memref<64x128xf32, #tpu.memory_space<hbm>>
    %dma_start3A_247 = arith.constant 0 : i32
    %dma_start3A_248 = arith.constant 0 : i32
    %dma_start3A_249 = tpu.memref_slice %arg10[%dma_start3A_240, %dma_start3A_247, %dma_start3A_248] : memref<2x64x128xf32, #tpu.memory_space<vmem>> -> memref<1x64x128xf32, #tpu.memory_space<vmem>>
    %dma_start3A_250 = tpu.memref_squeeze %dma_start3A_249 : memref<1x64x128xf32, #tpu.memory_space<vmem>> -> memref<64x128xf32, #tpu.memory_space<vmem>>
    %dma_start3A_251 = arith.constant 128 : i32
    %dma_start3A_252 = tpu.memref_slice %arg2[%add3A_218, %dma_start3A_251] : memref<16384x256xf32, #tpu.memory_space<hbm>> -> memref<64x128xf32, #tpu.memory_space<hbm>>
    tpu.enqueue_dma source(%dma_start3A_252 : memref<64x128xf32, #tpu.memory_space<hbm>>) target(%dma_start3A_250 : memref<64x128xf32, #tpu.memory_space<vmem>>) target_semaphore(%arg24 : memref<!tpu.dma_semaphore, #tpu.memory_space<semaphore_mem>>)
    %add3A_253 = arith.constant 64 : i32
    %add3A_254 = arith.addi %mul3A_2, %add3A_253 : i32
    %dma_wait3A_255 = arith.constant 1 : i32
    %dma_wait3A_256 = arith.constant 0 : i32
    %dma_wait3A_257 = arith.constant 0 : i32
    %dma_wait3A_258 = tpu.memref_slice %arg8[%dma_wait3A_255, %dma_wait3A_256, %dma_wait3A_257] : memref<2x64x256xf32, #tpu.memory_space<vmem>> -> memref<1x64x256xf32, #tpu.memory_space<vmem>>
    %dma_wait3A_259 = tpu.memref_squeeze %dma_wait3A_258 : memref<1x64x256xf32, #tpu.memory_space<vmem>> -> memref<64x256xf32, #tpu.memory_space<vmem>>
    %dma_wait3A_260 = arith.constant 0 : i32
    %dma_wait3A_261 = arith.constant 0 : i32
    %dma_wait3A_262 = tpu.memref_slice %arg4[%dma_wait3A_260, %dma_wait3A_261] : memref<1024x256xf32, #tpu.memory_space<hbm>> -> memref<1024x256xf32, #tpu.memory_space<hbm>>
    tpu.wait_indirect_dma semaphore(%arg23 : memref<!tpu.dma_semaphore, #tpu.memory_space<semaphore_mem>>) src(%dma_wait3A_262 : memref<1024x256xf32, #tpu.memory_space<hbm>>) dst(%dma_wait3A_259 : memref<64x256xf32, #tpu.memory_space<vmem>>)
    %dma_start3A_263 = arith.constant 1 : i32
    %dma_start3A_264 = arith.constant 0 : i32
    %dma_start3A_265 = arith.constant 0 : i32
    %dma_start3A_266 = tpu.memref_slice %arg8[%dma_start3A_263, %dma_start3A_264, %dma_start3A_265] : memref<2x64x256xf32, #tpu.memory_space<vmem>> -> memref<1x64x256xf32, #tpu.memory_space<vmem>>
    %dma_start3A_267 = tpu.memref_squeeze %dma_start3A_266 : memref<1x64x256xf32, #tpu.memory_space<vmem>> -> memref<64x256xf32, #tpu.memory_space<vmem>>
    %dma_start3A_268 = arith.constant 0 : i32
    %dma_start3A_269 = tpu.memref_slice %arg6[%add3A_254, %dma_start3A_268] : memref<16384x256xf32, #tpu.memory_space<hbm>> -> memref<64x256xf32, #tpu.memory_space<hbm>>
    %dma_start3A_270 = arith.constant 0 : i32
    %dma_start3A_271 = tpu.memref_slice %arg6[%add3A_254, %dma_start3A_270] : memref<16384x256xf32, #tpu.memory_space<hbm>> -> memref<64x256xf32, #tpu.memory_space<hbm>>
    %dma_start3A_272 = arith.constant 0 : i32
    %dma_start3A_273 = arith.constant 0 : i32
    %dma_start3A_274 = tpu.memref_slice %arg8[%dma_start3A_263, %dma_start3A_272, %dma_start3A_273] : memref<2x64x256xf32, #tpu.memory_space<vmem>> -> memref<1x64x256xf32, #tpu.memory_space<vmem>>
    %dma_start3A_275 = tpu.memref_squeeze %dma_start3A_274 : memref<1x64x256xf32, #tpu.memory_space<vmem>> -> memref<64x256xf32, #tpu.memory_space<vmem>>
    tpu.enqueue_dma source(%dma_start3A_275 : memref<64x256xf32, #tpu.memory_space<vmem>>) target(%dma_start3A_271 : memref<64x256xf32, #tpu.memory_space<hbm>>) target_semaphore(%arg27 : memref<!tpu.dma_semaphore, #tpu.memory_space<semaphore_mem>>)
    %dma_wait3A_276 = arith.constant 1 : i32
    %dma_wait3A_277 = arith.constant 0 : i32
    %dma_wait3A_278 = arith.constant 0 : i32
    %dma_wait3A_279 = tpu.memref_slice %arg9[%dma_wait3A_276, %dma_wait3A_277, %dma_wait3A_278] : memref<2x64x128xf32, #tpu.memory_space<vmem>> -> memref<1x64x128xf32, #tpu.memory_space<vmem>>
    %dma_wait3A_280 = tpu.memref_squeeze %dma_wait3A_279 : memref<1x64x128xf32, #tpu.memory_space<vmem>> -> memref<64x128xf32, #tpu.memory_space<vmem>>
    %dma_wait3A_281 = arith.constant 0 : i32
    %dma_wait3A_282 = tpu.memref_slice %arg2[%add3A_88, %dma_wait3A_281] : memref<16384x256xf32, #tpu.memory_space<hbm>> -> memref<64x128xf32, #tpu.memory_space<hbm>>
    %dma_wait3A_283 = arith.constant 0 : i32
    %dma_wait3A_284 = arith.constant 0 : i32
    %dma_wait3A_285 = tpu.memref_slice %arg9[%dma_wait3A_276, %dma_wait3A_283, %dma_wait3A_284] : memref<2x64x128xf32, #tpu.memory_space<vmem>> -> memref<1x64x128xf32, #tpu.memory_space<vmem>>
    %dma_wait3A_286 = tpu.memref_squeeze %dma_wait3A_285 : memref<1x64x128xf32, #tpu.memory_space<vmem>> -> memref<64x128xf32, #tpu.memory_space<vmem>>
    %dma_wait3A_287 = arith.constant 0 : i32
    %dma_wait3A_288 = tpu.memref_slice %arg2[%add3A_88, %dma_wait3A_287] : memref<16384x256xf32, #tpu.memory_space<hbm>> -> memref<64x128xf32, #tpu.memory_space<hbm>>
    tpu.wait_dma2 semaphore(%arg25 : memref<!tpu.dma_semaphore, #tpu.memory_space<semaphore_mem>>) src(%dma_wait3A_288 : memref<64x128xf32, #tpu.memory_space<hbm>>) dst(%dma_wait3A_286 : memref<64x128xf32, #tpu.memory_space<vmem>>)
    %dma_wait3A_289 = arith.constant 1 : i32
    %dma_wait3A_290 = arith.constant 0 : i32
    %dma_wait3A_291 = arith.constant 0 : i32
    %dma_wait3A_292 = tpu.memref_slice %arg10[%dma_wait3A_289, %dma_wait3A_290, %dma_wait3A_291] : memref<2x64x128xf32, #tpu.memory_space<vmem>> -> memref<1x64x128xf32, #tpu.memory_space<vmem>>
    %dma_wait3A_293 = tpu.memref_squeeze %dma_wait3A_292 : memref<1x64x128xf32, #tpu.memory_space<vmem>> -> memref<64x128xf32, #tpu.memory_space<vmem>>
    %dma_wait3A_294 = arith.constant 128 : i32
    %dma_wait3A_295 = tpu.memref_slice %arg2[%add3A_88, %dma_wait3A_294] : memref<16384x256xf32, #tpu.memory_space<hbm>> -> memref<64x128xf32, #tpu.memory_space<hbm>>
    %dma_wait3A_296 = arith.constant 0 : i32
    %dma_wait3A_297 = arith.constant 0 : i32
    %dma_wait3A_298 = tpu.memref_slice %arg10[%dma_wait3A_289, %dma_wait3A_296, %dma_wait3A_297] : memref<2x64x128xf32, #tpu.memory_space<vmem>> -> memref<1x64x128xf32, #tpu.memory_space<vmem>>
    %dma_wait3A_299 = tpu.memref_squeeze %dma_wait3A_298 : memref<1x64x128xf32, #tpu.memory_space<vmem>> -> memref<64x128xf32, #tpu.memory_space<vmem>>
    %dma_wait3A_300 = arith.constant 128 : i32
    %dma_wait3A_301 = tpu.memref_slice %arg2[%add3A_88, %dma_wait3A_300] : memref<16384x256xf32, #tpu.memory_space<hbm>> -> memref<64x128xf32, #tpu.memory_space<hbm>>
    tpu.wait_dma2 semaphore(%arg25 : memref<!tpu.dma_semaphore, #tpu.memory_space<semaphore_mem>>) src(%dma_wait3A_301 : memref<64x128xf32, #tpu.memory_space<hbm>>) dst(%dma_wait3A_299 : memref<64x128xf32, #tpu.memory_space<vmem>>)
    %dma_start3A_302 = arith.constant 1 : i32
    %dma_start3A_303 = arith.constant 0 : i32
    %dma_start3A_304 = arith.constant 0 : i32
    %dma_start3A_305 = tpu.memref_slice %arg9[%dma_start3A_302, %dma_start3A_303, %dma_start3A_304] : memref<2x64x128xf32, #tpu.memory_space<vmem>> -> memref<1x64x128xf32, #tpu.memory_space<vmem>>
    %dma_start3A_306 = tpu.memref_squeeze %dma_start3A_305 : memref<1x64x128xf32, #tpu.memory_space<vmem>> -> memref<64x128xf32, #tpu.memory_space<vmem>>
    %dma_start3A_307 = arith.constant 0 : i32
    %dma_start3A_308 = arith.constant 0 : i32
    %dma_start3A_309 = tpu.memref_slice %arg11[%dma_start3A_307, %dma_start3A_308] : memref<1024x128xf32, #tpu.memory_space<vmem_shared>> -> memref<1024x128xf32, #tpu.memory_space<vmem_shared>>
    tpu.enqueue_indirect_dma source(%dma_start3A_306 : memref<64x128xf32, #tpu.memory_space<vmem>>) target(%dma_start3A_309 : memref<1024x128xf32, #tpu.memory_space<vmem_shared>>) offsets(%arg14 : memref<64xi32, #tpu.memory_space<vmem>>) semaphore(%arg29 : memref<!tpu.dma_semaphore, #tpu.memory_space<semaphore_mem>>) {add = true}
    %dma_start3A_310 = arith.constant 1 : i32
    %dma_start3A_311 = arith.constant 0 : i32
    %dma_start3A_312 = arith.constant 0 : i32
    %dma_start3A_313 = tpu.memref_slice %arg10[%dma_start3A_310, %dma_start3A_311, %dma_start3A_312] : memref<2x64x128xf32, #tpu.memory_space<vmem>> -> memref<1x64x128xf32, #tpu.memory_space<vmem>>
    %dma_start3A_314 = tpu.memref_squeeze %dma_start3A_313 : memref<1x64x128xf32, #tpu.memory_space<vmem>> -> memref<64x128xf32, #tpu.memory_space<vmem>>
    %dma_start3A_315 = arith.constant 0 : i32
    %dma_start3A_316 = arith.constant 0 : i32
    %dma_start3A_317 = tpu.memref_slice %arg12[%dma_start3A_315, %dma_start3A_316] : memref<1024x128xf32, #tpu.memory_space<vmem_shared>> -> memref<1024x128xf32, #tpu.memory_space<vmem_shared>>
    tpu.enqueue_indirect_dma source(%dma_start3A_314 : memref<64x128xf32, #tpu.memory_space<vmem>>) target(%dma_start3A_317 : memref<1024x128xf32, #tpu.memory_space<vmem_shared>>) offsets(%arg14 : memref<64xi32, #tpu.memory_space<vmem>>) semaphore(%arg29 : memref<!tpu.dma_semaphore, #tpu.memory_space<semaphore_mem>>) {add = true}
    %dma_wait3A_318 = arith.constant 1 : i32
    %dma_wait3A_319 = arith.constant 0 : i32
    %dma_wait3A_320 = arith.constant 0 : i32
    %dma_wait3A_321 = tpu.memref_slice %arg8[%dma_wait3A_318, %dma_wait3A_319, %dma_wait3A_320] : memref<2x64x256xf32, #tpu.memory_space<vmem>> -> memref<1x64x256xf32, #tpu.memory_space<vmem>>
    %dma_wait3A_322 = tpu.memref_squeeze %dma_wait3A_321 : memref<1x64x256xf32, #tpu.memory_space<vmem>> -> memref<64x256xf32, #tpu.memory_space<vmem>>
    %dma_wait3A_323 = arith.constant 0 : i32
    %dma_wait3A_324 = tpu.memref_slice %arg6[%add3A_254, %dma_wait3A_323] : memref<16384x256xf32, #tpu.memory_space<hbm>> -> memref<64x256xf32, #tpu.memory_space<hbm>>
    %dma_wait3A_325 = arith.constant 0 : i32
    %dma_wait3A_326 = tpu.memref_slice %arg6[%add3A_254, %dma_wait3A_325] : memref<16384x256xf32, #tpu.memory_space<hbm>> -> memref<64x256xf32, #tpu.memory_space<hbm>>
    %dma_wait3A_327 = arith.constant 0 : i32
    %dma_wait3A_328 = arith.constant 0 : i32
    %dma_wait3A_329 = tpu.memref_slice %arg8[%dma_wait3A_318, %dma_wait3A_327, %dma_wait3A_328] : memref<2x64x256xf32, #tpu.memory_space<vmem>> -> memref<1x64x256xf32, #tpu.memory_space<vmem>>
    %dma_wait3A_330 = tpu.memref_squeeze %dma_wait3A_329 : memref<1x64x256xf32, #tpu.memory_space<vmem>> -> memref<64x256xf32, #tpu.memory_space<vmem>>
    tpu.wait_dma2 semaphore(%arg27 : memref<!tpu.dma_semaphore, #tpu.memory_space<semaphore_mem>>) src(%dma_wait3A_330 : memref<64x256xf32, #tpu.memory_space<vmem>>) dst(%dma_wait3A_326 : memref<64x256xf32, #tpu.memory_space<hbm>>)
    %dma_wait3A_331 = arith.constant 1 : i32
    %dma_wait3A_332 = arith.constant 0 : i32
    %dma_wait3A_333 = arith.constant 0 : i32
    %dma_wait3A_334 = tpu.memref_slice %arg9[%dma_wait3A_331, %dma_wait3A_332, %dma_wait3A_333] : memref<2x64x128xf32, #tpu.memory_space<vmem>> -> memref<1x64x128xf32, #tpu.memory_space<vmem>>
    %dma_wait3A_335 = tpu.memref_squeeze %dma_wait3A_334 : memref<1x64x128xf32, #tpu.memory_space<vmem>> -> memref<64x128xf32, #tpu.memory_space<vmem>>
    %dma_wait3A_336 = arith.constant 0 : i32
    %dma_wait3A_337 = arith.constant 0 : i32
    %dma_wait3A_338 = tpu.memref_slice %arg11[%dma_wait3A_336, %dma_wait3A_337] : memref<1024x128xf32, #tpu.memory_space<vmem_shared>> -> memref<1024x128xf32, #tpu.memory_space<vmem_shared>>
    tpu.wait_indirect_dma semaphore(%arg29 : memref<!tpu.dma_semaphore, #tpu.memory_space<semaphore_mem>>) src(%dma_wait3A_335 : memref<64x128xf32, #tpu.memory_space<vmem>>) dst(%dma_wait3A_338 : memref<1024x128xf32, #tpu.memory_space<vmem_shared>>)
    %dma_wait3A_339 = arith.constant 1 : i32
    %dma_wait3A_340 = arith.constant 0 : i32
    %dma_wait3A_341 = arith.constant 0 : i32
    %dma_wait3A_342 = tpu.memref_slice %arg10[%dma_wait3A_339, %dma_wait3A_340, %dma_wait3A_341] : memref<2x64x128xf32, #tpu.memory_space<vmem>> -> memref<1x64x128xf32, #tpu.memory_space<vmem>>
    %dma_wait3A_343 = tpu.memref_squeeze %dma_wait3A_342 : memref<1x64x128xf32, #tpu.memory_space<vmem>> -> memref<64x128xf32, #tpu.memory_space<vmem>>
    %dma_wait3A_344 = arith.constant 0 : i32
    %dma_wait3A_345 = arith.constant 0 : i32
    %dma_wait3A_346 = tpu.memref_slice %arg12[%dma_wait3A_344, %dma_wait3A_345] : memref<1024x128xf32, #tpu.memory_space<vmem_shared>> -> memref<1024x128xf32, #tpu.memory_space<vmem_shared>>
    tpu.wait_indirect_dma semaphore(%arg29 : memref<!tpu.dma_semaphore, #tpu.memory_space<semaphore_mem>>) src(%dma_wait3A_343 : memref<64x128xf32, #tpu.memory_space<vmem>>) dst(%dma_wait3A_346 : memref<1024x128xf32, #tpu.memory_space<vmem_shared>>)
    %add3A_347 = arith.constant 192 : i32
    %add3A_348 = arith.addi %mul3A_2, %add3A_347 : i32
    %dma_start3A_349 = arith.constant 1 : i32
    %dma_start3A_350 = arith.constant 0 : i32
    %dma_start3A_351 = arith.constant 0 : i32
    %dma_start3A_352 = tpu.memref_slice %arg8[%dma_start3A_349, %dma_start3A_350, %dma_start3A_351] : memref<2x64x256xf32, #tpu.memory_space<vmem>> -> memref<1x64x256xf32, #tpu.memory_space<vmem>>
    %dma_start3A_353 = tpu.memref_squeeze %dma_start3A_352 : memref<1x64x256xf32, #tpu.memory_space<vmem>> -> memref<64x256xf32, #tpu.memory_space<vmem>>
    %dma_start3A_354 = arith.constant 0 : i32
    %dma_start3A_355 = arith.constant 0 : i32
    %dma_start3A_356 = tpu.memref_slice %arg4[%dma_start3A_354, %dma_start3A_355] : memref<1024x256xf32, #tpu.memory_space<hbm>> -> memref<1024x256xf32, #tpu.memory_space<hbm>>
    tpu.enqueue_indirect_dma source(%dma_start3A_356 : memref<1024x256xf32, #tpu.memory_space<hbm>>) target(%dma_start3A_353 : memref<64x256xf32, #tpu.memory_space<vmem>>) offsets(%arg16 : memref<64xi32, #tpu.memory_space<vmem>>) semaphore(%arg23 : memref<!tpu.dma_semaphore, #tpu.memory_space<semaphore_mem>>)
    %dma_start3A_357 = arith.constant 1 : i32
    %dma_start3A_358 = arith.constant 0 : i32
    %dma_start3A_359 = arith.constant 0 : i32
    %dma_start3A_360 = tpu.memref_slice %arg9[%dma_start3A_357, %dma_start3A_358, %dma_start3A_359] : memref<2x64x128xf32, #tpu.memory_space<vmem>> -> memref<1x64x128xf32, #tpu.memory_space<vmem>>
    %dma_start3A_361 = tpu.memref_squeeze %dma_start3A_360 : memref<1x64x128xf32, #tpu.memory_space<vmem>> -> memref<64x128xf32, #tpu.memory_space<vmem>>
    %dma_start3A_362 = arith.constant 0 : i32
    %dma_start3A_363 = tpu.memref_slice %arg2[%add3A_348, %dma_start3A_362] : memref<16384x256xf32, #tpu.memory_space<hbm>> -> memref<64x128xf32, #tpu.memory_space<hbm>>
    %dma_start3A_364 = arith.constant 0 : i32
    %dma_start3A_365 = arith.constant 0 : i32
    %dma_start3A_366 = tpu.memref_slice %arg9[%dma_start3A_357, %dma_start3A_364, %dma_start3A_365] : memref<2x64x128xf32, #tpu.memory_space<vmem>> -> memref<1x64x128xf32, #tpu.memory_space<vmem>>
    %dma_start3A_367 = tpu.memref_squeeze %dma_start3A_366 : memref<1x64x128xf32, #tpu.memory_space<vmem>> -> memref<64x128xf32, #tpu.memory_space<vmem>>
    %dma_start3A_368 = arith.constant 0 : i32
    %dma_start3A_369 = tpu.memref_slice %arg2[%add3A_348, %dma_start3A_368] : memref<16384x256xf32, #tpu.memory_space<hbm>> -> memref<64x128xf32, #tpu.memory_space<hbm>>
    tpu.enqueue_dma source(%dma_start3A_369 : memref<64x128xf32, #tpu.memory_space<hbm>>) target(%dma_start3A_367 : memref<64x128xf32, #tpu.memory_space<vmem>>) target_semaphore(%arg25 : memref<!tpu.dma_semaphore, #tpu.memory_space<semaphore_mem>>)
    %dma_start3A_370 = arith.constant 1 : i32
    %dma_start3A_371 = arith.constant 0 : i32
    %dma_start3A_372 = arith.constant 0 : i32
    %dma_start3A_373 = tpu.memref_slice %arg10[%dma_start3A_370, %dma_start3A_371, %dma_start3A_372] : memref<2x64x128xf32, #tpu.memory_space<vmem>> -> memref<1x64x128xf32, #tpu.memory_space<vmem>>
    %dma_start3A_374 = tpu.memref_squeeze %dma_start3A_373 : memref<1x64x128xf32, #tpu.memory_space<vmem>> -> memref<64x128xf32, #tpu.memory_space<vmem>>
    %dma_start3A_375 = arith.constant 128 : i32
    %dma_start3A_376 = tpu.memref_slice %arg2[%add3A_348, %dma_start3A_375] : memref<16384x256xf32, #tpu.memory_space<hbm>> -> memref<64x128xf32, #tpu.memory_space<hbm>>
    %dma_start3A_377 = arith.constant 0 : i32
    %dma_start3A_378 = arith.constant 0 : i32
    %dma_start3A_379 = tpu.memref_slice %arg10[%dma_start3A_370, %dma_start3A_377, %dma_start3A_378] : memref<2x64x128xf32, #tpu.memory_space<vmem>> -> memref<1x64x128xf32, #tpu.memory_space<vmem>>
    %dma_start3A_380 = tpu.memref_squeeze %dma_start3A_379 : memref<1x64x128xf32, #tpu.memory_space<vmem>> -> memref<64x128xf32, #tpu.memory_space<vmem>>
    %dma_start3A_381 = arith.constant 128 : i32
    %dma_start3A_382 = tpu.memref_slice %arg2[%add3A_348, %dma_start3A_381] : memref<16384x256xf32, #tpu.memory_space<hbm>> -> memref<64x128xf32, #tpu.memory_space<hbm>>
    tpu.enqueue_dma source(%dma_start3A_382 : memref<64x128xf32, #tpu.memory_space<hbm>>) target(%dma_start3A_380 : memref<64x128xf32, #tpu.memory_space<vmem>>) target_semaphore(%arg25 : memref<!tpu.dma_semaphore, #tpu.memory_space<semaphore_mem>>)
    %add3A_383 = arith.constant 128 : i32
    %add3A_384 = arith.addi %mul3A_2, %add3A_383 : i32
    %dma_wait3A_385 = arith.constant 0 : i32
    %dma_wait3A_386 = arith.constant 0 : i32
    %dma_wait3A_387 = arith.constant 0 : i32
    %dma_wait3A_388 = tpu.memref_slice %arg8[%dma_wait3A_385, %dma_wait3A_386, %dma_wait3A_387] : memref<2x64x256xf32, #tpu.memory_space<vmem>> -> memref<1x64x256xf32, #tpu.memory_space<vmem>>
    %dma_wait3A_389 = tpu.memref_squeeze %dma_wait3A_388 : memref<1x64x256xf32, #tpu.memory_space<vmem>> -> memref<64x256xf32, #tpu.memory_space<vmem>>
    %dma_wait3A_390 = arith.constant 0 : i32
    %dma_wait3A_391 = arith.constant 0 : i32
    %dma_wait3A_392 = tpu.memref_slice %arg4[%dma_wait3A_390, %dma_wait3A_391] : memref<1024x256xf32, #tpu.memory_space<hbm>> -> memref<1024x256xf32, #tpu.memory_space<hbm>>
    tpu.wait_indirect_dma semaphore(%arg22 : memref<!tpu.dma_semaphore, #tpu.memory_space<semaphore_mem>>) src(%dma_wait3A_392 : memref<1024x256xf32, #tpu.memory_space<hbm>>) dst(%dma_wait3A_389 : memref<64x256xf32, #tpu.memory_space<vmem>>)
    %dma_start3A_393 = arith.constant 0 : i32
    %dma_start3A_394 = arith.constant 0 : i32
    %dma_start3A_395 = arith.constant 0 : i32
    %dma_start3A_396 = tpu.memref_slice %arg8[%dma_start3A_393, %dma_start3A_394, %dma_start3A_395] : memref<2x64x256xf32, #tpu.memory_space<vmem>> -> memref<1x64x256xf32, #tpu.memory_space<vmem>>
    %dma_start3A_397 = tpu.memref_squeeze %dma_start3A_396 : memref<1x64x256xf32, #tpu.memory_space<vmem>> -> memref<64x256xf32, #tpu.memory_space<vmem>>
    %dma_start3A_398 = arith.constant 0 : i32
    %dma_start3A_399 = tpu.memref_slice %arg6[%add3A_384, %dma_start3A_398] : memref<16384x256xf32, #tpu.memory_space<hbm>> -> memref<64x256xf32, #tpu.memory_space<hbm>>
    %dma_start3A_400 = arith.constant 0 : i32
    %dma_start3A_401 = tpu.memref_slice %arg6[%add3A_384, %dma_start3A_400] : memref<16384x256xf32, #tpu.memory_space<hbm>> -> memref<64x256xf32, #tpu.memory_space<hbm>>
    %dma_start3A_402 = arith.constant 0 : i32
    %dma_start3A_403 = arith.constant 0 : i32
    %dma_start3A_404 = tpu.memref_slice %arg8[%dma_start3A_393, %dma_start3A_402, %dma_start3A_403] : memref<2x64x256xf32, #tpu.memory_space<vmem>> -> memref<1x64x256xf32, #tpu.memory_space<vmem>>
    %dma_start3A_405 = tpu.memref_squeeze %dma_start3A_404 : memref<1x64x256xf32, #tpu.memory_space<vmem>> -> memref<64x256xf32, #tpu.memory_space<vmem>>
    tpu.enqueue_dma source(%dma_start3A_405 : memref<64x256xf32, #tpu.memory_space<vmem>>) target(%dma_start3A_401 : memref<64x256xf32, #tpu.memory_space<hbm>>) target_semaphore(%arg26 : memref<!tpu.dma_semaphore, #tpu.memory_space<semaphore_mem>>)
    %dma_wait3A_406 = arith.constant 0 : i32
    %dma_wait3A_407 = arith.constant 0 : i32
    %dma_wait3A_408 = arith.constant 0 : i32
    %dma_wait3A_409 = tpu.memref_slice %arg9[%dma_wait3A_406, %dma_wait3A_407, %dma_wait3A_408] : memref<2x64x128xf32, #tpu.memory_space<vmem>> -> memref<1x64x128xf32, #tpu.memory_space<vmem>>
    %dma_wait3A_410 = tpu.memref_squeeze %dma_wait3A_409 : memref<1x64x128xf32, #tpu.memory_space<vmem>> -> memref<64x128xf32, #tpu.memory_space<vmem>>
    %dma_wait3A_411 = arith.constant 0 : i32
    %dma_wait3A_412 = tpu.memref_slice %arg2[%add3A_218, %dma_wait3A_411] : memref<16384x256xf32, #tpu.memory_space<hbm>> -> memref<64x128xf32, #tpu.memory_space<hbm>>
    %dma_wait3A_413 = arith.constant 0 : i32
    %dma_wait3A_414 = arith.constant 0 : i32
    %dma_wait3A_415 = tpu.memref_slice %arg9[%dma_wait3A_406, %dma_wait3A_413, %dma_wait3A_414] : memref<2x64x128xf32, #tpu.memory_space<vmem>> -> memref<1x64x128xf32, #tpu.memory_space<vmem>>
    %dma_wait3A_416 = tpu.memref_squeeze %dma_wait3A_415 : memref<1x64x128xf32, #tpu.memory_space<vmem>> -> memref<64x128xf32, #tpu.memory_space<vmem>>
    %dma_wait3A_417 = arith.constant 0 : i32
    %dma_wait3A_418 = tpu.memref_slice %arg2[%add3A_218, %dma_wait3A_417] : memref<16384x256xf32, #tpu.memory_space<hbm>> -> memref<64x128xf32, #tpu.memory_space<hbm>>
    tpu.wait_dma2 semaphore(%arg24 : memref<!tpu.dma_semaphore, #tpu.memory_space<semaphore_mem>>) src(%dma_wait3A_418 : memref<64x128xf32, #tpu.memory_space<hbm>>) dst(%dma_wait3A_416 : memref<64x128xf32, #tpu.memory_space<vmem>>)
    %dma_wait3A_419 = arith.constant 0 : i32
    %dma_wait3A_420 = arith.constant 0 : i32
    %dma_wait3A_421 = arith.constant 0 : i32
    %dma_wait3A_422 = tpu.memref_slice %arg10[%dma_wait3A_419, %dma_wait3A_420, %dma_wait3A_421] : memref<2x64x128xf32, #tpu.memory_space<vmem>> -> memref<1x64x128xf32, #tpu.memory_space<vmem>>
    %dma_wait3A_423 = tpu.memref_squeeze %dma_wait3A_422 : memref<1x64x128xf32, #tpu.memory_space<vmem>> -> memref<64x128xf32, #tpu.memory_space<vmem>>
    %dma_wait3A_424 = arith.constant 128 : i32
    %dma_wait3A_425 = tpu.memref_slice %arg2[%add3A_218, %dma_wait3A_424] : memref<16384x256xf32, #tpu.memory_space<hbm>> -> memref<64x128xf32, #tpu.memory_space<hbm>>
    %dma_wait3A_426 = arith.constant 0 : i32
    %dma_wait3A_427 = arith.constant 0 : i32
    %dma_wait3A_428 = tpu.memref_slice %arg10[%dma_wait3A_419, %dma_wait3A_426, %dma_wait3A_427] : memref<2x64x128xf32, #tpu.memory_space<vmem>> -> memref<1x64x128xf32, #tpu.memory_space<vmem>>
    %dma_wait3A_429 = tpu.memref_squeeze %dma_wait3A_428 : memref<1x64x128xf32, #tpu.memory_space<vmem>> -> memref<64x128xf32, #tpu.memory_space<vmem>>
    %dma_wait3A_430 = arith.constant 128 : i32
    %dma_wait3A_431 = tpu.memref_slice %arg2[%add3A_218, %dma_wait3A_430] : memref<16384x256xf32, #tpu.memory_space<hbm>> -> memref<64x128xf32, #tpu.memory_space<hbm>>
    tpu.wait_dma2 semaphore(%arg24 : memref<!tpu.dma_semaphore, #tpu.memory_space<semaphore_mem>>) src(%dma_wait3A_431 : memref<64x128xf32, #tpu.memory_space<hbm>>) dst(%dma_wait3A_429 : memref<64x128xf32, #tpu.memory_space<vmem>>)
    %dma_start3A_432 = arith.constant 0 : i32
    %dma_start3A_433 = arith.constant 0 : i32
    %dma_start3A_434 = arith.constant 0 : i32
    %dma_start3A_435 = tpu.memref_slice %arg9[%dma_start3A_432, %dma_start3A_433, %dma_start3A_434] : memref<2x64x128xf32, #tpu.memory_space<vmem>> -> memref<1x64x128xf32, #tpu.memory_space<vmem>>
    %dma_start3A_436 = tpu.memref_squeeze %dma_start3A_435 : memref<1x64x128xf32, #tpu.memory_space<vmem>> -> memref<64x128xf32, #tpu.memory_space<vmem>>
    %dma_start3A_437 = arith.constant 0 : i32
    %dma_start3A_438 = arith.constant 0 : i32
    %dma_start3A_439 = tpu.memref_slice %arg11[%dma_start3A_437, %dma_start3A_438] : memref<1024x128xf32, #tpu.memory_space<vmem_shared>> -> memref<1024x128xf32, #tpu.memory_space<vmem_shared>>
    tpu.enqueue_indirect_dma source(%dma_start3A_436 : memref<64x128xf32, #tpu.memory_space<vmem>>) target(%dma_start3A_439 : memref<1024x128xf32, #tpu.memory_space<vmem_shared>>) offsets(%arg15 : memref<64xi32, #tpu.memory_space<vmem>>) semaphore(%arg28 : memref<!tpu.dma_semaphore, #tpu.memory_space<semaphore_mem>>) {add = true}
    %dma_start3A_440 = arith.constant 0 : i32
    %dma_start3A_441 = arith.constant 0 : i32
    %dma_start3A_442 = arith.constant 0 : i32
    %dma_start3A_443 = tpu.memref_slice %arg10[%dma_start3A_440, %dma_start3A_441, %dma_start3A_442] : memref<2x64x128xf32, #tpu.memory_space<vmem>> -> memref<1x64x128xf32, #tpu.memory_space<vmem>>
    %dma_start3A_444 = tpu.memref_squeeze %dma_start3A_443 : memref<1x64x128xf32, #tpu.memory_space<vmem>> -> memref<64x128xf32, #tpu.memory_space<vmem>>
    %dma_start3A_445 = arith.constant 0 : i32
    %dma_start3A_446 = arith.constant 0 : i32
    %dma_start3A_447 = tpu.memref_slice %arg12[%dma_start3A_445, %dma_start3A_446] : memref<1024x128xf32, #tpu.memory_space<vmem_shared>> -> memref<1024x128xf32, #tpu.memory_space<vmem_shared>>
    tpu.enqueue_indirect_dma source(%dma_start3A_444 : memref<64x128xf32, #tpu.memory_space<vmem>>) target(%dma_start3A_447 : memref<1024x128xf32, #tpu.memory_space<vmem_shared>>) offsets(%arg15 : memref<64xi32, #tpu.memory_space<vmem>>) semaphore(%arg28 : memref<!tpu.dma_semaphore, #tpu.memory_space<semaphore_mem>>) {add = true}
    %dma_wait3A_448 = arith.constant 0 : i32
    %dma_wait3A_449 = arith.constant 0 : i32
    %dma_wait3A_450 = arith.constant 0 : i32
    %dma_wait3A_451 = tpu.memref_slice %arg8[%dma_wait3A_448, %dma_wait3A_449, %dma_wait3A_450] : memref<2x64x256xf32, #tpu.memory_space<vmem>> -> memref<1x64x256xf32, #tpu.memory_space<vmem>>
    %dma_wait3A_452 = tpu.memref_squeeze %dma_wait3A_451 : memref<1x64x256xf32, #tpu.memory_space<vmem>> -> memref<64x256xf32, #tpu.memory_space<vmem>>
    %dma_wait3A_453 = arith.constant 0 : i32
    %dma_wait3A_454 = tpu.memref_slice %arg6[%add3A_384, %dma_wait3A_453] : memref<16384x256xf32, #tpu.memory_space<hbm>> -> memref<64x256xf32, #tpu.memory_space<hbm>>
    %dma_wait3A_455 = arith.constant 0 : i32
    %dma_wait3A_456 = tpu.memref_slice %arg6[%add3A_384, %dma_wait3A_455] : memref<16384x256xf32, #tpu.memory_space<hbm>> -> memref<64x256xf32, #tpu.memory_space<hbm>>
    %dma_wait3A_457 = arith.constant 0 : i32
    %dma_wait3A_458 = arith.constant 0 : i32
    %dma_wait3A_459 = tpu.memref_slice %arg8[%dma_wait3A_448, %dma_wait3A_457, %dma_wait3A_458] : memref<2x64x256xf32, #tpu.memory_space<vmem>> -> memref<1x64x256xf32, #tpu.memory_space<vmem>>
    %dma_wait3A_460 = tpu.memref_squeeze %dma_wait3A_459 : memref<1x64x256xf32, #tpu.memory_space<vmem>> -> memref<64x256xf32, #tpu.memory_space<vmem>>
    tpu.wait_dma2 semaphore(%arg26 : memref<!tpu.dma_semaphore, #tpu.memory_space<semaphore_mem>>) src(%dma_wait3A_460 : memref<64x256xf32, #tpu.memory_space<vmem>>) dst(%dma_wait3A_456 : memref<64x256xf32, #tpu.memory_space<hbm>>)
    %dma_wait3A_461 = arith.constant 0 : i32
    %dma_wait3A_462 = arith.constant 0 : i32
    %dma_wait3A_463 = arith.constant 0 : i32
    %dma_wait3A_464 = tpu.memref_slice %arg9[%dma_wait3A_461, %dma_wait3A_462, %dma_wait3A_463] : memref<2x64x128xf32, #tpu.memory_space<vmem>> -> memref<1x64x128xf32, #tpu.memory_space<vmem>>
    %dma_wait3A_465 = tpu.memref_squeeze %dma_wait3A_464 : memref<1x64x128xf32, #tpu.memory_space<vmem>> -> memref<64x128xf32, #tpu.memory_space<vmem>>
    %dma_wait3A_466 = arith.constant 0 : i32
    %dma_wait3A_467 = arith.constant 0 : i32
    %dma_wait3A_468 = tpu.memref_slice %arg11[%dma_wait3A_466, %dma_wait3A_467] : memref<1024x128xf32, #tpu.memory_space<vmem_shared>> -> memref<1024x128xf32, #tpu.memory_space<vmem_shared>>
    tpu.wait_indirect_dma semaphore(%arg28 : memref<!tpu.dma_semaphore, #tpu.memory_space<semaphore_mem>>) src(%dma_wait3A_465 : memref<64x128xf32, #tpu.memory_space<vmem>>) dst(%dma_wait3A_468 : memref<1024x128xf32, #tpu.memory_space<vmem_shared>>)
    %dma_wait3A_469 = arith.constant 0 : i32
    %dma_wait3A_470 = arith.constant 0 : i32
    %dma_wait3A_471 = arith.constant 0 : i32
    %dma_wait3A_472 = tpu.memref_slice %arg10[%dma_wait3A_469, %dma_wait3A_470, %dma_wait3A_471] : memref<2x64x128xf32, #tpu.memory_space<vmem>> -> memref<1x64x128xf32, #tpu.memory_space<vmem>>
    %dma_wait3A_473 = tpu.memref_squeeze %dma_wait3A_472 : memref<1x64x128xf32, #tpu.memory_space<vmem>> -> memref<64x128xf32, #tpu.memory_space<vmem>>
    %dma_wait3A_474 = arith.constant 0 : i32
    %dma_wait3A_475 = arith.constant 0 : i32
    %dma_wait3A_476 = tpu.memref_slice %arg12[%dma_wait3A_474, %dma_wait3A_475] : memref<1024x128xf32, #tpu.memory_space<vmem_shared>> -> memref<1024x128xf32, #tpu.memory_space<vmem_shared>>
    tpu.wait_indirect_dma semaphore(%arg28 : memref<!tpu.dma_semaphore, #tpu.memory_space<semaphore_mem>>) src(%dma_wait3A_473 : memref<64x128xf32, #tpu.memory_space<vmem>>) dst(%dma_wait3A_476 : memref<1024x128xf32, #tpu.memory_space<vmem_shared>>)
    %add3A_477 = arith.constant 256 : i32
    %add3A_478 = arith.addi %mul3A_2, %add3A_477 : i32
    %dma_start3A_479 = arith.constant 0 : i32
    %dma_start3A_480 = arith.constant 0 : i32
    %dma_start3A_481 = arith.constant 0 : i32
    %dma_start3A_482 = tpu.memref_slice %arg8[%dma_start3A_479, %dma_start3A_480, %dma_start3A_481] : memref<2x64x256xf32, #tpu.memory_space<vmem>> -> memref<1x64x256xf32, #tpu.memory_space<vmem>>
    %dma_start3A_483 = tpu.memref_squeeze %dma_start3A_482 : memref<1x64x256xf32, #tpu.memory_space<vmem>> -> memref<64x256xf32, #tpu.memory_space<vmem>>
    %dma_start3A_484 = arith.constant 0 : i32
    %dma_start3A_485 = arith.constant 0 : i32
    %dma_start3A_486 = tpu.memref_slice %arg4[%dma_start3A_484, %dma_start3A_485] : memref<1024x256xf32, #tpu.memory_space<hbm>> -> memref<1024x256xf32, #tpu.memory_space<hbm>>
    tpu.enqueue_indirect_dma source(%dma_start3A_486 : memref<1024x256xf32, #tpu.memory_space<hbm>>) target(%dma_start3A_483 : memref<64x256xf32, #tpu.memory_space<vmem>>) offsets(%arg17 : memref<64xi32, #tpu.memory_space<vmem>>) semaphore(%arg22 : memref<!tpu.dma_semaphore, #tpu.memory_space<semaphore_mem>>)
    %dma_start3A_487 = arith.constant 0 : i32
    %dma_start3A_488 = arith.constant 0 : i32
    %dma_start3A_489 = arith.constant 0 : i32
    %dma_start3A_490 = tpu.memref_slice %arg9[%dma_start3A_487, %dma_start3A_488, %dma_start3A_489] : memref<2x64x128xf32, #tpu.memory_space<vmem>> -> memref<1x64x128xf32, #tpu.memory_space<vmem>>
    %dma_start3A_491 = tpu.memref_squeeze %dma_start3A_490 : memref<1x64x128xf32, #tpu.memory_space<vmem>> -> memref<64x128xf32, #tpu.memory_space<vmem>>
    %dma_start3A_492 = arith.constant 0 : i32
    %dma_start3A_493 = tpu.memref_slice %arg2[%add3A_478, %dma_start3A_492] : memref<16384x256xf32, #tpu.memory_space<hbm>> -> memref<64x128xf32, #tpu.memory_space<hbm>>
    %dma_start3A_494 = arith.constant 0 : i32
    %dma_start3A_495 = arith.constant 0 : i32
    %dma_start3A_496 = tpu.memref_slice %arg9[%dma_start3A_487, %dma_start3A_494, %dma_start3A_495] : memref<2x64x128xf32, #tpu.memory_space<vmem>> -> memref<1x64x128xf32, #tpu.memory_space<vmem>>
    %dma_start3A_497 = tpu.memref_squeeze %dma_start3A_496 : memref<1x64x128xf32, #tpu.memory_space<vmem>> -> memref<64x128xf32, #tpu.memory_space<vmem>>
    %dma_start3A_498 = arith.constant 0 : i32
    %dma_start3A_499 = tpu.memref_slice %arg2[%add3A_478, %dma_start3A_498] : memref<16384x256xf32, #tpu.memory_space<hbm>> -> memref<64x128xf32, #tpu.memory_space<hbm>>
    tpu.enqueue_dma source(%dma_start3A_499 : memref<64x128xf32, #tpu.memory_space<hbm>>) target(%dma_start3A_497 : memref<64x128xf32, #tpu.memory_space<vmem>>) target_semaphore(%arg24 : memref<!tpu.dma_semaphore, #tpu.memory_space<semaphore_mem>>)
    %dma_start3A_500 = arith.constant 0 : i32
    %dma_start3A_501 = arith.constant 0 : i32
    %dma_start3A_502 = arith.constant 0 : i32
    %dma_start3A_503 = tpu.memref_slice %arg10[%dma_start3A_500, %dma_start3A_501, %dma_start3A_502] : memref<2x64x128xf32, #tpu.memory_space<vmem>> -> memref<1x64x128xf32, #tpu.memory_space<vmem>>
    %dma_start3A_504 = tpu.memref_squeeze %dma_start3A_503 : memref<1x64x128xf32, #tpu.memory_space<vmem>> -> memref<64x128xf32, #tpu.memory_space<vmem>>
    %dma_start3A_505 = arith.constant 128 : i32
    %dma_start3A_506 = tpu.memref_slice %arg2[%add3A_478, %dma_start3A_505] : memref<16384x256xf32, #tpu.memory_space<hbm>> -> memref<64x128xf32, #tpu.memory_space<hbm>>
    %dma_start3A_507 = arith.constant 0 : i32
    %dma_start3A_508 = arith.constant 0 : i32
    %dma_start3A_509 = tpu.memref_slice %arg10[%dma_start3A_500, %dma_start3A_507, %dma_start3A_508] : memref<2x64x128xf32, #tpu.memory_space<vmem>> -> memref<1x64x128xf32, #tpu.memory_space<vmem>>
    %dma_start3A_510 = tpu.memref_squeeze %dma_start3A_509 : memref<1x64x128xf32, #tpu.memory_space<vmem>> -> memref<64x128xf32, #tpu.memory_space<vmem>>
    %dma_start3A_511 = arith.constant 128 : i32
    %dma_start3A_512 = tpu.memref_slice %arg2[%add3A_478, %dma_start3A_511] : memref<16384x256xf32, #tpu.memory_space<hbm>> -> memref<64x128xf32, #tpu.memory_space<hbm>>
    tpu.enqueue_dma source(%dma_start3A_512 : memref<64x128xf32, #tpu.memory_space<hbm>>) target(%dma_start3A_510 : memref<64x128xf32, #tpu.memory_space<vmem>>) target_semaphore(%arg24 : memref<!tpu.dma_semaphore, #tpu.memory_space<semaphore_mem>>)
    %add3A_513 = arith.constant 192 : i32
    %add3A_514 = arith.addi %mul3A_2, %add3A_513 : i32
    %dma_wait3A_515 = arith.constant 1 : i32
    %dma_wait3A_516 = arith.constant 0 : i32
    %dma_wait3A_517 = arith.constant 0 : i32
    %dma_wait3A_518 = tpu.memref_slice %arg8[%dma_wait3A_515, %dma_wait3A_516, %dma_wait3A_517] : memref<2x64x256xf32, #tpu.memory_space<vmem>> -> memref<1x64x256xf32, #tpu.memory_space<vmem>>
    %dma_wait3A_519 = tpu.memref_squeeze %dma_wait3A_518 : memref<1x64x256xf32, #tpu.memory_space<vmem>> -> memref<64x256xf32, #tpu.memory_space<vmem>>
    %dma_wait3A_520 = arith.constant 0 : i32
    %dma_wait3A_521 = arith.constant 0 : i32
    %dma_wait3A_522 = tpu.memref_slice %arg4[%dma_wait3A_520, %dma_wait3A_521] : memref<1024x256xf32, #tpu.memory_space<hbm>> -> memref<1024x256xf32, #tpu.memory_space<hbm>>
    tpu.wait_indirect_dma semaphore(%arg23 : memref<!tpu.dma_semaphore, #tpu.memory_space<semaphore_mem>>) src(%dma_wait3A_522 : memref<1024x256xf32, #tpu.memory_space<hbm>>) dst(%dma_wait3A_519 : memref<64x256xf32, #tpu.memory_space<vmem>>)
    %dma_start3A_523 = arith.constant 1 : i32
    %dma_start3A_524 = arith.constant 0 : i32
    %dma_start3A_525 = arith.constant 0 : i32
    %dma_start3A_526 = tpu.memref_slice %arg8[%dma_start3A_523, %dma_start3A_524, %dma_start3A_525] : memref<2x64x256xf32, #tpu.memory_space<vmem>> -> memref<1x64x256xf32, #tpu.memory_space<vmem>>
    %dma_start3A_527 = tpu.memref_squeeze %dma_start3A_526 : memref<1x64x256xf32, #tpu.memory_space<vmem>> -> memref<64x256xf32, #tpu.memory_space<vmem>>
    %dma_start3A_528 = arith.constant 0 : i32
    %dma_start3A_529 = tpu.memref_slice %arg6[%add3A_514, %dma_start3A_528] : memref<16384x256xf32, #tpu.memory_space<hbm>> -> memref<64x256xf32, #tpu.memory_space<hbm>>
    %dma_start3A_530 = arith.constant 0 : i32
    %dma_start3A_531 = tpu.memref_slice %arg6[%add3A_514, %dma_start3A_530] : memref<16384x256xf32, #tpu.memory_space<hbm>> -> memref<64x256xf32, #tpu.memory_space<hbm>>
    %dma_start3A_532 = arith.constant 0 : i32
    %dma_start3A_533 = arith.constant 0 : i32
    %dma_start3A_534 = tpu.memref_slice %arg8[%dma_start3A_523, %dma_start3A_532, %dma_start3A_533] : memref<2x64x256xf32, #tpu.memory_space<vmem>> -> memref<1x64x256xf32, #tpu.memory_space<vmem>>
    %dma_start3A_535 = tpu.memref_squeeze %dma_start3A_534 : memref<1x64x256xf32, #tpu.memory_space<vmem>> -> memref<64x256xf32, #tpu.memory_space<vmem>>
    tpu.enqueue_dma source(%dma_start3A_535 : memref<64x256xf32, #tpu.memory_space<vmem>>) target(%dma_start3A_531 : memref<64x256xf32, #tpu.memory_space<hbm>>) target_semaphore(%arg27 : memref<!tpu.dma_semaphore, #tpu.memory_space<semaphore_mem>>)
    %dma_wait3A_536 = arith.constant 1 : i32
    %dma_wait3A_537 = arith.constant 0 : i32
    %dma_wait3A_538 = arith.constant 0 : i32
    %dma_wait3A_539 = tpu.memref_slice %arg9[%dma_wait3A_536, %dma_wait3A_537, %dma_wait3A_538] : memref<2x64x128xf32, #tpu.memory_space<vmem>> -> memref<1x64x128xf32, #tpu.memory_space<vmem>>
    %dma_wait3A_540 = tpu.memref_squeeze %dma_wait3A_539 : memref<1x64x128xf32, #tpu.memory_space<vmem>> -> memref<64x128xf32, #tpu.memory_space<vmem>>
    %dma_wait3A_541 = arith.constant 0 : i32
    %dma_wait3A_542 = tpu.memref_slice %arg2[%add3A_348, %dma_wait3A_541] : memref<16384x256xf32, #tpu.memory_space<hbm>> -> memref<64x128xf32, #tpu.memory_space<hbm>>
    %dma_wait3A_543 = arith.constant 0 : i32
    %dma_wait3A_544 = arith.constant 0 : i32
    %dma_wait3A_545 = tpu.memref_slice %arg9[%dma_wait3A_536, %dma_wait3A_543, %dma_wait3A_544] : memref<2x64x128xf32, #tpu.memory_space<vmem>> -> memref<1x64x128xf32, #tpu.memory_space<vmem>>
    %dma_wait3A_546 = tpu.memref_squeeze %dma_wait3A_545 : memref<1x64x128xf32, #tpu.memory_space<vmem>> -> memref<64x128xf32, #tpu.memory_space<vmem>>
    %dma_wait3A_547 = arith.constant 0 : i32
    %dma_wait3A_548 = tpu.memref_slice %arg2[%add3A_348, %dma_wait3A_547] : memref<16384x256xf32, #tpu.memory_space<hbm>> -> memref<64x128xf32, #tpu.memory_space<hbm>>
    tpu.wait_dma2 semaphore(%arg25 : memref<!tpu.dma_semaphore, #tpu.memory_space<semaphore_mem>>) src(%dma_wait3A_548 : memref<64x128xf32, #tpu.memory_space<hbm>>) dst(%dma_wait3A_546 : memref<64x128xf32, #tpu.memory_space<vmem>>)
    %dma_wait3A_549 = arith.constant 1 : i32
    %dma_wait3A_550 = arith.constant 0 : i32
    %dma_wait3A_551 = arith.constant 0 : i32
    %dma_wait3A_552 = tpu.memref_slice %arg10[%dma_wait3A_549, %dma_wait3A_550, %dma_wait3A_551] : memref<2x64x128xf32, #tpu.memory_space<vmem>> -> memref<1x64x128xf32, #tpu.memory_space<vmem>>
    %dma_wait3A_553 = tpu.memref_squeeze %dma_wait3A_552 : memref<1x64x128xf32, #tpu.memory_space<vmem>> -> memref<64x128xf32, #tpu.memory_space<vmem>>
    %dma_wait3A_554 = arith.constant 128 : i32
    %dma_wait3A_555 = tpu.memref_slice %arg2[%add3A_348, %dma_wait3A_554] : memref<16384x256xf32, #tpu.memory_space<hbm>> -> memref<64x128xf32, #tpu.memory_space<hbm>>
    %dma_wait3A_556 = arith.constant 0 : i32
    %dma_wait3A_557 = arith.constant 0 : i32
    %dma_wait3A_558 = tpu.memref_slice %arg10[%dma_wait3A_549, %dma_wait3A_556, %dma_wait3A_557] : memref<2x64x128xf32, #tpu.memory_space<vmem>> -> memref<1x64x128xf32, #tpu.memory_space<vmem>>
    %dma_wait3A_559 = tpu.memref_squeeze %dma_wait3A_558 : memref<1x64x128xf32, #tpu.memory_space<vmem>> -> memref<64x128xf32, #tpu.memory_space<vmem>>
    %dma_wait3A_560 = arith.constant 128 : i32
    %dma_wait3A_561 = tpu.memref_slice %arg2[%add3A_348, %dma_wait3A_560] : memref<16384x256xf32, #tpu.memory_space<hbm>> -> memref<64x128xf32, #tpu.memory_space<hbm>>
    tpu.wait_dma2 semaphore(%arg25 : memref<!tpu.dma_semaphore, #tpu.memory_space<semaphore_mem>>) src(%dma_wait3A_561 : memref<64x128xf32, #tpu.memory_space<hbm>>) dst(%dma_wait3A_559 : memref<64x128xf32, #tpu.memory_space<vmem>>)
    %dma_start3A_562 = arith.constant 1 : i32
    %dma_start3A_563 = arith.constant 0 : i32
    %dma_start3A_564 = arith.constant 0 : i32
    %dma_start3A_565 = tpu.memref_slice %arg9[%dma_start3A_562, %dma_start3A_563, %dma_start3A_564] : memref<2x64x128xf32, #tpu.memory_space<vmem>> -> memref<1x64x128xf32, #tpu.memory_space<vmem>>
    %dma_start3A_566 = tpu.memref_squeeze %dma_start3A_565 : memref<1x64x128xf32, #tpu.memory_space<vmem>> -> memref<64x128xf32, #tpu.memory_space<vmem>>
    %dma_start3A_567 = arith.constant 0 : i32
    %dma_start3A_568 = arith.constant 0 : i32
    %dma_start3A_569 = tpu.memref_slice %arg11[%dma_start3A_567, %dma_start3A_568] : memref<1024x128xf32, #tpu.memory_space<vmem_shared>> -> memref<1024x128xf32, #tpu.memory_space<vmem_shared>>
    tpu.enqueue_indirect_dma source(%dma_start3A_566 : memref<64x128xf32, #tpu.memory_space<vmem>>) target(%dma_start3A_569 : memref<1024x128xf32, #tpu.memory_space<vmem_shared>>) offsets(%arg16 : memref<64xi32, #tpu.memory_space<vmem>>) semaphore(%arg29 : memref<!tpu.dma_semaphore, #tpu.memory_space<semaphore_mem>>) {add = true}
    %dma_start3A_570 = arith.constant 1 : i32
    %dma_start3A_571 = arith.constant 0 : i32
    %dma_start3A_572 = arith.constant 0 : i32
    %dma_start3A_573 = tpu.memref_slice %arg10[%dma_start3A_570, %dma_start3A_571, %dma_start3A_572] : memref<2x64x128xf32, #tpu.memory_space<vmem>> -> memref<1x64x128xf32, #tpu.memory_space<vmem>>
    %dma_start3A_574 = tpu.memref_squeeze %dma_start3A_573 : memref<1x64x128xf32, #tpu.memory_space<vmem>> -> memref<64x128xf32, #tpu.memory_space<vmem>>
    %dma_start3A_575 = arith.constant 0 : i32
    %dma_start3A_576 = arith.constant 0 : i32
    %dma_start3A_577 = tpu.memref_slice %arg12[%dma_start3A_575, %dma_start3A_576] : memref<1024x128xf32, #tpu.memory_space<vmem_shared>> -> memref<1024x128xf32, #tpu.memory_space<vmem_shared>>
    tpu.enqueue_indirect_dma source(%dma_start3A_574 : memref<64x128xf32, #tpu.memory_space<vmem>>) target(%dma_start3A_577 : memref<1024x128xf32, #tpu.memory_space<vmem_shared>>) offsets(%arg16 : memref<64xi32, #tpu.memory_space<vmem>>) semaphore(%arg29 : memref<!tpu.dma_semaphore, #tpu.memory_space<semaphore_mem>>) {add = true}
    %dma_wait3A_578 = arith.constant 1 : i32
    %dma_wait3A_579 = arith.constant 0 : i32
    %dma_wait3A_580 = arith.constant 0 : i32
    %dma_wait3A_581 = tpu.memref_slice %arg8[%dma_wait3A_578, %dma_wait3A_579, %dma_wait3A_580] : memref<2x64x256xf32, #tpu.memory_space<vmem>> -> memref<1x64x256xf32, #tpu.memory_space<vmem>>
    %dma_wait3A_582 = tpu.memref_squeeze %dma_wait3A_581 : memref<1x64x256xf32, #tpu.memory_space<vmem>> -> memref<64x256xf32, #tpu.memory_space<vmem>>
    %dma_wait3A_583 = arith.constant 0 : i32
    %dma_wait3A_584 = tpu.memref_slice %arg6[%add3A_514, %dma_wait3A_583] : memref<16384x256xf32, #tpu.memory_space<hbm>> -> memref<64x256xf32, #tpu.memory_space<hbm>>
    %dma_wait3A_585 = arith.constant 0 : i32
    %dma_wait3A_586 = tpu.memref_slice %arg6[%add3A_514, %dma_wait3A_585] : memref<16384x256xf32, #tpu.memory_space<hbm>> -> memref<64x256xf32, #tpu.memory_space<hbm>>
    %dma_wait3A_587 = arith.constant 0 : i32
    %dma_wait3A_588 = arith.constant 0 : i32
    %dma_wait3A_589 = tpu.memref_slice %arg8[%dma_wait3A_578, %dma_wait3A_587, %dma_wait3A_588] : memref<2x64x256xf32, #tpu.memory_space<vmem>> -> memref<1x64x256xf32, #tpu.memory_space<vmem>>
    %dma_wait3A_590 = tpu.memref_squeeze %dma_wait3A_589 : memref<1x64x256xf32, #tpu.memory_space<vmem>> -> memref<64x256xf32, #tpu.memory_space<vmem>>
    tpu.wait_dma2 semaphore(%arg27 : memref<!tpu.dma_semaphore, #tpu.memory_space<semaphore_mem>>) src(%dma_wait3A_590 : memref<64x256xf32, #tpu.memory_space<vmem>>) dst(%dma_wait3A_586 : memref<64x256xf32, #tpu.memory_space<hbm>>)
    %dma_wait3A_591 = arith.constant 1 : i32
    %dma_wait3A_592 = arith.constant 0 : i32
    %dma_wait3A_593 = arith.constant 0 : i32
    %dma_wait3A_594 = tpu.memref_slice %arg9[%dma_wait3A_591, %dma_wait3A_592, %dma_wait3A_593] : memref<2x64x128xf32, #tpu.memory_space<vmem>> -> memref<1x64x128xf32, #tpu.memory_space<vmem>>
    %dma_wait3A_595 = tpu.memref_squeeze %dma_wait3A_594 : memref<1x64x128xf32, #tpu.memory_space<vmem>> -> memref<64x128xf32, #tpu.memory_space<vmem>>
    %dma_wait3A_596 = arith.constant 0 : i32
    %dma_wait3A_597 = arith.constant 0 : i32
    %dma_wait3A_598 = tpu.memref_slice %arg11[%dma_wait3A_596, %dma_wait3A_597] : memref<1024x128xf32, #tpu.memory_space<vmem_shared>> -> memref<1024x128xf32, #tpu.memory_space<vmem_shared>>
    tpu.wait_indirect_dma semaphore(%arg29 : memref<!tpu.dma_semaphore, #tpu.memory_space<semaphore_mem>>) src(%dma_wait3A_595 : memref<64x128xf32, #tpu.memory_space<vmem>>) dst(%dma_wait3A_598 : memref<1024x128xf32, #tpu.memory_space<vmem_shared>>)
    %dma_wait3A_599 = arith.constant 1 : i32
    %dma_wait3A_600 = arith.constant 0 : i32
    %dma_wait3A_601 = arith.constant 0 : i32
    %dma_wait3A_602 = tpu.memref_slice %arg10[%dma_wait3A_599, %dma_wait3A_600, %dma_wait3A_601] : memref<2x64x128xf32, #tpu.memory_space<vmem>> -> memref<1x64x128xf32, #tpu.memory_space<vmem>>
    %dma_wait3A_603 = tpu.memref_squeeze %dma_wait3A_602 : memref<1x64x128xf32, #tpu.memory_space<vmem>> -> memref<64x128xf32, #tpu.memory_space<vmem>>
    %dma_wait3A_604 = arith.constant 0 : i32
    %dma_wait3A_605 = arith.constant 0 : i32
    %dma_wait3A_606 = tpu.memref_slice %arg12[%dma_wait3A_604, %dma_wait3A_605] : memref<1024x128xf32, #tpu.memory_space<vmem_shared>> -> memref<1024x128xf32, #tpu.memory_space<vmem_shared>>
    tpu.wait_indirect_dma semaphore(%arg29 : memref<!tpu.dma_semaphore, #tpu.memory_space<semaphore_mem>>) src(%dma_wait3A_603 : memref<64x128xf32, #tpu.memory_space<vmem>>) dst(%dma_wait3A_606 : memref<1024x128xf32, #tpu.memory_space<vmem_shared>>)
    %add3A_607 = arith.constant 320 : i32
    %add3A_608 = arith.addi %mul3A_2, %add3A_607 : i32
    %dma_start3A_609 = arith.constant 1 : i32
    %dma_start3A_610 = arith.constant 0 : i32
    %dma_start3A_611 = arith.constant 0 : i32
    %dma_start3A_612 = tpu.memref_slice %arg8[%dma_start3A_609, %dma_start3A_610, %dma_start3A_611] : memref<2x64x256xf32, #tpu.memory_space<vmem>> -> memref<1x64x256xf32, #tpu.memory_space<vmem>>
    %dma_start3A_613 = tpu.memref_squeeze %dma_start3A_612 : memref<1x64x256xf32, #tpu.memory_space<vmem>> -> memref<64x256xf32, #tpu.memory_space<vmem>>
    %dma_start3A_614 = arith.constant 0 : i32
    %dma_start3A_615 = arith.constant 0 : i32
    %dma_start3A_616 = tpu.memref_slice %arg4[%dma_start3A_614, %dma_start3A_615] : memref<1024x256xf32, #tpu.memory_space<hbm>> -> memref<1024x256xf32, #tpu.memory_space<hbm>>
    tpu.enqueue_indirect_dma source(%dma_start3A_616 : memref<1024x256xf32, #tpu.memory_space<hbm>>) target(%dma_start3A_613 : memref<64x256xf32, #tpu.memory_space<vmem>>) offsets(%arg18 : memref<64xi32, #tpu.memory_space<vmem>>) semaphore(%arg23 : memref<!tpu.dma_semaphore, #tpu.memory_space<semaphore_mem>>)
    %dma_start3A_617 = arith.constant 1 : i32
    %dma_start3A_618 = arith.constant 0 : i32
    %dma_start3A_619 = arith.constant 0 : i32
    %dma_start3A_620 = tpu.memref_slice %arg9[%dma_start3A_617, %dma_start3A_618, %dma_start3A_619] : memref<2x64x128xf32, #tpu.memory_space<vmem>> -> memref<1x64x128xf32, #tpu.memory_space<vmem>>
    %dma_start3A_621 = tpu.memref_squeeze %dma_start3A_620 : memref<1x64x128xf32, #tpu.memory_space<vmem>> -> memref<64x128xf32, #tpu.memory_space<vmem>>
    %dma_start3A_622 = arith.constant 0 : i32
    %dma_start3A_623 = tpu.memref_slice %arg2[%add3A_608, %dma_start3A_622] : memref<16384x256xf32, #tpu.memory_space<hbm>> -> memref<64x128xf32, #tpu.memory_space<hbm>>
    %dma_start3A_624 = arith.constant 0 : i32
    %dma_start3A_625 = arith.constant 0 : i32
    %dma_start3A_626 = tpu.memref_slice %arg9[%dma_start3A_617, %dma_start3A_624, %dma_start3A_625] : memref<2x64x128xf32, #tpu.memory_space<vmem>> -> memref<1x64x128xf32, #tpu.memory_space<vmem>>
    %dma_start3A_627 = tpu.memref_squeeze %dma_start3A_626 : memref<1x64x128xf32, #tpu.memory_space<vmem>> -> memref<64x128xf32, #tpu.memory_space<vmem>>
    %dma_start3A_628 = arith.constant 0 : i32
    %dma_start3A_629 = tpu.memref_slice %arg2[%add3A_608, %dma_start3A_628] : memref<16384x256xf32, #tpu.memory_space<hbm>> -> memref<64x128xf32, #tpu.memory_space<hbm>>
    tpu.enqueue_dma source(%dma_start3A_629 : memref<64x128xf32, #tpu.memory_space<hbm>>) target(%dma_start3A_627 : memref<64x128xf32, #tpu.memory_space<vmem>>) target_semaphore(%arg25 : memref<!tpu.dma_semaphore, #tpu.memory_space<semaphore_mem>>)
    %dma_start3A_630 = arith.constant 1 : i32
    %dma_start3A_631 = arith.constant 0 : i32
    %dma_start3A_632 = arith.constant 0 : i32
    %dma_start3A_633 = tpu.memref_slice %arg10[%dma_start3A_630, %dma_start3A_631, %dma_start3A_632] : memref<2x64x128xf32, #tpu.memory_space<vmem>> -> memref<1x64x128xf32, #tpu.memory_space<vmem>>
    %dma_start3A_634 = tpu.memref_squeeze %dma_start3A_633 : memref<1x64x128xf32, #tpu.memory_space<vmem>> -> memref<64x128xf32, #tpu.memory_space<vmem>>
    %dma_start3A_635 = arith.constant 128 : i32
    %dma_start3A_636 = tpu.memref_slice %arg2[%add3A_608, %dma_start3A_635] : memref<16384x256xf32, #tpu.memory_space<hbm>> -> memref<64x128xf32, #tpu.memory_space<hbm>>
    %dma_start3A_637 = arith.constant 0 : i32
    %dma_start3A_638 = arith.constant 0 : i32
    %dma_start3A_639 = tpu.memref_slice %arg10[%dma_start3A_630, %dma_start3A_637, %dma_start3A_638] : memref<2x64x128xf32, #tpu.memory_space<vmem>> -> memref<1x64x128xf32, #tpu.memory_space<vmem>>
    %dma_start3A_640 = tpu.memref_squeeze %dma_start3A_639 : memref<1x64x128xf32, #tpu.memory_space<vmem>> -> memref<64x128xf32, #tpu.memory_space<vmem>>
    %dma_start3A_641 = arith.constant 128 : i32
    %dma_start3A_642 = tpu.memref_slice %arg2[%add3A_608, %dma_start3A_641] : memref<16384x256xf32, #tpu.memory_space<hbm>> -> memref<64x128xf32, #tpu.memory_space<hbm>>
    tpu.enqueue_dma source(%dma_start3A_642 : memref<64x128xf32, #tpu.memory_space<hbm>>) target(%dma_start3A_640 : memref<64x128xf32, #tpu.memory_space<vmem>>) target_semaphore(%arg25 : memref<!tpu.dma_semaphore, #tpu.memory_space<semaphore_mem>>)
    %add3A_643 = arith.constant 256 : i32
    %add3A_644 = arith.addi %mul3A_2, %add3A_643 : i32
    %dma_wait3A_645 = arith.constant 0 : i32
    %dma_wait3A_646 = arith.constant 0 : i32
    %dma_wait3A_647 = arith.constant 0 : i32
    %dma_wait3A_648 = tpu.memref_slice %arg8[%dma_wait3A_645, %dma_wait3A_646, %dma_wait3A_647] : memref<2x64x256xf32, #tpu.memory_space<vmem>> -> memref<1x64x256xf32, #tpu.memory_space<vmem>>
    %dma_wait3A_649 = tpu.memref_squeeze %dma_wait3A_648 : memref<1x64x256xf32, #tpu.memory_space<vmem>> -> memref<64x256xf32, #tpu.memory_space<vmem>>
    %dma_wait3A_650 = arith.constant 0 : i32
    %dma_wait3A_651 = arith.constant 0 : i32
    %dma_wait3A_652 = tpu.memref_slice %arg4[%dma_wait3A_650, %dma_wait3A_651] : memref<1024x256xf32, #tpu.memory_space<hbm>> -> memref<1024x256xf32, #tpu.memory_space<hbm>>
    tpu.wait_indirect_dma semaphore(%arg22 : memref<!tpu.dma_semaphore, #tpu.memory_space<semaphore_mem>>) src(%dma_wait3A_652 : memref<1024x256xf32, #tpu.memory_space<hbm>>) dst(%dma_wait3A_649 : memref<64x256xf32, #tpu.memory_space<vmem>>)
    %dma_start3A_653 = arith.constant 0 : i32
    %dma_start3A_654 = arith.constant 0 : i32
    %dma_start3A_655 = arith.constant 0 : i32
    %dma_start3A_656 = tpu.memref_slice %arg8[%dma_start3A_653, %dma_start3A_654, %dma_start3A_655] : memref<2x64x256xf32, #tpu.memory_space<vmem>> -> memref<1x64x256xf32, #tpu.memory_space<vmem>>
    %dma_start3A_657 = tpu.memref_squeeze %dma_start3A_656 : memref<1x64x256xf32, #tpu.memory_space<vmem>> -> memref<64x256xf32, #tpu.memory_space<vmem>>
    %dma_start3A_658 = arith.constant 0 : i32
    %dma_start3A_659 = tpu.memref_slice %arg6[%add3A_644, %dma_start3A_658] : memref<16384x256xf32, #tpu.memory_space<hbm>> -> memref<64x256xf32, #tpu.memory_space<hbm>>
    %dma_start3A_660 = arith.constant 0 : i32
    %dma_start3A_661 = tpu.memref_slice %arg6[%add3A_644, %dma_start3A_660] : memref<16384x256xf32, #tpu.memory_space<hbm>> -> memref<64x256xf32, #tpu.memory_space<hbm>>
    %dma_start3A_662 = arith.constant 0 : i32
    %dma_start3A_663 = arith.constant 0 : i32
    %dma_start3A_664 = tpu.memref_slice %arg8[%dma_start3A_653, %dma_start3A_662, %dma_start3A_663] : memref<2x64x256xf32, #tpu.memory_space<vmem>> -> memref<1x64x256xf32, #tpu.memory_space<vmem>>
    %dma_start3A_665 = tpu.memref_squeeze %dma_start3A_664 : memref<1x64x256xf32, #tpu.memory_space<vmem>> -> memref<64x256xf32, #tpu.memory_space<vmem>>
    tpu.enqueue_dma source(%dma_start3A_665 : memref<64x256xf32, #tpu.memory_space<vmem>>) target(%dma_start3A_661 : memref<64x256xf32, #tpu.memory_space<hbm>>) target_semaphore(%arg26 : memref<!tpu.dma_semaphore, #tpu.memory_space<semaphore_mem>>)
    %dma_wait3A_666 = arith.constant 0 : i32
    %dma_wait3A_667 = arith.constant 0 : i32
    %dma_wait3A_668 = arith.constant 0 : i32
    %dma_wait3A_669 = tpu.memref_slice %arg9[%dma_wait3A_666, %dma_wait3A_667, %dma_wait3A_668] : memref<2x64x128xf32, #tpu.memory_space<vmem>> -> memref<1x64x128xf32, #tpu.memory_space<vmem>>
    %dma_wait3A_670 = tpu.memref_squeeze %dma_wait3A_669 : memref<1x64x128xf32, #tpu.memory_space<vmem>> -> memref<64x128xf32, #tpu.memory_space<vmem>>
    %dma_wait3A_671 = arith.constant 0 : i32
    %dma_wait3A_672 = tpu.memref_slice %arg2[%add3A_478, %dma_wait3A_671] : memref<16384x256xf32, #tpu.memory_space<hbm>> -> memref<64x128xf32, #tpu.memory_space<hbm>>
    %dma_wait3A_673 = arith.constant 0 : i32
    %dma_wait3A_674 = arith.constant 0 : i32
    %dma_wait3A_675 = tpu.memref_slice %arg9[%dma_wait3A_666, %dma_wait3A_673, %dma_wait3A_674] : memref<2x64x128xf32, #tpu.memory_space<vmem>> -> memref<1x64x128xf32, #tpu.memory_space<vmem>>
    %dma_wait3A_676 = tpu.memref_squeeze %dma_wait3A_675 : memref<1x64x128xf32, #tpu.memory_space<vmem>> -> memref<64x128xf32, #tpu.memory_space<vmem>>
    %dma_wait3A_677 = arith.constant 0 : i32
    %dma_wait3A_678 = tpu.memref_slice %arg2[%add3A_478, %dma_wait3A_677] : memref<16384x256xf32, #tpu.memory_space<hbm>> -> memref<64x128xf32, #tpu.memory_space<hbm>>
    tpu.wait_dma2 semaphore(%arg24 : memref<!tpu.dma_semaphore, #tpu.memory_space<semaphore_mem>>) src(%dma_wait3A_678 : memref<64x128xf32, #tpu.memory_space<hbm>>) dst(%dma_wait3A_676 : memref<64x128xf32, #tpu.memory_space<vmem>>)
    %dma_wait3A_679 = arith.constant 0 : i32
    %dma_wait3A_680 = arith.constant 0 : i32
    %dma_wait3A_681 = arith.constant 0 : i32
    %dma_wait3A_682 = tpu.memref_slice %arg10[%dma_wait3A_679, %dma_wait3A_680, %dma_wait3A_681] : memref<2x64x128xf32, #tpu.memory_space<vmem>> -> memref<1x64x128xf32, #tpu.memory_space<vmem>>
    %dma_wait3A_683 = tpu.memref_squeeze %dma_wait3A_682 : memref<1x64x128xf32, #tpu.memory_space<vmem>> -> memref<64x128xf32, #tpu.memory_space<vmem>>
    %dma_wait3A_684 = arith.constant 128 : i32
    %dma_wait3A_685 = tpu.memref_slice %arg2[%add3A_478, %dma_wait3A_684] : memref<16384x256xf32, #tpu.memory_space<hbm>> -> memref<64x128xf32, #tpu.memory_space<hbm>>
    %dma_wait3A_686 = arith.constant 0 : i32
    %dma_wait3A_687 = arith.constant 0 : i32
    %dma_wait3A_688 = tpu.memref_slice %arg10[%dma_wait3A_679, %dma_wait3A_686, %dma_wait3A_687] : memref<2x64x128xf32, #tpu.memory_space<vmem>> -> memref<1x64x128xf32, #tpu.memory_space<vmem>>
    %dma_wait3A_689 = tpu.memref_squeeze %dma_wait3A_688 : memref<1x64x128xf32, #tpu.memory_space<vmem>> -> memref<64x128xf32, #tpu.memory_space<vmem>>
    %dma_wait3A_690 = arith.constant 128 : i32
    %dma_wait3A_691 = tpu.memref_slice %arg2[%add3A_478, %dma_wait3A_690] : memref<16384x256xf32, #tpu.memory_space<hbm>> -> memref<64x128xf32, #tpu.memory_space<hbm>>
    tpu.wait_dma2 semaphore(%arg24 : memref<!tpu.dma_semaphore, #tpu.memory_space<semaphore_mem>>) src(%dma_wait3A_691 : memref<64x128xf32, #tpu.memory_space<hbm>>) dst(%dma_wait3A_689 : memref<64x128xf32, #tpu.memory_space<vmem>>)
    %dma_start3A_692 = arith.constant 0 : i32
    %dma_start3A_693 = arith.constant 0 : i32
    %dma_start3A_694 = arith.constant 0 : i32
    %dma_start3A_695 = tpu.memref_slice %arg9[%dma_start3A_692, %dma_start3A_693, %dma_start3A_694] : memref<2x64x128xf32, #tpu.memory_space<vmem>> -> memref<1x64x128xf32, #tpu.memory_space<vmem>>
    %dma_start3A_696 = tpu.memref_squeeze %dma_start3A_695 : memref<1x64x128xf32, #tpu.memory_space<vmem>> -> memref<64x128xf32, #tpu.memory_space<vmem>>
    %dma_start3A_697 = arith.constant 0 : i32
    %dma_start3A_698 = arith.constant 0 : i32
    %dma_start3A_699 = tpu.memref_slice %arg11[%dma_start3A_697, %dma_start3A_698] : memref<1024x128xf32, #tpu.memory_space<vmem_shared>> -> memref<1024x128xf32, #tpu.memory_space<vmem_shared>>
    tpu.enqueue_indirect_dma source(%dma_start3A_696 : memref<64x128xf32, #tpu.memory_space<vmem>>) target(%dma_start3A_699 : memref<1024x128xf32, #tpu.memory_space<vmem_shared>>) offsets(%arg17 : memref<64xi32, #tpu.memory_space<vmem>>) semaphore(%arg28 : memref<!tpu.dma_semaphore, #tpu.memory_space<semaphore_mem>>) {add = true}
    %dma_start3A_700 = arith.constant 0 : i32
    %dma_start3A_701 = arith.constant 0 : i32
    %dma_start3A_702 = arith.constant 0 : i32
    %dma_start3A_703 = tpu.memref_slice %arg10[%dma_start3A_700, %dma_start3A_701, %dma_start3A_702] : memref<2x64x128xf32, #tpu.memory_space<vmem>> -> memref<1x64x128xf32, #tpu.memory_space<vmem>>
    %dma_start3A_704 = tpu.memref_squeeze %dma_start3A_703 : memref<1x64x128xf32, #tpu.memory_space<vmem>> -> memref<64x128xf32, #tpu.memory_space<vmem>>
    %dma_start3A_705 = arith.constant 0 : i32
    %dma_start3A_706 = arith.constant 0 : i32
    %dma_start3A_707 = tpu.memref_slice %arg12[%dma_start3A_705, %dma_start3A_706] : memref<1024x128xf32, #tpu.memory_space<vmem_shared>> -> memref<1024x128xf32, #tpu.memory_space<vmem_shared>>
    tpu.enqueue_indirect_dma source(%dma_start3A_704 : memref<64x128xf32, #tpu.memory_space<vmem>>) target(%dma_start3A_707 : memref<1024x128xf32, #tpu.memory_space<vmem_shared>>) offsets(%arg17 : memref<64xi32, #tpu.memory_space<vmem>>) semaphore(%arg28 : memref<!tpu.dma_semaphore, #tpu.memory_space<semaphore_mem>>) {add = true}
    %dma_wait3A_708 = arith.constant 0 : i32
    %dma_wait3A_709 = arith.constant 0 : i32
    %dma_wait3A_710 = arith.constant 0 : i32
    %dma_wait3A_711 = tpu.memref_slice %arg8[%dma_wait3A_708, %dma_wait3A_709, %dma_wait3A_710] : memref<2x64x256xf32, #tpu.memory_space<vmem>> -> memref<1x64x256xf32, #tpu.memory_space<vmem>>
    %dma_wait3A_712 = tpu.memref_squeeze %dma_wait3A_711 : memref<1x64x256xf32, #tpu.memory_space<vmem>> -> memref<64x256xf32, #tpu.memory_space<vmem>>
    %dma_wait3A_713 = arith.constant 0 : i32
    %dma_wait3A_714 = tpu.memref_slice %arg6[%add3A_644, %dma_wait3A_713] : memref<16384x256xf32, #tpu.memory_space<hbm>> -> memref<64x256xf32, #tpu.memory_space<hbm>>
    %dma_wait3A_715 = arith.constant 0 : i32
    %dma_wait3A_716 = tpu.memref_slice %arg6[%add3A_644, %dma_wait3A_715] : memref<16384x256xf32, #tpu.memory_space<hbm>> -> memref<64x256xf32, #tpu.memory_space<hbm>>
    %dma_wait3A_717 = arith.constant 0 : i32
    %dma_wait3A_718 = arith.constant 0 : i32
    %dma_wait3A_719 = tpu.memref_slice %arg8[%dma_wait3A_708, %dma_wait3A_717, %dma_wait3A_718] : memref<2x64x256xf32, #tpu.memory_space<vmem>> -> memref<1x64x256xf32, #tpu.memory_space<vmem>>
    %dma_wait3A_720 = tpu.memref_squeeze %dma_wait3A_719 : memref<1x64x256xf32, #tpu.memory_space<vmem>> -> memref<64x256xf32, #tpu.memory_space<vmem>>
    tpu.wait_dma2 semaphore(%arg26 : memref<!tpu.dma_semaphore, #tpu.memory_space<semaphore_mem>>) src(%dma_wait3A_720 : memref<64x256xf32, #tpu.memory_space<vmem>>) dst(%dma_wait3A_716 : memref<64x256xf32, #tpu.memory_space<hbm>>)
    %dma_wait3A_721 = arith.constant 0 : i32
    %dma_wait3A_722 = arith.constant 0 : i32
    %dma_wait3A_723 = arith.constant 0 : i32
    %dma_wait3A_724 = tpu.memref_slice %arg9[%dma_wait3A_721, %dma_wait3A_722, %dma_wait3A_723] : memref<2x64x128xf32, #tpu.memory_space<vmem>> -> memref<1x64x128xf32, #tpu.memory_space<vmem>>
    %dma_wait3A_725 = tpu.memref_squeeze %dma_wait3A_724 : memref<1x64x128xf32, #tpu.memory_space<vmem>> -> memref<64x128xf32, #tpu.memory_space<vmem>>
    %dma_wait3A_726 = arith.constant 0 : i32
    %dma_wait3A_727 = arith.constant 0 : i32
    %dma_wait3A_728 = tpu.memref_slice %arg11[%dma_wait3A_726, %dma_wait3A_727] : memref<1024x128xf32, #tpu.memory_space<vmem_shared>> -> memref<1024x128xf32, #tpu.memory_space<vmem_shared>>
    tpu.wait_indirect_dma semaphore(%arg28 : memref<!tpu.dma_semaphore, #tpu.memory_space<semaphore_mem>>) src(%dma_wait3A_725 : memref<64x128xf32, #tpu.memory_space<vmem>>) dst(%dma_wait3A_728 : memref<1024x128xf32, #tpu.memory_space<vmem_shared>>)
    %dma_wait3A_729 = arith.constant 0 : i32
    %dma_wait3A_730 = arith.constant 0 : i32
    %dma_wait3A_731 = arith.constant 0 : i32
    %dma_wait3A_732 = tpu.memref_slice %arg10[%dma_wait3A_729, %dma_wait3A_730, %dma_wait3A_731] : memref<2x64x128xf32, #tpu.memory_space<vmem>> -> memref<1x64x128xf32, #tpu.memory_space<vmem>>
    %dma_wait3A_733 = tpu.memref_squeeze %dma_wait3A_732 : memref<1x64x128xf32, #tpu.memory_space<vmem>> -> memref<64x128xf32, #tpu.memory_space<vmem>>
    %dma_wait3A_734 = arith.constant 0 : i32
    %dma_wait3A_735 = arith.constant 0 : i32
    %dma_wait3A_736 = tpu.memref_slice %arg12[%dma_wait3A_734, %dma_wait3A_735] : memref<1024x128xf32, #tpu.memory_space<vmem_shared>> -> memref<1024x128xf32, #tpu.memory_space<vmem_shared>>
    tpu.wait_indirect_dma semaphore(%arg28 : memref<!tpu.dma_semaphore, #tpu.memory_space<semaphore_mem>>) src(%dma_wait3A_733 : memref<64x128xf32, #tpu.memory_space<vmem>>) dst(%dma_wait3A_736 : memref<1024x128xf32, #tpu.memory_space<vmem_shared>>)
    %add3A_737 = arith.constant 384 : i32
    %add3A_738 = arith.addi %mul3A_2, %add3A_737 : i32
    %dma_start3A_739 = arith.constant 0 : i32
    %dma_start3A_740 = arith.constant 0 : i32
    %dma_start3A_741 = arith.constant 0 : i32
    %dma_start3A_742 = tpu.memref_slice %arg8[%dma_start3A_739, %dma_start3A_740, %dma_start3A_741] : memref<2x64x256xf32, #tpu.memory_space<vmem>> -> memref<1x64x256xf32, #tpu.memory_space<vmem>>
    %dma_start3A_743 = tpu.memref_squeeze %dma_start3A_742 : memref<1x64x256xf32, #tpu.memory_space<vmem>> -> memref<64x256xf32, #tpu.memory_space<vmem>>
    %dma_start3A_744 = arith.constant 0 : i32
    %dma_start3A_745 = arith.constant 0 : i32
    %dma_start3A_746 = tpu.memref_slice %arg4[%dma_start3A_744, %dma_start3A_745] : memref<1024x256xf32, #tpu.memory_space<hbm>> -> memref<1024x256xf32, #tpu.memory_space<hbm>>
    tpu.enqueue_indirect_dma source(%dma_start3A_746 : memref<1024x256xf32, #tpu.memory_space<hbm>>) target(%dma_start3A_743 : memref<64x256xf32, #tpu.memory_space<vmem>>) offsets(%arg19 : memref<64xi32, #tpu.memory_space<vmem>>) semaphore(%arg22 : memref<!tpu.dma_semaphore, #tpu.memory_space<semaphore_mem>>)
    %dma_start3A_747 = arith.constant 0 : i32
    %dma_start3A_748 = arith.constant 0 : i32
    %dma_start3A_749 = arith.constant 0 : i32
    %dma_start3A_750 = tpu.memref_slice %arg9[%dma_start3A_747, %dma_start3A_748, %dma_start3A_749] : memref<2x64x128xf32, #tpu.memory_space<vmem>> -> memref<1x64x128xf32, #tpu.memory_space<vmem>>
    %dma_start3A_751 = tpu.memref_squeeze %dma_start3A_750 : memref<1x64x128xf32, #tpu.memory_space<vmem>> -> memref<64x128xf32, #tpu.memory_space<vmem>>
    %dma_start3A_752 = arith.constant 0 : i32
    %dma_start3A_753 = tpu.memref_slice %arg2[%add3A_738, %dma_start3A_752] : memref<16384x256xf32, #tpu.memory_space<hbm>> -> memref<64x128xf32, #tpu.memory_space<hbm>>
    %dma_start3A_754 = arith.constant 0 : i32
    %dma_start3A_755 = arith.constant 0 : i32
    %dma_start3A_756 = tpu.memref_slice %arg9[%dma_start3A_747, %dma_start3A_754, %dma_start3A_755] : memref<2x64x128xf32, #tpu.memory_space<vmem>> -> memref<1x64x128xf32, #tpu.memory_space<vmem>>
    %dma_start3A_757 = tpu.memref_squeeze %dma_start3A_756 : memref<1x64x128xf32, #tpu.memory_space<vmem>> -> memref<64x128xf32, #tpu.memory_space<vmem>>
    %dma_start3A_758 = arith.constant 0 : i32
    %dma_start3A_759 = tpu.memref_slice %arg2[%add3A_738, %dma_start3A_758] : memref<16384x256xf32, #tpu.memory_space<hbm>> -> memref<64x128xf32, #tpu.memory_space<hbm>>
    tpu.enqueue_dma source(%dma_start3A_759 : memref<64x128xf32, #tpu.memory_space<hbm>>) target(%dma_start3A_757 : memref<64x128xf32, #tpu.memory_space<vmem>>) target_semaphore(%arg24 : memref<!tpu.dma_semaphore, #tpu.memory_space<semaphore_mem>>)
    %dma_start3A_760 = arith.constant 0 : i32
    %dma_start3A_761 = arith.constant 0 : i32
    %dma_start3A_762 = arith.constant 0 : i32
    %dma_start3A_763 = tpu.memref_slice %arg10[%dma_start3A_760, %dma_start3A_761, %dma_start3A_762] : memref<2x64x128xf32, #tpu.memory_space<vmem>> -> memref<1x64x128xf32, #tpu.memory_space<vmem>>
    %dma_start3A_764 = tpu.memref_squeeze %dma_start3A_763 : memref<1x64x128xf32, #tpu.memory_space<vmem>> -> memref<64x128xf32, #tpu.memory_space<vmem>>
    %dma_start3A_765 = arith.constant 128 : i32
    %dma_start3A_766 = tpu.memref_slice %arg2[%add3A_738, %dma_start3A_765] : memref<16384x256xf32, #tpu.memory_space<hbm>> -> memref<64x128xf32, #tpu.memory_space<hbm>>
    %dma_start3A_767 = arith.constant 0 : i32
    %dma_start3A_768 = arith.constant 0 : i32
    %dma_start3A_769 = tpu.memref_slice %arg10[%dma_start3A_760, %dma_start3A_767, %dma_start3A_768] : memref<2x64x128xf32, #tpu.memory_space<vmem>> -> memref<1x64x128xf32, #tpu.memory_space<vmem>>
    %dma_start3A_770 = tpu.memref_squeeze %dma_start3A_769 : memref<1x64x128xf32, #tpu.memory_space<vmem>> -> memref<64x128xf32, #tpu.memory_space<vmem>>
    %dma_start3A_771 = arith.constant 128 : i32
    %dma_start3A_772 = tpu.memref_slice %arg2[%add3A_738, %dma_start3A_771] : memref<16384x256xf32, #tpu.memory_space<hbm>> -> memref<64x128xf32, #tpu.memory_space<hbm>>
    tpu.enqueue_dma source(%dma_start3A_772 : memref<64x128xf32, #tpu.memory_space<hbm>>) target(%dma_start3A_770 : memref<64x128xf32, #tpu.memory_space<vmem>>) target_semaphore(%arg24 : memref<!tpu.dma_semaphore, #tpu.memory_space<semaphore_mem>>)
    %add3A_773 = arith.constant 320 : i32
    %add3A_774 = arith.addi %mul3A_2, %add3A_773 : i32
    %dma_wait3A_775 = arith.constant 1 : i32
    %dma_wait3A_776 = arith.constant 0 : i32
    %dma_wait3A_777 = arith.constant 0 : i32
    %dma_wait3A_778 = tpu.memref_slice %arg8[%dma_wait3A_775, %dma_wait3A_776, %dma_wait3A_777] : memref<2x64x256xf32, #tpu.memory_space<vmem>> -> memref<1x64x256xf32, #tpu.memory_space<vmem>>
    %dma_wait3A_779 = tpu.memref_squeeze %dma_wait3A_778 : memref<1x64x256xf32, #tpu.memory_space<vmem>> -> memref<64x256xf32, #tpu.memory_space<vmem>>
    %dma_wait3A_780 = arith.constant 0 : i32
    %dma_wait3A_781 = arith.constant 0 : i32
    %dma_wait3A_782 = tpu.memref_slice %arg4[%dma_wait3A_780, %dma_wait3A_781] : memref<1024x256xf32, #tpu.memory_space<hbm>> -> memref<1024x256xf32, #tpu.memory_space<hbm>>
    tpu.wait_indirect_dma semaphore(%arg23 : memref<!tpu.dma_semaphore, #tpu.memory_space<semaphore_mem>>) src(%dma_wait3A_782 : memref<1024x256xf32, #tpu.memory_space<hbm>>) dst(%dma_wait3A_779 : memref<64x256xf32, #tpu.memory_space<vmem>>)
    %dma_start3A_783 = arith.constant 1 : i32
    %dma_start3A_784 = arith.constant 0 : i32
    %dma_start3A_785 = arith.constant 0 : i32
    %dma_start3A_786 = tpu.memref_slice %arg8[%dma_start3A_783, %dma_start3A_784, %dma_start3A_785] : memref<2x64x256xf32, #tpu.memory_space<vmem>> -> memref<1x64x256xf32, #tpu.memory_space<vmem>>
    %dma_start3A_787 = tpu.memref_squeeze %dma_start3A_786 : memref<1x64x256xf32, #tpu.memory_space<vmem>> -> memref<64x256xf32, #tpu.memory_space<vmem>>
    %dma_start3A_788 = arith.constant 0 : i32
    %dma_start3A_789 = tpu.memref_slice %arg6[%add3A_774, %dma_start3A_788] : memref<16384x256xf32, #tpu.memory_space<hbm>> -> memref<64x256xf32, #tpu.memory_space<hbm>>
    %dma_start3A_790 = arith.constant 0 : i32
    %dma_start3A_791 = tpu.memref_slice %arg6[%add3A_774, %dma_start3A_790] : memref<16384x256xf32, #tpu.memory_space<hbm>> -> memref<64x256xf32, #tpu.memory_space<hbm>>
    %dma_start3A_792 = arith.constant 0 : i32
    %dma_start3A_793 = arith.constant 0 : i32
    %dma_start3A_794 = tpu.memref_slice %arg8[%dma_start3A_783, %dma_start3A_792, %dma_start3A_793] : memref<2x64x256xf32, #tpu.memory_space<vmem>> -> memref<1x64x256xf32, #tpu.memory_space<vmem>>
    %dma_start3A_795 = tpu.memref_squeeze %dma_start3A_794 : memref<1x64x256xf32, #tpu.memory_space<vmem>> -> memref<64x256xf32, #tpu.memory_space<vmem>>
    tpu.enqueue_dma source(%dma_start3A_795 : memref<64x256xf32, #tpu.memory_space<vmem>>) target(%dma_start3A_791 : memref<64x256xf32, #tpu.memory_space<hbm>>) target_semaphore(%arg27 : memref<!tpu.dma_semaphore, #tpu.memory_space<semaphore_mem>>)
    %dma_wait3A_796 = arith.constant 1 : i32
    %dma_wait3A_797 = arith.constant 0 : i32
    %dma_wait3A_798 = arith.constant 0 : i32
    %dma_wait3A_799 = tpu.memref_slice %arg9[%dma_wait3A_796, %dma_wait3A_797, %dma_wait3A_798] : memref<2x64x128xf32, #tpu.memory_space<vmem>> -> memref<1x64x128xf32, #tpu.memory_space<vmem>>
    %dma_wait3A_800 = tpu.memref_squeeze %dma_wait3A_799 : memref<1x64x128xf32, #tpu.memory_space<vmem>> -> memref<64x128xf32, #tpu.memory_space<vmem>>
    %dma_wait3A_801 = arith.constant 0 : i32
    %dma_wait3A_802 = tpu.memref_slice %arg2[%add3A_608, %dma_wait3A_801] : memref<16384x256xf32, #tpu.memory_space<hbm>> -> memref<64x128xf32, #tpu.memory_space<hbm>>
    %dma_wait3A_803 = arith.constant 0 : i32
    %dma_wait3A_804 = arith.constant 0 : i32
    %dma_wait3A_805 = tpu.memref_slice %arg9[%dma_wait3A_796, %dma_wait3A_803, %dma_wait3A_804] : memref<2x64x128xf32, #tpu.memory_space<vmem>> -> memref<1x64x128xf32, #tpu.memory_space<vmem>>
    %dma_wait3A_806 = tpu.memref_squeeze %dma_wait3A_805 : memref<1x64x128xf32, #tpu.memory_space<vmem>> -> memref<64x128xf32, #tpu.memory_space<vmem>>
    %dma_wait3A_807 = arith.constant 0 : i32
    %dma_wait3A_808 = tpu.memref_slice %arg2[%add3A_608, %dma_wait3A_807] : memref<16384x256xf32, #tpu.memory_space<hbm>> -> memref<64x128xf32, #tpu.memory_space<hbm>>
    tpu.wait_dma2 semaphore(%arg25 : memref<!tpu.dma_semaphore, #tpu.memory_space<semaphore_mem>>) src(%dma_wait3A_808 : memref<64x128xf32, #tpu.memory_space<hbm>>) dst(%dma_wait3A_806 : memref<64x128xf32, #tpu.memory_space<vmem>>)
    %dma_wait3A_809 = arith.constant 1 : i32
    %dma_wait3A_810 = arith.constant 0 : i32
    %dma_wait3A_811 = arith.constant 0 : i32
    %dma_wait3A_812 = tpu.memref_slice %arg10[%dma_wait3A_809, %dma_wait3A_810, %dma_wait3A_811] : memref<2x64x128xf32, #tpu.memory_space<vmem>> -> memref<1x64x128xf32, #tpu.memory_space<vmem>>
    %dma_wait3A_813 = tpu.memref_squeeze %dma_wait3A_812 : memref<1x64x128xf32, #tpu.memory_space<vmem>> -> memref<64x128xf32, #tpu.memory_space<vmem>>
    %dma_wait3A_814 = arith.constant 128 : i32
    %dma_wait3A_815 = tpu.memref_slice %arg2[%add3A_608, %dma_wait3A_814] : memref<16384x256xf32, #tpu.memory_space<hbm>> -> memref<64x128xf32, #tpu.memory_space<hbm>>
    %dma_wait3A_816 = arith.constant 0 : i32
    %dma_wait3A_817 = arith.constant 0 : i32
    %dma_wait3A_818 = tpu.memref_slice %arg10[%dma_wait3A_809, %dma_wait3A_816, %dma_wait3A_817] : memref<2x64x128xf32, #tpu.memory_space<vmem>> -> memref<1x64x128xf32, #tpu.memory_space<vmem>>
    %dma_wait3A_819 = tpu.memref_squeeze %dma_wait3A_818 : memref<1x64x128xf32, #tpu.memory_space<vmem>> -> memref<64x128xf32, #tpu.memory_space<vmem>>
    %dma_wait3A_820 = arith.constant 128 : i32
    %dma_wait3A_821 = tpu.memref_slice %arg2[%add3A_608, %dma_wait3A_820] : memref<16384x256xf32, #tpu.memory_space<hbm>> -> memref<64x128xf32, #tpu.memory_space<hbm>>
    tpu.wait_dma2 semaphore(%arg25 : memref<!tpu.dma_semaphore, #tpu.memory_space<semaphore_mem>>) src(%dma_wait3A_821 : memref<64x128xf32, #tpu.memory_space<hbm>>) dst(%dma_wait3A_819 : memref<64x128xf32, #tpu.memory_space<vmem>>)
    %dma_start3A_822 = arith.constant 1 : i32
    %dma_start3A_823 = arith.constant 0 : i32
    %dma_start3A_824 = arith.constant 0 : i32
    %dma_start3A_825 = tpu.memref_slice %arg9[%dma_start3A_822, %dma_start3A_823, %dma_start3A_824] : memref<2x64x128xf32, #tpu.memory_space<vmem>> -> memref<1x64x128xf32, #tpu.memory_space<vmem>>
    %dma_start3A_826 = tpu.memref_squeeze %dma_start3A_825 : memref<1x64x128xf32, #tpu.memory_space<vmem>> -> memref<64x128xf32, #tpu.memory_space<vmem>>
    %dma_start3A_827 = arith.constant 0 : i32
    %dma_start3A_828 = arith.constant 0 : i32
    %dma_start3A_829 = tpu.memref_slice %arg11[%dma_start3A_827, %dma_start3A_828] : memref<1024x128xf32, #tpu.memory_space<vmem_shared>> -> memref<1024x128xf32, #tpu.memory_space<vmem_shared>>
    tpu.enqueue_indirect_dma source(%dma_start3A_826 : memref<64x128xf32, #tpu.memory_space<vmem>>) target(%dma_start3A_829 : memref<1024x128xf32, #tpu.memory_space<vmem_shared>>) offsets(%arg18 : memref<64xi32, #tpu.memory_space<vmem>>) semaphore(%arg29 : memref<!tpu.dma_semaphore, #tpu.memory_space<semaphore_mem>>) {add = true}
    %dma_start3A_830 = arith.constant 1 : i32
    %dma_start3A_831 = arith.constant 0 : i32
    %dma_start3A_832 = arith.constant 0 : i32
    %dma_start3A_833 = tpu.memref_slice %arg10[%dma_start3A_830, %dma_start3A_831, %dma_start3A_832] : memref<2x64x128xf32, #tpu.memory_space<vmem>> -> memref<1x64x128xf32, #tpu.memory_space<vmem>>
    %dma_start3A_834 = tpu.memref_squeeze %dma_start3A_833 : memref<1x64x128xf32, #tpu.memory_space<vmem>> -> memref<64x128xf32, #tpu.memory_space<vmem>>
    %dma_start3A_835 = arith.constant 0 : i32
    %dma_start3A_836 = arith.constant 0 : i32
    %dma_start3A_837 = tpu.memref_slice %arg12[%dma_start3A_835, %dma_start3A_836] : memref<1024x128xf32, #tpu.memory_space<vmem_shared>> -> memref<1024x128xf32, #tpu.memory_space<vmem_shared>>
    tpu.enqueue_indirect_dma source(%dma_start3A_834 : memref<64x128xf32, #tpu.memory_space<vmem>>) target(%dma_start3A_837 : memref<1024x128xf32, #tpu.memory_space<vmem_shared>>) offsets(%arg18 : memref<64xi32, #tpu.memory_space<vmem>>) semaphore(%arg29 : memref<!tpu.dma_semaphore, #tpu.memory_space<semaphore_mem>>) {add = true}
    %dma_wait3A_838 = arith.constant 1 : i32
    %dma_wait3A_839 = arith.constant 0 : i32
    %dma_wait3A_840 = arith.constant 0 : i32
    %dma_wait3A_841 = tpu.memref_slice %arg8[%dma_wait3A_838, %dma_wait3A_839, %dma_wait3A_840] : memref<2x64x256xf32, #tpu.memory_space<vmem>> -> memref<1x64x256xf32, #tpu.memory_space<vmem>>
    %dma_wait3A_842 = tpu.memref_squeeze %dma_wait3A_841 : memref<1x64x256xf32, #tpu.memory_space<vmem>> -> memref<64x256xf32, #tpu.memory_space<vmem>>
    %dma_wait3A_843 = arith.constant 0 : i32
    %dma_wait3A_844 = tpu.memref_slice %arg6[%add3A_774, %dma_wait3A_843] : memref<16384x256xf32, #tpu.memory_space<hbm>> -> memref<64x256xf32, #tpu.memory_space<hbm>>
    %dma_wait3A_845 = arith.constant 0 : i32
    %dma_wait3A_846 = tpu.memref_slice %arg6[%add3A_774, %dma_wait3A_845] : memref<16384x256xf32, #tpu.memory_space<hbm>> -> memref<64x256xf32, #tpu.memory_space<hbm>>
    %dma_wait3A_847 = arith.constant 0 : i32
    %dma_wait3A_848 = arith.constant 0 : i32
    %dma_wait3A_849 = tpu.memref_slice %arg8[%dma_wait3A_838, %dma_wait3A_847, %dma_wait3A_848] : memref<2x64x256xf32, #tpu.memory_space<vmem>> -> memref<1x64x256xf32, #tpu.memory_space<vmem>>
    %dma_wait3A_850 = tpu.memref_squeeze %dma_wait3A_849 : memref<1x64x256xf32, #tpu.memory_space<vmem>> -> memref<64x256xf32, #tpu.memory_space<vmem>>
    tpu.wait_dma2 semaphore(%arg27 : memref<!tpu.dma_semaphore, #tpu.memory_space<semaphore_mem>>) src(%dma_wait3A_850 : memref<64x256xf32, #tpu.memory_space<vmem>>) dst(%dma_wait3A_846 : memref<64x256xf32, #tpu.memory_space<hbm>>)
    %dma_wait3A_851 = arith.constant 1 : i32
    %dma_wait3A_852 = arith.constant 0 : i32
    %dma_wait3A_853 = arith.constant 0 : i32
    %dma_wait3A_854 = tpu.memref_slice %arg9[%dma_wait3A_851, %dma_wait3A_852, %dma_wait3A_853] : memref<2x64x128xf32, #tpu.memory_space<vmem>> -> memref<1x64x128xf32, #tpu.memory_space<vmem>>
    %dma_wait3A_855 = tpu.memref_squeeze %dma_wait3A_854 : memref<1x64x128xf32, #tpu.memory_space<vmem>> -> memref<64x128xf32, #tpu.memory_space<vmem>>
    %dma_wait3A_856 = arith.constant 0 : i32
    %dma_wait3A_857 = arith.constant 0 : i32
    %dma_wait3A_858 = tpu.memref_slice %arg11[%dma_wait3A_856, %dma_wait3A_857] : memref<1024x128xf32, #tpu.memory_space<vmem_shared>> -> memref<1024x128xf32, #tpu.memory_space<vmem_shared>>
    tpu.wait_indirect_dma semaphore(%arg29 : memref<!tpu.dma_semaphore, #tpu.memory_space<semaphore_mem>>) src(%dma_wait3A_855 : memref<64x128xf32, #tpu.memory_space<vmem>>) dst(%dma_wait3A_858 : memref<1024x128xf32, #tpu.memory_space<vmem_shared>>)
    %dma_wait3A_859 = arith.constant 1 : i32
    %dma_wait3A_860 = arith.constant 0 : i32
    %dma_wait3A_861 = arith.constant 0 : i32
    %dma_wait3A_862 = tpu.memref_slice %arg10[%dma_wait3A_859, %dma_wait3A_860, %dma_wait3A_861] : memref<2x64x128xf32, #tpu.memory_space<vmem>> -> memref<1x64x128xf32, #tpu.memory_space<vmem>>
    %dma_wait3A_863 = tpu.memref_squeeze %dma_wait3A_862 : memref<1x64x128xf32, #tpu.memory_space<vmem>> -> memref<64x128xf32, #tpu.memory_space<vmem>>
    %dma_wait3A_864 = arith.constant 0 : i32
    %dma_wait3A_865 = arith.constant 0 : i32
    %dma_wait3A_866 = tpu.memref_slice %arg12[%dma_wait3A_864, %dma_wait3A_865] : memref<1024x128xf32, #tpu.memory_space<vmem_shared>> -> memref<1024x128xf32, #tpu.memory_space<vmem_shared>>
    tpu.wait_indirect_dma semaphore(%arg29 : memref<!tpu.dma_semaphore, #tpu.memory_space<semaphore_mem>>) src(%dma_wait3A_863 : memref<64x128xf32, #tpu.memory_space<vmem>>) dst(%dma_wait3A_866 : memref<1024x128xf32, #tpu.memory_space<vmem_shared>>)
    %add3A_867 = arith.constant 448 : i32
    %add3A_868 = arith.addi %mul3A_2, %add3A_867 : i32
    %dma_start3A_869 = arith.constant 1 : i32
    %dma_start3A_870 = arith.constant 0 : i32
    %dma_start3A_871 = arith.constant 0 : i32
    %dma_start3A_872 = tpu.memref_slice %arg8[%dma_start3A_869, %dma_start3A_870, %dma_start3A_871] : memref<2x64x256xf32, #tpu.memory_space<vmem>> -> memref<1x64x256xf32, #tpu.memory_space<vmem>>
    %dma_start3A_873 = tpu.memref_squeeze %dma_start3A_872 : memref<1x64x256xf32, #tpu.memory_space<vmem>> -> memref<64x256xf32, #tpu.memory_space<vmem>>
    %dma_start3A_874 = arith.constant 0 : i32
    %dma_start3A_875 = arith.constant 0 : i32
    %dma_start3A_876 = tpu.memref_slice %arg4[%dma_start3A_874, %dma_start3A_875] : memref<1024x256xf32, #tpu.memory_space<hbm>> -> memref<1024x256xf32, #tpu.memory_space<hbm>>
    tpu.enqueue_indirect_dma source(%dma_start3A_876 : memref<1024x256xf32, #tpu.memory_space<hbm>>) target(%dma_start3A_873 : memref<64x256xf32, #tpu.memory_space<vmem>>) offsets(%arg20 : memref<64xi32, #tpu.memory_space<vmem>>) semaphore(%arg23 : memref<!tpu.dma_semaphore, #tpu.memory_space<semaphore_mem>>)
    %dma_start3A_877 = arith.constant 1 : i32
    %dma_start3A_878 = arith.constant 0 : i32
    %dma_start3A_879 = arith.constant 0 : i32
    %dma_start3A_880 = tpu.memref_slice %arg9[%dma_start3A_877, %dma_start3A_878, %dma_start3A_879] : memref<2x64x128xf32, #tpu.memory_space<vmem>> -> memref<1x64x128xf32, #tpu.memory_space<vmem>>
    %dma_start3A_881 = tpu.memref_squeeze %dma_start3A_880 : memref<1x64x128xf32, #tpu.memory_space<vmem>> -> memref<64x128xf32, #tpu.memory_space<vmem>>
    %dma_start3A_882 = arith.constant 0 : i32
    %dma_start3A_883 = tpu.memref_slice %arg2[%add3A_868, %dma_start3A_882] : memref<16384x256xf32, #tpu.memory_space<hbm>> -> memref<64x128xf32, #tpu.memory_space<hbm>>
    %dma_start3A_884 = arith.constant 0 : i32
    %dma_start3A_885 = arith.constant 0 : i32
    %dma_start3A_886 = tpu.memref_slice %arg9[%dma_start3A_877, %dma_start3A_884, %dma_start3A_885] : memref<2x64x128xf32, #tpu.memory_space<vmem>> -> memref<1x64x128xf32, #tpu.memory_space<vmem>>
    %dma_start3A_887 = tpu.memref_squeeze %dma_start3A_886 : memref<1x64x128xf32, #tpu.memory_space<vmem>> -> memref<64x128xf32, #tpu.memory_space<vmem>>
    %dma_start3A_888 = arith.constant 0 : i32
    %dma_start3A_889 = tpu.memref_slice %arg2[%add3A_868, %dma_start3A_888] : memref<16384x256xf32, #tpu.memory_space<hbm>> -> memref<64x128xf32, #tpu.memory_space<hbm>>
    tpu.enqueue_dma source(%dma_start3A_889 : memref<64x128xf32, #tpu.memory_space<hbm>>) target(%dma_start3A_887 : memref<64x128xf32, #tpu.memory_space<vmem>>) target_semaphore(%arg25 : memref<!tpu.dma_semaphore, #tpu.memory_space<semaphore_mem>>)
    %dma_start3A_890 = arith.constant 1 : i32
    %dma_start3A_891 = arith.constant 0 : i32
    %dma_start3A_892 = arith.constant 0 : i32
    %dma_start3A_893 = tpu.memref_slice %arg10[%dma_start3A_890, %dma_start3A_891, %dma_start3A_892] : memref<2x64x128xf32, #tpu.memory_space<vmem>> -> memref<1x64x128xf32, #tpu.memory_space<vmem>>
    %dma_start3A_894 = tpu.memref_squeeze %dma_start3A_893 : memref<1x64x128xf32, #tpu.memory_space<vmem>> -> memref<64x128xf32, #tpu.memory_space<vmem>>
    %dma_start3A_895 = arith.constant 128 : i32
    %dma_start3A_896 = tpu.memref_slice %arg2[%add3A_868, %dma_start3A_895] : memref<16384x256xf32, #tpu.memory_space<hbm>> -> memref<64x128xf32, #tpu.memory_space<hbm>>
    %dma_start3A_897 = arith.constant 0 : i32
    %dma_start3A_898 = arith.constant 0 : i32
    %dma_start3A_899 = tpu.memref_slice %arg10[%dma_start3A_890, %dma_start3A_897, %dma_start3A_898] : memref<2x64x128xf32, #tpu.memory_space<vmem>> -> memref<1x64x128xf32, #tpu.memory_space<vmem>>
    %dma_start3A_900 = tpu.memref_squeeze %dma_start3A_899 : memref<1x64x128xf32, #tpu.memory_space<vmem>> -> memref<64x128xf32, #tpu.memory_space<vmem>>
    %dma_start3A_901 = arith.constant 128 : i32
    %dma_start3A_902 = tpu.memref_slice %arg2[%add3A_868, %dma_start3A_901] : memref<16384x256xf32, #tpu.memory_space<hbm>> -> memref<64x128xf32, #tpu.memory_space<hbm>>
    tpu.enqueue_dma source(%dma_start3A_902 : memref<64x128xf32, #tpu.memory_space<hbm>>) target(%dma_start3A_900 : memref<64x128xf32, #tpu.memory_space<vmem>>) target_semaphore(%arg25 : memref<!tpu.dma_semaphore, #tpu.memory_space<semaphore_mem>>)
    %add3A_903 = arith.constant 384 : i32
    %add3A_904 = arith.addi %mul3A_2, %add3A_903 : i32
    %dma_wait3A_905 = arith.constant 0 : i32
    %dma_wait3A_906 = arith.constant 0 : i32
    %dma_wait3A_907 = arith.constant 0 : i32
    %dma_wait3A_908 = tpu.memref_slice %arg8[%dma_wait3A_905, %dma_wait3A_906, %dma_wait3A_907] : memref<2x64x256xf32, #tpu.memory_space<vmem>> -> memref<1x64x256xf32, #tpu.memory_space<vmem>>
    %dma_wait3A_909 = tpu.memref_squeeze %dma_wait3A_908 : memref<1x64x256xf32, #tpu.memory_space<vmem>> -> memref<64x256xf32, #tpu.memory_space<vmem>>
    %dma_wait3A_910 = arith.constant 0 : i32
    %dma_wait3A_911 = arith.constant 0 : i32
    %dma_wait3A_912 = tpu.memref_slice %arg4[%dma_wait3A_910, %dma_wait3A_911] : memref<1024x256xf32, #tpu.memory_space<hbm>> -> memref<1024x256xf32, #tpu.memory_space<hbm>>
    tpu.wait_indirect_dma semaphore(%arg22 : memref<!tpu.dma_semaphore, #tpu.memory_space<semaphore_mem>>) src(%dma_wait3A_912 : memref<1024x256xf32, #tpu.memory_space<hbm>>) dst(%dma_wait3A_909 : memref<64x256xf32, #tpu.memory_space<vmem>>)
    %dma_start3A_913 = arith.constant 0 : i32
    %dma_start3A_914 = arith.constant 0 : i32
    %dma_start3A_915 = arith.constant 0 : i32
    %dma_start3A_916 = tpu.memref_slice %arg8[%dma_start3A_913, %dma_start3A_914, %dma_start3A_915] : memref<2x64x256xf32, #tpu.memory_space<vmem>> -> memref<1x64x256xf32, #tpu.memory_space<vmem>>
    %dma_start3A_917 = tpu.memref_squeeze %dma_start3A_916 : memref<1x64x256xf32, #tpu.memory_space<vmem>> -> memref<64x256xf32, #tpu.memory_space<vmem>>
    %dma_start3A_918 = arith.constant 0 : i32
    %dma_start3A_919 = tpu.memref_slice %arg6[%add3A_904, %dma_start3A_918] : memref<16384x256xf32, #tpu.memory_space<hbm>> -> memref<64x256xf32, #tpu.memory_space<hbm>>
    %dma_start3A_920 = arith.constant 0 : i32
    %dma_start3A_921 = tpu.memref_slice %arg6[%add3A_904, %dma_start3A_920] : memref<16384x256xf32, #tpu.memory_space<hbm>> -> memref<64x256xf32, #tpu.memory_space<hbm>>
    %dma_start3A_922 = arith.constant 0 : i32
    %dma_start3A_923 = arith.constant 0 : i32
    %dma_start3A_924 = tpu.memref_slice %arg8[%dma_start3A_913, %dma_start3A_922, %dma_start3A_923] : memref<2x64x256xf32, #tpu.memory_space<vmem>> -> memref<1x64x256xf32, #tpu.memory_space<vmem>>
    %dma_start3A_925 = tpu.memref_squeeze %dma_start3A_924 : memref<1x64x256xf32, #tpu.memory_space<vmem>> -> memref<64x256xf32, #tpu.memory_space<vmem>>
    tpu.enqueue_dma source(%dma_start3A_925 : memref<64x256xf32, #tpu.memory_space<vmem>>) target(%dma_start3A_921 : memref<64x256xf32, #tpu.memory_space<hbm>>) target_semaphore(%arg26 : memref<!tpu.dma_semaphore, #tpu.memory_space<semaphore_mem>>)
    %dma_wait3A_926 = arith.constant 0 : i32
    %dma_wait3A_927 = arith.constant 0 : i32
    %dma_wait3A_928 = arith.constant 0 : i32
    %dma_wait3A_929 = tpu.memref_slice %arg9[%dma_wait3A_926, %dma_wait3A_927, %dma_wait3A_928] : memref<2x64x128xf32, #tpu.memory_space<vmem>> -> memref<1x64x128xf32, #tpu.memory_space<vmem>>
    %dma_wait3A_930 = tpu.memref_squeeze %dma_wait3A_929 : memref<1x64x128xf32, #tpu.memory_space<vmem>> -> memref<64x128xf32, #tpu.memory_space<vmem>>
    %dma_wait3A_931 = arith.constant 0 : i32
    %dma_wait3A_932 = tpu.memref_slice %arg2[%add3A_738, %dma_wait3A_931] : memref<16384x256xf32, #tpu.memory_space<hbm>> -> memref<64x128xf32, #tpu.memory_space<hbm>>
    %dma_wait3A_933 = arith.constant 0 : i32
    %dma_wait3A_934 = arith.constant 0 : i32
    %dma_wait3A_935 = tpu.memref_slice %arg9[%dma_wait3A_926, %dma_wait3A_933, %dma_wait3A_934] : memref<2x64x128xf32, #tpu.memory_space<vmem>> -> memref<1x64x128xf32, #tpu.memory_space<vmem>>
    %dma_wait3A_936 = tpu.memref_squeeze %dma_wait3A_935 : memref<1x64x128xf32, #tpu.memory_space<vmem>> -> memref<64x128xf32, #tpu.memory_space<vmem>>
    %dma_wait3A_937 = arith.constant 0 : i32
    %dma_wait3A_938 = tpu.memref_slice %arg2[%add3A_738, %dma_wait3A_937] : memref<16384x256xf32, #tpu.memory_space<hbm>> -> memref<64x128xf32, #tpu.memory_space<hbm>>
    tpu.wait_dma2 semaphore(%arg24 : memref<!tpu.dma_semaphore, #tpu.memory_space<semaphore_mem>>) src(%dma_wait3A_938 : memref<64x128xf32, #tpu.memory_space<hbm>>) dst(%dma_wait3A_936 : memref<64x128xf32, #tpu.memory_space<vmem>>)
    %dma_wait3A_939 = arith.constant 0 : i32
    %dma_wait3A_940 = arith.constant 0 : i32
    %dma_wait3A_941 = arith.constant 0 : i32
    %dma_wait3A_942 = tpu.memref_slice %arg10[%dma_wait3A_939, %dma_wait3A_940, %dma_wait3A_941] : memref<2x64x128xf32, #tpu.memory_space<vmem>> -> memref<1x64x128xf32, #tpu.memory_space<vmem>>
    %dma_wait3A_943 = tpu.memref_squeeze %dma_wait3A_942 : memref<1x64x128xf32, #tpu.memory_space<vmem>> -> memref<64x128xf32, #tpu.memory_space<vmem>>
    %dma_wait3A_944 = arith.constant 128 : i32
    %dma_wait3A_945 = tpu.memref_slice %arg2[%add3A_738, %dma_wait3A_944] : memref<16384x256xf32, #tpu.memory_space<hbm>> -> memref<64x128xf32, #tpu.memory_space<hbm>>
    %dma_wait3A_946 = arith.constant 0 : i32
    %dma_wait3A_947 = arith.constant 0 : i32
    %dma_wait3A_948 = tpu.memref_slice %arg10[%dma_wait3A_939, %dma_wait3A_946, %dma_wait3A_947] : memref<2x64x128xf32, #tpu.memory_space<vmem>> -> memref<1x64x128xf32, #tpu.memory_space<vmem>>
    %dma_wait3A_949 = tpu.memref_squeeze %dma_wait3A_948 : memref<1x64x128xf32, #tpu.memory_space<vmem>> -> memref<64x128xf32, #tpu.memory_space<vmem>>
    %dma_wait3A_950 = arith.constant 128 : i32
    %dma_wait3A_951 = tpu.memref_slice %arg2[%add3A_738, %dma_wait3A_950] : memref<16384x256xf32, #tpu.memory_space<hbm>> -> memref<64x128xf32, #tpu.memory_space<hbm>>
    tpu.wait_dma2 semaphore(%arg24 : memref<!tpu.dma_semaphore, #tpu.memory_space<semaphore_mem>>) src(%dma_wait3A_951 : memref<64x128xf32, #tpu.memory_space<hbm>>) dst(%dma_wait3A_949 : memref<64x128xf32, #tpu.memory_space<vmem>>)
    %dma_start3A_952 = arith.constant 0 : i32
    %dma_start3A_953 = arith.constant 0 : i32
    %dma_start3A_954 = arith.constant 0 : i32
    %dma_start3A_955 = tpu.memref_slice %arg9[%dma_start3A_952, %dma_start3A_953, %dma_start3A_954] : memref<2x64x128xf32, #tpu.memory_space<vmem>> -> memref<1x64x128xf32, #tpu.memory_space<vmem>>
    %dma_start3A_956 = tpu.memref_squeeze %dma_start3A_955 : memref<1x64x128xf32, #tpu.memory_space<vmem>> -> memref<64x128xf32, #tpu.memory_space<vmem>>
    %dma_start3A_957 = arith.constant 0 : i32
    %dma_start3A_958 = arith.constant 0 : i32
    %dma_start3A_959 = tpu.memref_slice %arg11[%dma_start3A_957, %dma_start3A_958] : memref<1024x128xf32, #tpu.memory_space<vmem_shared>> -> memref<1024x128xf32, #tpu.memory_space<vmem_shared>>
    tpu.enqueue_indirect_dma source(%dma_start3A_956 : memref<64x128xf32, #tpu.memory_space<vmem>>) target(%dma_start3A_959 : memref<1024x128xf32, #tpu.memory_space<vmem_shared>>) offsets(%arg19 : memref<64xi32, #tpu.memory_space<vmem>>) semaphore(%arg28 : memref<!tpu.dma_semaphore, #tpu.memory_space<semaphore_mem>>) {add = true}
    %dma_start3A_960 = arith.constant 0 : i32
    %dma_start3A_961 = arith.constant 0 : i32
    %dma_start3A_962 = arith.constant 0 : i32
    %dma_start3A_963 = tpu.memref_slice %arg10[%dma_start3A_960, %dma_start3A_961, %dma_start3A_962] : memref<2x64x128xf32, #tpu.memory_space<vmem>> -> memref<1x64x128xf32, #tpu.memory_space<vmem>>
    %dma_start3A_964 = tpu.memref_squeeze %dma_start3A_963 : memref<1x64x128xf32, #tpu.memory_space<vmem>> -> memref<64x128xf32, #tpu.memory_space<vmem>>
    %dma_start3A_965 = arith.constant 0 : i32
    %dma_start3A_966 = arith.constant 0 : i32
    %dma_start3A_967 = tpu.memref_slice %arg12[%dma_start3A_965, %dma_start3A_966] : memref<1024x128xf32, #tpu.memory_space<vmem_shared>> -> memref<1024x128xf32, #tpu.memory_space<vmem_shared>>
    tpu.enqueue_indirect_dma source(%dma_start3A_964 : memref<64x128xf32, #tpu.memory_space<vmem>>) target(%dma_start3A_967 : memref<1024x128xf32, #tpu.memory_space<vmem_shared>>) offsets(%arg19 : memref<64xi32, #tpu.memory_space<vmem>>) semaphore(%arg28 : memref<!tpu.dma_semaphore, #tpu.memory_space<semaphore_mem>>) {add = true}
    %add3A_968 = arith.constant 448 : i32
    %add3A_969 = arith.addi %mul3A_2, %add3A_968 : i32
    %dma_wait3A_970 = arith.constant 1 : i32
    %dma_wait3A_971 = arith.constant 0 : i32
    %dma_wait3A_972 = arith.constant 0 : i32
    %dma_wait3A_973 = tpu.memref_slice %arg8[%dma_wait3A_970, %dma_wait3A_971, %dma_wait3A_972] : memref<2x64x256xf32, #tpu.memory_space<vmem>> -> memref<1x64x256xf32, #tpu.memory_space<vmem>>
    %dma_wait3A_974 = tpu.memref_squeeze %dma_wait3A_973 : memref<1x64x256xf32, #tpu.memory_space<vmem>> -> memref<64x256xf32, #tpu.memory_space<vmem>>
    %dma_wait3A_975 = arith.constant 0 : i32
    %dma_wait3A_976 = arith.constant 0 : i32
    %dma_wait3A_977 = tpu.memref_slice %arg4[%dma_wait3A_975, %dma_wait3A_976] : memref<1024x256xf32, #tpu.memory_space<hbm>> -> memref<1024x256xf32, #tpu.memory_space<hbm>>
    tpu.wait_indirect_dma semaphore(%arg23 : memref<!tpu.dma_semaphore, #tpu.memory_space<semaphore_mem>>) src(%dma_wait3A_977 : memref<1024x256xf32, #tpu.memory_space<hbm>>) dst(%dma_wait3A_974 : memref<64x256xf32, #tpu.memory_space<vmem>>)
    %dma_start3A_978 = arith.constant 1 : i32
    %dma_start3A_979 = arith.constant 0 : i32
    %dma_start3A_980 = arith.constant 0 : i32
    %dma_start3A_981 = tpu.memref_slice %arg8[%dma_start3A_978, %dma_start3A_979, %dma_start3A_980] : memref<2x64x256xf32, #tpu.memory_space<vmem>> -> memref<1x64x256xf32, #tpu.memory_space<vmem>>
    %dma_start3A_982 = tpu.memref_squeeze %dma_start3A_981 : memref<1x64x256xf32, #tpu.memory_space<vmem>> -> memref<64x256xf32, #tpu.memory_space<vmem>>
    %dma_start3A_983 = arith.constant 0 : i32
    %dma_start3A_984 = tpu.memref_slice %arg6[%add3A_969, %dma_start3A_983] : memref<16384x256xf32, #tpu.memory_space<hbm>> -> memref<64x256xf32, #tpu.memory_space<hbm>>
    %dma_start3A_985 = arith.constant 0 : i32
    %dma_start3A_986 = tpu.memref_slice %arg6[%add3A_969, %dma_start3A_985] : memref<16384x256xf32, #tpu.memory_space<hbm>> -> memref<64x256xf32, #tpu.memory_space<hbm>>
    %dma_start3A_987 = arith.constant 0 : i32
    %dma_start3A_988 = arith.constant 0 : i32
    %dma_start3A_989 = tpu.memref_slice %arg8[%dma_start3A_978, %dma_start3A_987, %dma_start3A_988] : memref<2x64x256xf32, #tpu.memory_space<vmem>> -> memref<1x64x256xf32, #tpu.memory_space<vmem>>
    %dma_start3A_990 = tpu.memref_squeeze %dma_start3A_989 : memref<1x64x256xf32, #tpu.memory_space<vmem>> -> memref<64x256xf32, #tpu.memory_space<vmem>>
    tpu.enqueue_dma source(%dma_start3A_990 : memref<64x256xf32, #tpu.memory_space<vmem>>) target(%dma_start3A_986 : memref<64x256xf32, #tpu.memory_space<hbm>>) target_semaphore(%arg27 : memref<!tpu.dma_semaphore, #tpu.memory_space<semaphore_mem>>)
    %dma_wait3A_991 = arith.constant 1 : i32
    %dma_wait3A_992 = arith.constant 0 : i32
    %dma_wait3A_993 = arith.constant 0 : i32
    %dma_wait3A_994 = tpu.memref_slice %arg9[%dma_wait3A_991, %dma_wait3A_992, %dma_wait3A_993] : memref<2x64x128xf32, #tpu.memory_space<vmem>> -> memref<1x64x128xf32, #tpu.memory_space<vmem>>
    %dma_wait3A_995 = tpu.memref_squeeze %dma_wait3A_994 : memref<1x64x128xf32, #tpu.memory_space<vmem>> -> memref<64x128xf32, #tpu.memory_space<vmem>>
    %dma_wait3A_996 = arith.constant 0 : i32
    %dma_wait3A_997 = tpu.memref_slice %arg2[%add3A_868, %dma_wait3A_996] : memref<16384x256xf32, #tpu.memory_space<hbm>> -> memref<64x128xf32, #tpu.memory_space<hbm>>
    %dma_wait3A_998 = arith.constant 0 : i32
    %dma_wait3A_999 = arith.constant 0 : i32
    %dma_wait3A_1000 = tpu.memref_slice %arg9[%dma_wait3A_991, %dma_wait3A_998, %dma_wait3A_999] : memref<2x64x128xf32, #tpu.memory_space<vmem>> -> memref<1x64x128xf32, #tpu.memory_space<vmem>>
    %dma_wait3A_1001 = tpu.memref_squeeze %dma_wait3A_1000 : memref<1x64x128xf32, #tpu.memory_space<vmem>> -> memref<64x128xf32, #tpu.memory_space<vmem>>
    %dma_wait3A_1002 = arith.constant 0 : i32
    %dma_wait3A_1003 = tpu.memref_slice %arg2[%add3A_868, %dma_wait3A_1002] : memref<16384x256xf32, #tpu.memory_space<hbm>> -> memref<64x128xf32, #tpu.memory_space<hbm>>
    tpu.wait_dma2 semaphore(%arg25 : memref<!tpu.dma_semaphore, #tpu.memory_space<semaphore_mem>>) src(%dma_wait3A_1003 : memref<64x128xf32, #tpu.memory_space<hbm>>) dst(%dma_wait3A_1001 : memref<64x128xf32, #tpu.memory_space<vmem>>)
    %dma_wait3A_1004 = arith.constant 1 : i32
    %dma_wait3A_1005 = arith.constant 0 : i32
    %dma_wait3A_1006 = arith.constant 0 : i32
    %dma_wait3A_1007 = tpu.memref_slice %arg10[%dma_wait3A_1004, %dma_wait3A_1005, %dma_wait3A_1006] : memref<2x64x128xf32, #tpu.memory_space<vmem>> -> memref<1x64x128xf32, #tpu.memory_space<vmem>>
    %dma_wait3A_1008 = tpu.memref_squeeze %dma_wait3A_1007 : memref<1x64x128xf32, #tpu.memory_space<vmem>> -> memref<64x128xf32, #tpu.memory_space<vmem>>
    %dma_wait3A_1009 = arith.constant 128 : i32
    %dma_wait3A_1010 = tpu.memref_slice %arg2[%add3A_868, %dma_wait3A_1009] : memref<16384x256xf32, #tpu.memory_space<hbm>> -> memref<64x128xf32, #tpu.memory_space<hbm>>
    %dma_wait3A_1011 = arith.constant 0 : i32
    %dma_wait3A_1012 = arith.constant 0 : i32
    %dma_wait3A_1013 = tpu.memref_slice %arg10[%dma_wait3A_1004, %dma_wait3A_1011, %dma_wait3A_1012] : memref<2x64x128xf32, #tpu.memory_space<vmem>> -> memref<1x64x128xf32, #tpu.memory_space<vmem>>
    %dma_wait3A_1014 = tpu.memref_squeeze %dma_wait3A_1013 : memref<1x64x128xf32, #tpu.memory_space<vmem>> -> memref<64x128xf32, #tpu.memory_space<vmem>>
    %dma_wait3A_1015 = arith.constant 128 : i32
    %dma_wait3A_1016 = tpu.memref_slice %arg2[%add3A_868, %dma_wait3A_1015] : memref<16384x256xf32, #tpu.memory_space<hbm>> -> memref<64x128xf32, #tpu.memory_space<hbm>>
    tpu.wait_dma2 semaphore(%arg25 : memref<!tpu.dma_semaphore, #tpu.memory_space<semaphore_mem>>) src(%dma_wait3A_1016 : memref<64x128xf32, #tpu.memory_space<hbm>>) dst(%dma_wait3A_1014 : memref<64x128xf32, #tpu.memory_space<vmem>>)
    %dma_start3A_1017 = arith.constant 1 : i32
    %dma_start3A_1018 = arith.constant 0 : i32
    %dma_start3A_1019 = arith.constant 0 : i32
    %dma_start3A_1020 = tpu.memref_slice %arg9[%dma_start3A_1017, %dma_start3A_1018, %dma_start3A_1019] : memref<2x64x128xf32, #tpu.memory_space<vmem>> -> memref<1x64x128xf32, #tpu.memory_space<vmem>>
    %dma_start3A_1021 = tpu.memref_squeeze %dma_start3A_1020 : memref<1x64x128xf32, #tpu.memory_space<vmem>> -> memref<64x128xf32, #tpu.memory_space<vmem>>
    %dma_start3A_1022 = arith.constant 0 : i32
    %dma_start3A_1023 = arith.constant 0 : i32
    %dma_start3A_1024 = tpu.memref_slice %arg11[%dma_start3A_1022, %dma_start3A_1023] : memref<1024x128xf32, #tpu.memory_space<vmem_shared>> -> memref<1024x128xf32, #tpu.memory_space<vmem_shared>>
    tpu.enqueue_indirect_dma source(%dma_start3A_1021 : memref<64x128xf32, #tpu.memory_space<vmem>>) target(%dma_start3A_1024 : memref<1024x128xf32, #tpu.memory_space<vmem_shared>>) offsets(%arg20 : memref<64xi32, #tpu.memory_space<vmem>>) semaphore(%arg29 : memref<!tpu.dma_semaphore, #tpu.memory_space<semaphore_mem>>) {add = true}
    %dma_start3A_1025 = arith.constant 1 : i32
    %dma_start3A_1026 = arith.constant 0 : i32
    %dma_start3A_1027 = arith.constant 0 : i32
    %dma_start3A_1028 = tpu.memref_slice %arg10[%dma_start3A_1025, %dma_start3A_1026, %dma_start3A_1027] : memref<2x64x128xf32, #tpu.memory_space<vmem>> -> memref<1x64x128xf32, #tpu.memory_space<vmem>>
    %dma_start3A_1029 = tpu.memref_squeeze %dma_start3A_1028 : memref<1x64x128xf32, #tpu.memory_space<vmem>> -> memref<64x128xf32, #tpu.memory_space<vmem>>
    %dma_start3A_1030 = arith.constant 0 : i32
    %dma_start3A_1031 = arith.constant 0 : i32
    %dma_start3A_1032 = tpu.memref_slice %arg12[%dma_start3A_1030, %dma_start3A_1031] : memref<1024x128xf32, #tpu.memory_space<vmem_shared>> -> memref<1024x128xf32, #tpu.memory_space<vmem_shared>>
    tpu.enqueue_indirect_dma source(%dma_start3A_1029 : memref<64x128xf32, #tpu.memory_space<vmem>>) target(%dma_start3A_1032 : memref<1024x128xf32, #tpu.memory_space<vmem_shared>>) offsets(%arg20 : memref<64xi32, #tpu.memory_space<vmem>>) semaphore(%arg29 : memref<!tpu.dma_semaphore, #tpu.memory_space<semaphore_mem>>) {add = true}
    %dma_wait3A_1033 = arith.constant 0 : i32
    %dma_wait3A_1034 = arith.constant 0 : i32
    %dma_wait3A_1035 = arith.constant 0 : i32
    %dma_wait3A_1036 = tpu.memref_slice %arg8[%dma_wait3A_1033, %dma_wait3A_1034, %dma_wait3A_1035] : memref<2x64x256xf32, #tpu.memory_space<vmem>> -> memref<1x64x256xf32, #tpu.memory_space<vmem>>
    %dma_wait3A_1037 = tpu.memref_squeeze %dma_wait3A_1036 : memref<1x64x256xf32, #tpu.memory_space<vmem>> -> memref<64x256xf32, #tpu.memory_space<vmem>>
    %dma_wait3A_1038 = arith.constant 0 : i32
    %dma_wait3A_1039 = tpu.memref_slice %arg6[%add3A_904, %dma_wait3A_1038] : memref<16384x256xf32, #tpu.memory_space<hbm>> -> memref<64x256xf32, #tpu.memory_space<hbm>>
    %dma_wait3A_1040 = arith.constant 0 : i32
    %dma_wait3A_1041 = tpu.memref_slice %arg6[%add3A_904, %dma_wait3A_1040] : memref<16384x256xf32, #tpu.memory_space<hbm>> -> memref<64x256xf32, #tpu.memory_space<hbm>>
    %dma_wait3A_1042 = arith.constant 0 : i32
    %dma_wait3A_1043 = arith.constant 0 : i32
    %dma_wait3A_1044 = tpu.memref_slice %arg8[%dma_wait3A_1033, %dma_wait3A_1042, %dma_wait3A_1043] : memref<2x64x256xf32, #tpu.memory_space<vmem>> -> memref<1x64x256xf32, #tpu.memory_space<vmem>>
    %dma_wait3A_1045 = tpu.memref_squeeze %dma_wait3A_1044 : memref<1x64x256xf32, #tpu.memory_space<vmem>> -> memref<64x256xf32, #tpu.memory_space<vmem>>
    tpu.wait_dma2 semaphore(%arg26 : memref<!tpu.dma_semaphore, #tpu.memory_space<semaphore_mem>>) src(%dma_wait3A_1045 : memref<64x256xf32, #tpu.memory_space<vmem>>) dst(%dma_wait3A_1041 : memref<64x256xf32, #tpu.memory_space<hbm>>)
    %dma_wait3A_1046 = arith.constant 0 : i32
    %dma_wait3A_1047 = arith.constant 0 : i32
    %dma_wait3A_1048 = arith.constant 0 : i32
    %dma_wait3A_1049 = tpu.memref_slice %arg9[%dma_wait3A_1046, %dma_wait3A_1047, %dma_wait3A_1048] : memref<2x64x128xf32, #tpu.memory_space<vmem>> -> memref<1x64x128xf32, #tpu.memory_space<vmem>>
    %dma_wait3A_1050 = tpu.memref_squeeze %dma_wait3A_1049 : memref<1x64x128xf32, #tpu.memory_space<vmem>> -> memref<64x128xf32, #tpu.memory_space<vmem>>
    %dma_wait3A_1051 = arith.constant 0 : i32
    %dma_wait3A_1052 = arith.constant 0 : i32
    %dma_wait3A_1053 = tpu.memref_slice %arg11[%dma_wait3A_1051, %dma_wait3A_1052] : memref<1024x128xf32, #tpu.memory_space<vmem_shared>> -> memref<1024x128xf32, #tpu.memory_space<vmem_shared>>
    tpu.wait_indirect_dma semaphore(%arg28 : memref<!tpu.dma_semaphore, #tpu.memory_space<semaphore_mem>>) src(%dma_wait3A_1050 : memref<64x128xf32, #tpu.memory_space<vmem>>) dst(%dma_wait3A_1053 : memref<1024x128xf32, #tpu.memory_space<vmem_shared>>)
    %dma_wait3A_1054 = arith.constant 0 : i32
    %dma_wait3A_1055 = arith.constant 0 : i32
    %dma_wait3A_1056 = arith.constant 0 : i32
    %dma_wait3A_1057 = tpu.memref_slice %arg10[%dma_wait3A_1054, %dma_wait3A_1055, %dma_wait3A_1056] : memref<2x64x128xf32, #tpu.memory_space<vmem>> -> memref<1x64x128xf32, #tpu.memory_space<vmem>>
    %dma_wait3A_1058 = tpu.memref_squeeze %dma_wait3A_1057 : memref<1x64x128xf32, #tpu.memory_space<vmem>> -> memref<64x128xf32, #tpu.memory_space<vmem>>
    %dma_wait3A_1059 = arith.constant 0 : i32
    %dma_wait3A_1060 = arith.constant 0 : i32
    %dma_wait3A_1061 = tpu.memref_slice %arg12[%dma_wait3A_1059, %dma_wait3A_1060] : memref<1024x128xf32, #tpu.memory_space<vmem_shared>> -> memref<1024x128xf32, #tpu.memory_space<vmem_shared>>
    tpu.wait_indirect_dma semaphore(%arg28 : memref<!tpu.dma_semaphore, #tpu.memory_space<semaphore_mem>>) src(%dma_wait3A_1058 : memref<64x128xf32, #tpu.memory_space<vmem>>) dst(%dma_wait3A_1061 : memref<1024x128xf32, #tpu.memory_space<vmem_shared>>)
    %dma_wait3A_1062 = arith.constant 1 : i32
    %dma_wait3A_1063 = arith.constant 0 : i32
    %dma_wait3A_1064 = arith.constant 0 : i32
    %dma_wait3A_1065 = tpu.memref_slice %arg8[%dma_wait3A_1062, %dma_wait3A_1063, %dma_wait3A_1064] : memref<2x64x256xf32, #tpu.memory_space<vmem>> -> memref<1x64x256xf32, #tpu.memory_space<vmem>>
    %dma_wait3A_1066 = tpu.memref_squeeze %dma_wait3A_1065 : memref<1x64x256xf32, #tpu.memory_space<vmem>> -> memref<64x256xf32, #tpu.memory_space<vmem>>
    %dma_wait3A_1067 = arith.constant 0 : i32
    %dma_wait3A_1068 = tpu.memref_slice %arg6[%add3A_969, %dma_wait3A_1067] : memref<16384x256xf32, #tpu.memory_space<hbm>> -> memref<64x256xf32, #tpu.memory_space<hbm>>
    %dma_wait3A_1069 = arith.constant 0 : i32
    %dma_wait3A_1070 = tpu.memref_slice %arg6[%add3A_969, %dma_wait3A_1069] : memref<16384x256xf32, #tpu.memory_space<hbm>> -> memref<64x256xf32, #tpu.memory_space<hbm>>
    %dma_wait3A_1071 = arith.constant 0 : i32
    %dma_wait3A_1072 = arith.constant 0 : i32
    %dma_wait3A_1073 = tpu.memref_slice %arg8[%dma_wait3A_1062, %dma_wait3A_1071, %dma_wait3A_1072] : memref<2x64x256xf32, #tpu.memory_space<vmem>> -> memref<1x64x256xf32, #tpu.memory_space<vmem>>
    %dma_wait3A_1074 = tpu.memref_squeeze %dma_wait3A_1073 : memref<1x64x256xf32, #tpu.memory_space<vmem>> -> memref<64x256xf32, #tpu.memory_space<vmem>>
    tpu.wait_dma2 semaphore(%arg27 : memref<!tpu.dma_semaphore, #tpu.memory_space<semaphore_mem>>) src(%dma_wait3A_1074 : memref<64x256xf32, #tpu.memory_space<vmem>>) dst(%dma_wait3A_1070 : memref<64x256xf32, #tpu.memory_space<hbm>>)
    %dma_wait3A_1075 = arith.constant 1 : i32
    %dma_wait3A_1076 = arith.constant 0 : i32
    %dma_wait3A_1077 = arith.constant 0 : i32
    %dma_wait3A_1078 = tpu.memref_slice %arg9[%dma_wait3A_1075, %dma_wait3A_1076, %dma_wait3A_1077] : memref<2x64x128xf32, #tpu.memory_space<vmem>> -> memref<1x64x128xf32, #tpu.memory_space<vmem>>
    %dma_wait3A_1079 = tpu.memref_squeeze %dma_wait3A_1078 : memref<1x64x128xf32, #tpu.memory_space<vmem>> -> memref<64x128xf32, #tpu.memory_space<vmem>>
    %dma_wait3A_1080 = arith.constant 0 : i32
    %dma_wait3A_1081 = arith.constant 0 : i32
    %dma_wait3A_1082 = tpu.memref_slice %arg11[%dma_wait3A_1080, %dma_wait3A_1081] : memref<1024x128xf32, #tpu.memory_space<vmem_shared>> -> memref<1024x128xf32, #tpu.memory_space<vmem_shared>>
    tpu.wait_indirect_dma semaphore(%arg29 : memref<!tpu.dma_semaphore, #tpu.memory_space<semaphore_mem>>) src(%dma_wait3A_1079 : memref<64x128xf32, #tpu.memory_space<vmem>>) dst(%dma_wait3A_1082 : memref<1024x128xf32, #tpu.memory_space<vmem_shared>>)
    %dma_wait3A_1083 = arith.constant 1 : i32
    %dma_wait3A_1084 = arith.constant 0 : i32
    %dma_wait3A_1085 = arith.constant 0 : i32
    %dma_wait3A_1086 = tpu.memref_slice %arg10[%dma_wait3A_1083, %dma_wait3A_1084, %dma_wait3A_1085] : memref<2x64x128xf32, #tpu.memory_space<vmem>> -> memref<1x64x128xf32, #tpu.memory_space<vmem>>
    %dma_wait3A_1087 = tpu.memref_squeeze %dma_wait3A_1086 : memref<1x64x128xf32, #tpu.memory_space<vmem>> -> memref<64x128xf32, #tpu.memory_space<vmem>>
    %dma_wait3A_1088 = arith.constant 0 : i32
    %dma_wait3A_1089 = arith.constant 0 : i32
    %dma_wait3A_1090 = tpu.memref_slice %arg12[%dma_wait3A_1088, %dma_wait3A_1089] : memref<1024x128xf32, #tpu.memory_space<vmem_shared>> -> memref<1024x128xf32, #tpu.memory_space<vmem_shared>>
    tpu.wait_indirect_dma semaphore(%arg29 : memref<!tpu.dma_semaphore, #tpu.memory_space<semaphore_mem>>) src(%dma_wait3A_1087 : memref<64x128xf32, #tpu.memory_space<vmem>>) dst(%dma_wait3A_1090 : memref<1024x128xf32, #tpu.memory_space<vmem_shared>>)
    %barrier3A_1091 = arith.constant 0 : index
    tpu.barrier barrier_id(%barrier3A_1091)
    %run_scoped3A = arith.constant 0 : i32
    "tpu.region"() ({
      %run_scoped3A_1093 = tpu.sem_alloc : memref<!tpu.dma_semaphore, #tpu.memory_space<semaphore_mem>>
      %dma_start3A_1094 = arith.constant 0 : i32
      %dma_start3A_1095 = tpu.memref_slice %arg7[%arg0, %run_scoped3A, %mul3A_35, %dma_start3A_1094] : memref<2x2x1024x128xf32, #tpu.memory_space<hbm>> -> memref<1x1x64x128xf32, #tpu.memory_space<hbm>>
      %dma_start3A_1096 = tpu.memref_squeeze %dma_start3A_1095 : memref<1x1x64x128xf32, #tpu.memory_space<hbm>> -> memref<64x128xf32, #tpu.memory_space<hbm>>
      %dma_start3A_1097 = arith.constant 0 : i32
      %dma_start3A_1098 = tpu.memref_slice %arg11[%mul3A_35, %dma_start3A_1097] : memref<1024x128xf32, #tpu.memory_space<vmem_shared>> -> memref<64x128xf32, #tpu.memory_space<vmem_shared>>
      tpu.enqueue_dma source(%dma_start3A_1098 : memref<64x128xf32, #tpu.memory_space<vmem_shared>>) target(%dma_start3A_1096 : memref<64x128xf32, #tpu.memory_space<hbm>>) target_semaphore(%run_scoped3A_1093 : memref<!tpu.dma_semaphore, #tpu.memory_space<semaphore_mem>>)
      %dma_wait3A_1099 = arith.constant 0 : i32
      %dma_wait3A_1100 = tpu.memref_slice %arg7[%arg0, %run_scoped3A, %mul3A_35, %dma_wait3A_1099] : memref<2x2x1024x128xf32, #tpu.memory_space<hbm>> -> memref<1x1x64x128xf32, #tpu.memory_space<hbm>>
      %dma_wait3A_1101 = tpu.memref_squeeze %dma_wait3A_1100 : memref<1x1x64x128xf32, #tpu.memory_space<hbm>> -> memref<64x128xf32, #tpu.memory_space<hbm>>
      %dma_wait3A_1102 = arith.constant 0 : i32
      %dma_wait3A_1103 = tpu.memref_slice %arg11[%mul3A_35, %dma_wait3A_1102] : memref<1024x128xf32, #tpu.memory_space<vmem_shared>> -> memref<64x128xf32, #tpu.memory_space<vmem_shared>>
      tpu.wait_dma2 semaphore(%run_scoped3A_1093 : memref<!tpu.dma_semaphore, #tpu.memory_space<semaphore_mem>>) src(%dma_wait3A_1103 : memref<64x128xf32, #tpu.memory_space<vmem_shared>>) dst(%dma_wait3A_1101 : memref<64x128xf32, #tpu.memory_space<hbm>>)
      tpu.yield
    }) : () -> ()
    %run_scoped3A_1092 = arith.constant 1 : i32
    "tpu.region"() ({
      %run_scoped3A_1093 = tpu.sem_alloc : memref<!tpu.dma_semaphore, #tpu.memory_space<semaphore_mem>>
      %dma_start3A_1094 = arith.constant 0 : i32
      %dma_start3A_1095 = tpu.memref_slice %arg7[%arg0, %run_scoped3A_1092, %mul3A_35, %dma_start3A_1094] : memref<2x2x1024x128xf32, #tpu.memory_space<hbm>> -> memref<1x1x64x128xf32, #tpu.memory_space<hbm>>
      %dma_start3A_1096 = tpu.memref_squeeze %dma_start3A_1095 : memref<1x1x64x128xf32, #tpu.memory_space<hbm>> -> memref<64x128xf32, #tpu.memory_space<hbm>>
      %dma_start3A_1097 = arith.constant 0 : i32
      %dma_start3A_1098 = tpu.memref_slice %arg12[%mul3A_35, %dma_start3A_1097] : memref<1024x128xf32, #tpu.memory_space<vmem_shared>> -> memref<64x128xf32, #tpu.memory_space<vmem_shared>>
      tpu.enqueue_dma source(%dma_start3A_1098 : memref<64x128xf32, #tpu.memory_space<vmem_shared>>) target(%dma_start3A_1096 : memref<64x128xf32, #tpu.memory_space<hbm>>) target_semaphore(%run_scoped3A_1093 : memref<!tpu.dma_semaphore, #tpu.memory_space<semaphore_mem>>)
      %dma_wait3A_1099 = arith.constant 0 : i32
      %dma_wait3A_1100 = tpu.memref_slice %arg7[%arg0, %run_scoped3A_1092, %mul3A_35, %dma_wait3A_1099] : memref<2x2x1024x128xf32, #tpu.memory_space<hbm>> -> memref<1x1x64x128xf32, #tpu.memory_space<hbm>>
      %dma_wait3A_1101 = tpu.memref_squeeze %dma_wait3A_1100 : memref<1x1x64x128xf32, #tpu.memory_space<hbm>> -> memref<64x128xf32, #tpu.memory_space<hbm>>
      %dma_wait3A_1102 = arith.constant 0 : i32
      %dma_wait3A_1103 = tpu.memref_slice %arg12[%mul3A_35, %dma_wait3A_1102] : memref<1024x128xf32, #tpu.memory_space<vmem_shared>> -> memref<64x128xf32, #tpu.memory_space<vmem_shared>>
      tpu.wait_dma2 semaphore(%run_scoped3A_1093 : memref<!tpu.dma_semaphore, #tpu.memory_space<semaphore_mem>>) src(%dma_wait3A_1103 : memref<64x128xf32, #tpu.memory_space<vmem_shared>>) dst(%dma_wait3A_1101 : memref<64x128xf32, #tpu.memory_space<hbm>>)
      tpu.yield
    }) : () -> ()
    return
  }
}

module attributes {stable_mosaic.version = 14 : i64} {
  func.func @_dist_body(%arg0: i32, %arg1: memref<1024x256xf32, #tpu.memory_space<vmem>>, %arg2: memref<256x1024xf32, #tpu.memory_space<vmem>>, %arg3: memref<1x1024xf32, #tpu.memory_space<vmem>>, %arg4: memref<1x1x1024xi32, #tpu.memory_space<vmem>>, %arg5: memref<1024x1024xf32, #tpu.memory_space<vmem>>, %arg6: memref<1x1024xf32, #tpu.memory_space<vmem>>) attributes {dimension_semantics = [#tpu.dimension_semantics<arbitrary>], iteration_bounds = array<i64: 16>, scalar_prefetch = 0 : i64, scratch_operands = 0 : i64, tpu.core_type = #tpu.core_type<tc>, window_params = [{transform_indices = @transform_0, window_bounds = array<i64: 1024, 256>}, {pipeline_mode = #tpu.pipeline_mode<synchronous>, transform_indices = @transform_1, window_bounds = array<i64: 256, 1024>}, {pipeline_mode = #tpu.pipeline_mode<synchronous>, transform_indices = @transform_2, window_bounds = array<i64: 1, 1024>}, {transform_indices = @transform_3, window_bounds = array<i64: 1, 1, 1024>}, {transform_indices = @transform_4, window_bounds = array<i64: 1024, 1024>}, {pipeline_mode = #tpu.pipeline_mode<synchronous>, transform_indices = @transform_5, window_bounds = array<i64: 1, 1024>}]} {
    %get3A = arith.constant 0 : index
    %get3A_0 = arith.constant 0 : index
    %get3A_1 = vector.load %arg1[%get3A, %get3A_0] : memref<1024x256xf32, #tpu.memory_space<vmem>>, vector<1024x256xf32>
    %get3A_2 = arith.constant 0 : index
    %get3A_3 = arith.constant 0 : index
    %get3A_4 = vector.load %arg2[%get3A_2, %get3A_3] : memref<256x1024xf32, #tpu.memory_space<vmem>>, vector<256x1024xf32>
    %dot_general3A = arith.constant dense<0.000000e+00> : vector<1024x1024xf32>
    %dot_general3A_5 = tpu.matmul %get3A_1, %get3A_4, %dot_general3A {dimension_numbers = #tpu.dot_dimension_numbers<[1], [0], [0], [1], [0, 0, 1, 1], [], []>, transpose_lhs_hint = false} : vector<1024x256xf32>, vector<256x1024xf32>, vector<1024x1024xf32> -> vector<1024x1024xf32>
    %mul3A = arith.mulf %get3A_1, %get3A_1 : vector<1024x256xf32>
    %reduce_sum3A = arith.constant dense<0.000000e+00> : vector<1024xf32>
    %reduce_sum3A_6 = vector.multi_reduction <add>, %mul3A, %reduce_sum3A [1] : vector<1024x256xf32> to vector<1024xf32>
    %broadcast_in_dim3A = vector.shape_cast %reduce_sum3A_6 : vector<1024xf32> to vector<1024x1xf32>
    %mul3A_7 = arith.constant -2.000000e+00 : f32
    %mul3A_8 = vector.broadcast %mul3A_7 : f32 to vector<1024x1024xf32>
    %mul3A_9 = arith.mulf %mul3A_8, %dot_general3A_5 : vector<1024x1024xf32>
    %add3A = vector.broadcast %broadcast_in_dim3A : vector<1024x1xf32> to vector<1024x1024xf32>
    %add3A_10 = arith.addf %add3A, %mul3A_9 : vector<1024x1024xf32>
    %get3A_11 = arith.constant 0 : index
    %get3A_12 = arith.constant 0 : index
    %get3A_13 = vector.load %arg3[%get3A_11, %get3A_12] : memref<1x1024xf32, #tpu.memory_space<vmem>>, vector<1x1024xf32>
    %add3A_14 = vector.broadcast %get3A_13 : vector<1x1024xf32> to vector<1024x1024xf32>
    %add3A_15 = arith.addf %add3A_10, %add3A_14 : vector<1024x1024xf32>
    %reduce_min3A = arith.constant dense<0x7F800000> : vector<1024xf32>
    %reduce_min3A_16 = vector.multi_reduction <minimumf>, %add3A_15, %reduce_min3A [1] : vector<1024x1024xf32> to vector<1024xf32>
    %broadcast_in_dim3A_17 = vector.shape_cast %reduce_min3A_16 : vector<1024xf32> to vector<1024x1xf32>
    %iota3A = tpu.iota {dimensions = array<i32: 1>} : vector<1024x1024xi32>
    %eq3A = vector.broadcast %broadcast_in_dim3A_17 : vector<1024x1xf32> to vector<1024x1024xf32>
    %eq3A_18 = arith.cmpf oeq, %add3A_15, %eq3A : vector<1024x1024xf32>
    %jit3A = arith.constant 1073741824 : i32
    %broadcast_in_dim3A_19 = vector.broadcast %jit3A : i32 to vector<1024x1024xi32>
    %select_n3A = arith.select %eq3A_18, %iota3A, %broadcast_in_dim3A_19 : vector<1024x1024xi1>, vector<1024x1024xi32>
    %reduce_min3A_20 = arith.constant dense<2147483647> : vector<1024xi32>
    %reduce_min3A_21 = vector.multi_reduction <minsi>, %select_n3A, %reduce_min3A_20 [1] : vector<1024x1024xi32> to vector<1024xi32>
    %reshape3A = vector.shape_cast %reduce_min3A_21 : vector<1024xi32> to vector<1x1x1024xi32>
    %swap3A = arith.constant 0 : index
    %swap3A_22 = arith.constant 0 : index
    %swap3A_23 = arith.constant 0 : index
    %swap3A_24 = vector.load %arg4[%swap3A, %swap3A_22, %swap3A_23] : memref<1x1x1024xi32, #tpu.memory_space<vmem>>, vector<1x1x1024xi32>
    tpu.vector_store %arg4[%swap3A, %swap3A_22, %swap3A_23], %reshape3A {strides = array<i32>} : memref<1x1x1024xi32, #tpu.memory_space<vmem>>, vector<1x1x1024xi32>,
    %broadcast_in_dim3A_25 = vector.shape_cast %reduce_min3A_21 : vector<1024xi32> to vector<1024x1xi32>
    %eq3A_26 = vector.broadcast %broadcast_in_dim3A_25 : vector<1024x1xi32> to vector<1024x1024xi32>
    %eq3A_27 = arith.cmpi eq, %iota3A, %eq3A_26 : vector<1024x1024xi32>
    %convert_element_type3A = arith.extui %eq3A_27 : vector<1024x1024xi1> to vector<1024x1024xi32>
    %convert_element_type3A_28 = arith.sitofp %convert_element_type3A : vector<1024x1024xi32> to vector<1024x1024xf32>
    %swap3A_29 = arith.constant 0 : index
    %swap3A_30 = arith.constant 0 : index
    %swap3A_31 = vector.load %arg5[%swap3A_29, %swap3A_30] : memref<1024x1024xf32, #tpu.memory_space<vmem>>, vector<1024x1024xf32>
    tpu.vector_store %arg5[%swap3A_29, %swap3A_30], %convert_element_type3A_28 {strides = array<i32>} : memref<1024x1024xf32, #tpu.memory_space<vmem>>, vector<1024x1024xf32>,
    %reduce_sum3A_32 = arith.constant dense<0.000000e+00> : vector<1024xf32>
    %reduce_sum3A_33 = vector.multi_reduction <add>, %convert_element_type3A_28, %reduce_sum3A_32 [0] : vector<1024x1024xf32> to vector<1024xf32>
    %broadcast_in_dim3A_34 = vector.shape_cast %reduce_sum3A_33 : vector<1024xf32> to vector<1x1024xf32>
    %eq3A_35 = arith.constant 0 : i32
    %eq3A_36 = arith.cmpi eq, %arg0, %eq3A_35 : i32
    %convert_element_type3A_37 = arith.extui %eq3A_36 : i1 to i32
    %cond3A = arith.constant 0 : i32
    %cond3A_38 = arith.cmpi ne, %convert_element_type3A_37, %cond3A : i32
    scf.if %cond3A_38 {
      %swap3A_43 = arith.constant 0 : index
      %swap3A_44 = arith.constant 0 : index
      %swap3A_45 = vector.load %arg6[%swap3A_43, %swap3A_44] : memref<1x1024xf32, #tpu.memory_space<vmem>>, vector<1x1024xf32>
      tpu.vector_store %arg6[%swap3A_43, %swap3A_44], %broadcast_in_dim3A_34 {strides = array<i32>} : memref<1x1024xf32, #tpu.memory_space<vmem>>, vector<1x1024xf32>,
    } else {
    }
    %gt3A = arith.constant 0 : i32
    %gt3A_39 = arith.cmpi sgt, %arg0, %gt3A : i32
    %convert_element_type3A_40 = arith.extui %gt3A_39 : i1 to i32
    %cond3A_41 = arith.constant 0 : i32
    %cond3A_42 = arith.cmpi ne, %convert_element_type3A_40, %cond3A_41 : i32
    scf.if %cond3A_42 {
      %get3A_43 = arith.constant 0 : index
      %get3A_44 = arith.constant 0 : index
      %get3A_45 = vector.load %arg6[%get3A_43, %get3A_44] : memref<1x1024xf32, #tpu.memory_space<vmem>>, vector<1x1024xf32>
      %add3A_46 = arith.addf %get3A_45, %broadcast_in_dim3A_34 : vector<1x1024xf32>
      %swap3A_47 = arith.constant 0 : index
      %swap3A_48 = arith.constant 0 : index
      %swap3A_49 = vector.load %arg6[%swap3A_47, %swap3A_48] : memref<1x1024xf32, #tpu.memory_space<vmem>>, vector<1x1024xf32>
      tpu.vector_store %arg6[%swap3A_47, %swap3A_48], %add3A_46 {strides = array<i32>} : memref<1x1024xf32, #tpu.memory_space<vmem>>, vector<1x1024xf32>,
    } else {
    }
    return
  }
  func.func @transform_0(%arg0: i32) -> (i32, i32) {
    %c0_i32 = arith.constant 0 : i32
    %c0_i32_0 = arith.constant 0 : i32
    return %arg0, %c0_i32 : i32, i32
  }
  func.func @transform_1(%arg0: i32) -> (i32, i32) {
    %c0_i32 = arith.constant 0 : i32
    %c0_i32_0 = arith.constant 0 : i32
    %c0_i32_1 = arith.constant 0 : i32
    return %c0_i32, %c0_i32_0 : i32, i32
  }
  func.func @transform_2(%arg0: i32) -> (i32, i32) {
    %c0_i32 = arith.constant 0 : i32
    %c0_i32_0 = arith.constant 0 : i32
    %c0_i32_1 = arith.constant 0 : i32
    return %c0_i32, %c0_i32_0 : i32, i32
  }
  func.func @transform_3(%arg0: i32) -> (i32, i32, i32) {
    %c0_i32 = arith.constant 0 : i32
    %c0_i32_0 = arith.constant 0 : i32
    %c0_i32_1 = arith.constant 0 : i32
    return %arg0, %c0_i32, %c0_i32_0 : i32, i32, i32
  }
  func.func @transform_4(%arg0: i32) -> (i32, i32) {
    %c0_i32 = arith.constant 0 : i32
    %c0_i32_0 = arith.constant 0 : i32
    return %arg0, %c0_i32 : i32, i32
  }
  func.func @transform_5(%arg0: i32) -> (i32, i32) {
    %c0_i32 = arith.constant 0 : i32
    %c0_i32_0 = arith.constant 0 : i32
    %c0_i32_1 = arith.constant 0 : i32
    return %c0_i32, %c0_i32_0 : i32, i32
  }
}

module attributes {stable_mosaic.version = 14 : i64} {
  func.func @_fin_body(%arg0: memref<2x2x1024x128xf32, #tpu.memory_space<vmem>>, %arg1: memref<1024x1xf32, #tpu.memory_space<vmem>>, %arg2: memref<1024x1xf32, #tpu.memory_space<vmem>>, %arg3: memref<1024x256xf32, #tpu.memory_space<vmem>>, %arg4: memref<1024x1xf32, #tpu.memory_space<vmem>>, %arg5: memref<1024x256xf32, #tpu.memory_space<vmem>>, %arg6: memref<1024x256xf32, #tpu.memory_space<vmem>>) attributes {dimension_semantics = [], scalar_prefetch = 0 : i64, scratch_operands = 0 : i64, tpu.core_type = #tpu.core_type<tc>} {
    %get3A = arith.constant 0 : index
    %get3A_0 = arith.constant 0 : index
    %get3A_1 = vector.load %arg1[%get3A, %get3A_0] : memref<1024x1xf32, #tpu.memory_space<vmem>>, vector<1024x1xf32>
    %get3A_2 = arith.constant 0 : index
    %get3A_3 = arith.constant 0 : index
    %get3A_4 = vector.load %arg2[%get3A_2, %get3A_3] : memref<1024x1xf32, #tpu.memory_space<vmem>>, vector<1024x1xf32>
    %mul3A = arith.constant 9.900000e-01 : f32
    %mul3A_5 = vector.broadcast %mul3A : f32 to vector<1024x1xf32>
    %mul3A_6 = arith.mulf %get3A_4, %mul3A_5 : vector<1024x1xf32>
    %mul3A_7 = arith.constant 0.00999999977 : f32
    %mul3A_8 = vector.broadcast %mul3A_7 : f32 to vector<1024x1xf32>
    %mul3A_9 = arith.mulf %get3A_1, %mul3A_8 : vector<1024x1xf32>
    %add3A = arith.addf %mul3A_6, %mul3A_9 : vector<1024x1xf32>
    %reduce_sum3A = vector.shape_cast %add3A : vector<1024x1xf32> to vector<1x1024x1xf32>
    %reduce_sum3A_10 = arith.constant dense<0.000000e+00> : vector<1xf32>
    %reduce_sum3A_11 = vector.multi_reduction <add>, %reduce_sum3A, %reduce_sum3A_10 [1, 2] : vector<1x1024x1xf32> to vector<1xf32>
    %reduce_sum3A_12 = vector.shape_cast %reduce_sum3A_11 : vector<1xf32> to vector<1x1x1xf32>
    %reduce_sum3A_13 = vector.extract %reduce_sum3A_12[0, 0, 0] : f32 from vector<1x1x1xf32>
    %add3A_14 = arith.constant 9.99999974E-6 : f32
    %add3A_15 = vector.broadcast %add3A_14 : f32 to vector<1024x1xf32>
    %add3A_16 = arith.addf %add3A, %add3A_15 : vector<1024x1xf32>
    %add3A_17 = arith.constant 1.024000e-02 : f32
    %add3A_18 = arith.addf %reduce_sum3A_13, %add3A_17 : f32
    %div3A = vector.broadcast %add3A_18 : f32 to vector<1024x1xf32>
    %div3A_19 = arith.divf %add3A_16, %div3A : vector<1024x1xf32>
    %mul3A_20 = vector.broadcast %reduce_sum3A_13 : f32 to vector<1024x1xf32>
    %mul3A_21 = arith.mulf %div3A_19, %mul3A_20 : vector<1024x1xf32>
    %get3A_22 = arith.constant 0 : index
    %get3A_23 = arith.constant 0 : index
    %get3A_24 = arith.constant 0 : index
    %get3A_25 = arith.constant 0 : index
    %get3A_26 = vector.load %arg0[%get3A_22, %get3A_23, %get3A_24, %get3A_25] : memref<2x2x1024x128xf32, #tpu.memory_space<vmem>>, vector<1x1x1024x128xf32>
    %get3A_27 = vector.shape_cast %get3A_26 : vector<1x1x1024x128xf32> to vector<1024x128xf32>
    %get3A_28 = arith.constant 1 : index
    %get3A_29 = arith.constant 0 : index
    %get3A_30 = arith.constant 0 : index
    %get3A_31 = arith.constant 0 : index
    %get3A_32 = vector.load %arg0[%get3A_28, %get3A_29, %get3A_30, %get3A_31] : memref<2x2x1024x128xf32, #tpu.memory_space<vmem>>, vector<1x1x1024x128xf32>
    %get3A_33 = vector.shape_cast %get3A_32 : vector<1x1x1024x128xf32> to vector<1024x128xf32>
    %add3A_34 = arith.addf %get3A_27, %get3A_33 : vector<1024x128xf32>
    %get3A_35 = arith.constant 0 : index
    %get3A_36 = arith.constant 1 : index
    %get3A_37 = arith.constant 0 : index
    %get3A_38 = arith.constant 0 : index
    %get3A_39 = vector.load %arg0[%get3A_35, %get3A_36, %get3A_37, %get3A_38] : memref<2x2x1024x128xf32, #tpu.memory_space<vmem>>, vector<1x1x1024x128xf32>
    %get3A_40 = vector.shape_cast %get3A_39 : vector<1x1x1024x128xf32> to vector<1024x128xf32>
    %get3A_41 = arith.constant 1 : index
    %get3A_42 = arith.constant 1 : index
    %get3A_43 = arith.constant 0 : index
    %get3A_44 = arith.constant 0 : index
    %get3A_45 = vector.load %arg0[%get3A_41, %get3A_42, %get3A_43, %get3A_44] : memref<2x2x1024x128xf32, #tpu.memory_space<vmem>>, vector<1x1x1024x128xf32>
    %get3A_46 = vector.shape_cast %get3A_45 : vector<1x1x1024x128xf32> to vector<1024x128xf32>
    %add3A_47 = arith.addf %get3A_40, %get3A_46 : vector<1024x128xf32>
    %concatenate3A = tpu.concatenate %add3A_34, %add3A_47 in 1 : vector<1024x128xf32>, vector<1024x128xf32> -> vector<1024x256xf32>
    %get3A_48 = arith.constant 0 : index
    %get3A_49 = arith.constant 0 : index
    %get3A_50 = vector.load %arg3[%get3A_48, %get3A_49] : memref<1024x256xf32, #tpu.memory_space<vmem>>, vector<1024x256xf32>
    %mul3A_51 = arith.constant 9.900000e-01 : f32
    %mul3A_52 = vector.broadcast %mul3A_51 : f32 to vector<1024x256xf32>
    %mul3A_53 = arith.mulf %get3A_50, %mul3A_52 : vector<1024x256xf32>
    %mul3A_54 = arith.constant 0.00999999977 : f32
    %mul3A_55 = vector.broadcast %mul3A_54 : f32 to vector<1024x256xf32>
    %mul3A_56 = arith.mulf %concatenate3A, %mul3A_55 : vector<1024x256xf32>
    %add3A_57 = arith.addf %mul3A_53, %mul3A_56 : vector<1024x256xf32>
    %swap3A = arith.constant 0 : index
    %swap3A_58 = arith.constant 0 : index
    %swap3A_59 = vector.load %arg4[%swap3A, %swap3A_58] : memref<1024x1xf32, #tpu.memory_space<vmem>>, vector<1024x1xf32>
    tpu.vector_store %arg4[%swap3A, %swap3A_58], %mul3A_21 {strides = array<i32>} : memref<1024x1xf32, #tpu.memory_space<vmem>>, vector<1024x1xf32>,
    %swap3A_60 = arith.constant 0 : index
    %swap3A_61 = arith.constant 0 : index
    %swap3A_62 = vector.load %arg5[%swap3A_60, %swap3A_61] : memref<1024x256xf32, #tpu.memory_space<vmem>>, vector<1024x256xf32>
    tpu.vector_store %arg5[%swap3A_60, %swap3A_61], %add3A_57 {strides = array<i32>} : memref<1024x256xf32, #tpu.memory_space<vmem>>, vector<1024x256xf32>,
    %div3A_63 = vector.broadcast %mul3A_21 : vector<1024x1xf32> to vector<1024x256xf32>
    %div3A_64 = arith.divf %add3A_57, %div3A_63 : vector<1024x256xf32>
    %swap3A_65 = arith.constant 0 : index
    %swap3A_66 = arith.constant 0 : index
    %swap3A_67 = vector.load %arg6[%swap3A_65, %swap3A_66] : memref<1024x256xf32, #tpu.memory_space<vmem>>, vector<1024x256xf32>
    tpu.vector_store %arg6[%swap3A_65, %swap3A_66], %div3A_64 {strides = array<i32>} : memref<1024x256xf32, #tpu.memory_space<vmem>>, vector<1024x256xf32>,
    return
  }
}

</mosaic_0001>

<sc_bundles>
// kernel: kernel.5.cloned.1.call-start
scs
__scs_entry_jumppad:
0x0: {  	(pc) =	sbr.rel $0x88, $3  }
0x1: {  	(tag) =	ssettag $0x0;
	lr =	simm.s32 $0x1  }
0x2: {  	[smem:$0x3F9D] =	sst lr;
	_ =	strace $0xD0000000  }
0x3: {  	_ = 	snop  }
0x4: {  	_ = 	snop  }
0x5: {  	_ = 	snop  }
0x6: {  	_ = 	snop  }
0x7: {  	_ = 	snop  }
__scs_overlays_trampoline_lowered:
0x8: {  	[smem:$0x3FAC] =	sst s0  }
0x9: {  	[smem:$0x3FAD] =	sst s1  }
0xa: {  	[smem:$0x3FAE] =	sst s2  }
0xb: {  	[smem:$0x3FAF] =	sst s3  }
0xc: {  	[smem:$0x3FB0] =	sst s4  }
0xd: {  	[smem:$0x3FB1] =	sst s5  }
0xe: {  	[smem:$0x3FB2] =	sst s6  }
0xf: {  	[smem:$0x3FB3] =	sst s7  }
0x10: {  	[smem:$0x3FB4] =	sst s8  }
0x11: {  	[smem:$0x3FB5] =	sst s9;
	s0 =	simm.s32 @!p0 $0x0  }
0x12: {  	s1 =	sld [smem:$0x3F9B];
	s0 =	simm.s32 @p0 $0x1  }
0x13: {  	[smem:$0x3FB6] =	sst s0;
	s0 =	simm.s32 @!p1 $0x0  }
0x14: {  	s2 =	sld [smem:$0x3F9A];
	s0 =	simm.s32 @p1 $0x1  }
0x15: {  	[smem:$0x3FB7] =	sst s0;
	s0 =	simm.s32 @!p2 $0x0  }
0x16: {  	s3 =	sld [smem:$0x3FDB];
	s0 =	simm.s32 @p2 $0x1  }
0x17: {  	s4 =	simm.s32 $0x1BF5;
	[smem:$0x3FB9] =	sst s0  }
0x18: {  	s0 =	sld [smem:$0x3F9C];
	_ =	swait.ge [sflag:s4], $0x0  }
0x19: {  	s7 =	sld [smem:$0x3F9D]  }
0x1a: {  	s8 =	sadd.s32 $0xFFFFE003, lr  }
0x1b: {  	s9 =	sadd.s32 $0xFFFFFEF7, lr;
	s5 =	simm.s32 $0xFFFFFFFF;
	p2 =	slt.u32 s8, $0xFFFFF086  }
0x1c: {  	p1 =	slt.u32 s9, $0xF7A;
	s5 =	simm.s32 @!p2 $0x0  }
0x1d: {  	s5 =	simm.s32 @p1 $0x1;
	p0 =	seq.s32 s7, s2  }
0x1e: {  	s7 =	smul.u32 @!p0 $0xF7A, s2;
	p2 =	seq.s32 @!p0 s5, $0x0  }
0x1f: {  	s9 =	smul.u32 $0xF7A, s1;
	s8 =	simm.s32 @!p0 $0x1BF5;
	p2 =	por !p2, p0  }
0x20: {  	[sflag:s8] =	ssyncset.s32 @!p0 $0xFFFFF086;
	s6 =	sadd.s32 @!p0 s3, s7;
	s7 =	simm.s32 @!p0 $0x108  }
0x21: {  	s3 =	sadd.s32 s3, s9;
	s6 =	sadd.s32 @!p0 $0x88, s6;
	s7 =	simm.s32 @p2 $0x1082  }
0x22: {  	[simem:s7], [sflag:s8] =	dma.local @!p0 [hbm:s6], $0xF7A  }
0x23: {  	s9 =	sor.u32 $0xD0000000, s2;
	s6 =	simm.s32 $0x108;
	_ =	swait.ge @!p0 [sflag:s8], $0x0  }
0x24: {  	s3 =	sadd.s32 $0x88, s3;
	s6 =	simm.s32 @!p1 $0x1082;
	[sflag:s4] =	ssyncset.s32 $0xFFFFF086  }
0x25: {  	[simem:s6], [sflag:s4] =	dma.local [hbm:s3], $0xF7A  }
0x26: {  	[smem:$0x3F9D] =	sst s1;
	(tag) =	ssettag s2;
	_ =	strace s9  }
0x27: {  	s1 =	sld [smem:$0x3FAD]  }
0x28: {  	s2 =	sld [smem:$0x3FAE]  }
0x29: {  	s4 =	sld [smem:$0x3FB0]  }
0x2a: {  	p0 =	seq.s32 s5, $0x0;
	s5 =	sld [smem:$0x3FB1]  }
0x2b: {  	s6 =	sld [smem:$0x3FB2]  }
0x2c: {  	s7 =	sld [smem:$0x3FB3]  }
0x2d: {  	s3 =	simm.s32 $0x108;
	s8 =	sld [smem:$0x3FB4]  }
0x2e: {  	s3 =	simm.s32 @!p0 $0x1082;
	s9 =	sld [smem:$0x3FB5]  }
0x2f: {  	lr =	sadd.s32 s0, s3;
	s0 =	sld [smem:$0x3FAC]  }
0x30: {  	s3 =	sld [smem:$0x3FAF]  }
0x31: {  	[smem:$0x3FB8] =	sst s10  }
0x32: {  	s10 =	sld [smem:$0x3FB6];
	_ =	sdelay $0x3  }
0x33: {  	p0 =	seq.s32 s10, $0x1;
	s10 =	sld [smem:$0x3FB8];
	_ =	sdelay $0x3  }
0x34: {  	[smem:$0x3FB8] =	sst s10  }
0x35: {  	s10 =	sld [smem:$0x3FB7];
	_ =	sdelay $0x3  }
0x36: {  	p1 =	seq.s32 s10, $0x1;
	s10 =	sld [smem:$0x3FB8];
	_ =	sdelay $0x3  }
0x37: {  	[smem:$0x3FB8] =	sst s10  }
0x38: {  	s10 =	sld [smem:$0x3FB9]  }
0x39: {  	_ = 	snop;
	(pc) =	sbr.ind lr, $3  }
0x3a: {  	_ = 	snop  }
0x3b: {  	_ = 	snop  }
0x3c: {  	p2 =	seq.s32 s10, $0x1;
	s10 =	sld [smem:$0x3FB8]  }
0x3d: {  	_ =	shalt  }
0x3e: {  	_ =	shalt  }
0x3f: {  	_ =	shalt  }
0x40: {  	_ =	shalt  }
0x41: {  	_ =	shalt  }
0x42: {  	_ =	shalt  }
0x43: {  	_ =	shalt  }
0x44: {  	_ =	shalt  }
0x45: {  	_ =	shalt  }
0x46: {  	_ =	shalt  }
0x47: {  	_ =	shalt  }
0x48: {  	_ =	shalt  }
0x49: {  	_ =	shalt  }
0x4a: {  	_ =	shalt  }
0x4b: {  	_ =	shalt  }
0x4c: {  	_ =	shalt  }
0x4d: {  	_ =	shalt  }
0x4e: {  	_ =	shalt  }
0x4f: {  	_ =	shalt  }
0x50: {  	_ =	shalt  }
0x51: {  	_ =	shalt  }
0x52: {  	_ =	shalt  }
0x53: {  	_ =	shalt  }
0x54: {  	_ =	shalt  }
0x55: {  	_ =	shalt  }
0x56: {  	_ =	shalt  }
0x57: {  	_ =	shalt  }
0x58: {  	_ =	shalt  }
0x59: {  	_ =	shalt  }
0x5a: {  	_ =	shalt  }
0x5b: {  	_ =	shalt  }
0x5c: {  	_ =	shalt  }
0x5d: {  	_ =	shalt  }
0x5e: {  	_ =	shalt  }
0x5f: {  	_ =	shalt  }
0x60: {  	_ =	shalt  }
0x61: {  	_ =	shalt  }
0x62: {  	_ =	shalt  }
0x63: {  	_ =	shalt  }
0x64: {  	_ =	shalt  }
0x65: {  	_ =	shalt  }
0x66: {  	_ =	shalt  }
0x67: {  	_ =	shalt  }
0x68: {  	_ =	shalt  }
0x69: {  	_ =	shalt  }
0x6a: {  	_ =	shalt  }
0x6b: {  	_ =	shalt  }
0x6c: {  	_ =	shalt  }
0x6d: {  	_ =	shalt  }
0x6e: {  	_ =	shalt  }
0x6f: {  	_ =	shalt  }
0x70: {  	_ =	shalt  }
0x71: {  	_ =	shalt  }
0x72: {  	_ =	shalt  }
0x73: {  	_ =	shalt  }
0x74: {  	_ =	shalt  }
0x75: {  	_ =	shalt  }
0x76: {  	_ =	shalt  }
0x77: {  	_ =	shalt  }
0x78: {  	_ =	shalt  }
0x79: {  	_ =	shalt  }
0x7a: {  	_ =	shalt  }
0x7b: {  	_ =	shalt  }
0x7c: {  	_ =	shalt  }
0x7d: {  	_ =	shalt  }
0x7e: {  	_ =	shalt  }
0x7f: {  	_ =	shalt  }
0x80: {  	_ =	shalt  }
0x81: {  	_ =	shalt  }
0x82: {  	_ =	shalt  }
0x83: {  	_ =	shalt  }
0x84: {  	_ =	shalt  }
0x85: {  	_ =	shalt  }
0x86: {  	_ =	shalt  }
0x87: {  	_ =	shalt  }
.Lfunc_end0:
.L_simem_size_0:
called_computation_lowered:
.L_overlay_start_0:
0x88: {  	s2 =	sld [smem:$0x3FD9]  }
0x89: {  	s3 =	sld [smem:$0x3FFE];
	_ =	sdelay $0x1  }
0x8a: {  	s1 =	srdreg.scid  }
0x8b: {  	s0 =	sand.u32 $0x1, s1  }
0x8c: {  	s14 =	sshll.u32 s0, $0xA;
	s2 =	sadd.s32 s3, s2  }
0x8d: {  	s2 =	sadd.s32 s2, s14  }
0x8e: {  	[smem:$0x3FC4] =	sst s2  }
0x8f: {  	_ = 	snop  }
0x90: {  	s2 =	sld [smem:$0x3FD0];
	_ =	sdelay $0x1  }
0x91: {  	s15 =	sld [smem:$0x3FC9]  }
0x92: {  	s5 =	simm.s32 $0xA;
	s6 =	simm.s32 $0x10;
	s4 =	sld [smem:$0x3FC8]  }
0x93: {  	[smem:s6], [sflag:s5] =	dma.local [hbm:s2], $0x1  }
0x94: {  	_ =	swait.eq [sflag:s5], $0x1  }
0x95: {  	s16 =	sld [smem:$0x11];
	[sflag:s5] =	ssyncset.done $0x0  }
0x96: {  	s17 =	sld [smem:$0x13];
	[sflag:s5] =	ssyncadd.s32 $0xFFFFFFFF  }
0x97: {  	s18 =	sld [smem:$0x14];
	(tm) =	ssettm $0x1  }
0x98: {  	s7 =	sld [smem:$0x3FFB];
	_ =	sdelay $0x3  }
0x99: {  	_ =	strace s7  }
0x9a: {  	s7 =	sld [smem:$0x3FFC];
	_ =	sdelay $0x3  }
0x9b: {  	_ =	strace s7  }
0x9c: {  	s7 =	sld [smem:$0x3FFD];
	_ =	sdelay $0x3  }
0x9d: {  	_ =	strace s7  }
0x9e: {  	_ =	strace $0x8FFFFFFF  }
0x9f: {  	s19 =	sld [smem:$0x3FDB];
	_ =	sdelay $0x1  }
0xa0: {  	s8 =	simm.s32 $_scs_section_size  }
0xa1: {  	s9 =	simm.s32 $_size__tile_overlayer_lowered;
	s10 =	simm.s32 $_tile_overlayer_lowered  }
0xa2: {  	s22 =	simm.s32 $0x1BFF;
	s21 =	sshll.u32 s10, $0x1;
	s7 =	sadd.s32 s8, s19  }
0xa3: {  	s11 =	simm.s32 $0x0;
	s20 =	sshll.u32 s9, $0x1;
	s9 =	sadd.s32 s21, s7  }
0xa4: {  	[timem:s11], [sflag:s22] =	dma.local [hbm:s9], s20  }
0xa5: {  	_ =	swait.ge [sflag:s22], s20  }
0xa6: {  	s8 =	ssub.s32 $0x0, s20;
	[sflag:s22] =	ssyncset.done $0x0  }
0xa7: {  	[sflag:s22] =	ssyncadd.s32 s8;
	_ =	sdelay $0x1  }
0xa8: {  	s23 =	simm.s32 $0x1B8B  }
0xa9: {  	_ =	swait.ge [sflag:s23], $0x1  }
0xaa: {  	[sflag:s23] =	ssyncset.done $0x0  }
0xab: {  	s25 =	simm.s32 $0x1B8E;
	s24 =	sld [smem:$0x3FFE];
	[sflag:s23] =	ssyncadd.s32 $0xFFFFFFFF  }
0xac: {  	s26 =	simm.s32 $execute0_lowered;
	[smem:$0x3FD2] =	sst s25  }
0xad: {  	s9 =	sshll.u32 s26, $0x1;
	_ =	strace $0x80000046;
	[dreg:$0x1] =	wrdreg $0xFFFFFFFF  }
0xae: {  	s28 =	simm.s32 $_size_execute0_lowered;
	s7 =	sadd.s32 s7, s9;
	[dreg:$0x0] =	wrdreg $0x0  }
0xaf: {  	s9 =	sshll.u32 s28, $0x1;
	[dreg:$0x2] =	wrdreg s7  }
0xb0: {  	[dreg:$0x3] =	wrdreg s9  }
0xb1: {  	[dreg:$0x4] =	wrdreg $0xC0  }
0xb2: {  	_ =	task [dreg:s11], $0x5FFFF  }
0xb3: {  	[dreg:$0x1] =	wrdreg $0xFFFFFFFF  }
0xb4: {  	[dreg:$0x0] =	wrdreg $0x60  }
0xb5: {  	[dreg:$0x2] =	wrdreg s15  }
0xb6: {  	[dreg:$0x3] =	wrdreg s17  }
0xb7: {  	[dreg:$0x4] =	wrdreg s4  }
0xb8: {  	[dreg:$0x5] =	wrdreg s18  }
0xb9: {  	[dreg:$0x6] =	wrdreg s16  }
0xba: {  	[dreg:$0x7] =	wrdreg s24  }
0xbb: {  	[dreg:$0x8] =	wrdreg $0x100000  }
0xbc: {  	[dreg:$0x9] =	wrdreg $0x120000  }
0xbd: {  	[dreg:$0xa] =	wrdreg $0x9  }
0xbe: {  	_ =	task.clear_ibuf [dreg:s11], $0xBFFFF;
	_ =	strace $0x90000046  }
0xbf: {  	s29 =	simm.s32 $0x9;
	_ =	strace $0x80000048  }
0xc0: {  	_ =	swait.ge [sflag:s29], $0x1  }
0xc1: {  	[sflag:s29] =	ssyncadd.s32 $0xFFFFFFFF  }
0xc2: {  	_ =	strace $0x90000048  }
0xc3: {  	_ =	sfence  }
0xc4: {  	s30 =	sld [smem:$0x0];
	_ =	sdelay $0x2  }
0xc5: {  	s31 =	sshll.u32 s1, $0xD;
	s1 =	sshrl.u32 s1, $0x2  }
0xc6: {  	s3 =	sand.u32 $0x4000, s31;
	s1 =	sadd.s32 s1, s30  }
0xc7: {  	s0 =	sor.u32 s3, s0;
	s1 =	sshll.u32 s1, $0x11  }
0xc8: {  	s0 =	sor.u32 s1, s0  }
0xc9: {  	s0 =	sadd.s32 $0x8F2B, s0  }
0xca: {  	[sflag:s0] =	ssyncadd.remote.s32 $0x1  }
0xcb: {  	_ =	sfence.sel $0xFFFF  }
0xcc: {  	[dreg:$0x0] =	wrdreg $0xFFFFFFFF;
	(pc) =	sbr.abs _section_cstart, $3  }
0xcd: {  	[dreg:$0x1] =	wrdreg $0xFFFFFFFF  }
0xce: {  	_ =	task.clear_ibuf [dreg:s11], $0x2FFFF;
	_ =	strace $0x9FFFFFFF  }
0xcf: {  	(tm) =	ssettm $0x7FFFFFFF  }
tec
execute0_lowered:
.L_overlay_start_1:
0x0: {  	(tag) =	ssettag $0x1  }
0x1: {  	s6 =	rddreg [dreg:$0x0]  }
0x2: {  	s10 =	rddreg [dreg:$0x1]  }
0x3: {  	s0 =	rddreg [dreg:$0x2]  }
0x4: {  	s1 =	rddreg [dreg:$0x3]  }
0x5: {  	s2 =	rddreg [dreg:$0x4]  }
0x6: {  	s9 =	rddreg [dreg:$0x5]  }
0x7: {  	s4 =	srdreg.scid;
	s14 =	rddreg [dreg:$0x6]  }
0x8: {  	s21 =	stileid.u32;
	s5 =	simm.s32 $0x0;
	s8 =	sand.u32 $0x1, s4  }
0x9: {  	s4 =	rddreg [dreg:$0x7];
	s7 =	sshll.u32 s21, $0xA;
	s11 =	sshll.u32 s8, $0x9  }
0xa: {  	[smem:$0x7FF] =	sst s5;
	s1 =	sadd.s32 s1, s7;
	s11 =	sor.u32 s11, s7  }
0xb: {  	_ =	strace $0x80000047;
	[smem:$0x7F7] =	sst s1;
	s12 =	sshrl.u32 s11, $0x3  }
0xc: {  	s13 =	sor.u32 $0x40, s11;
	s15 =	sor.u32 $0xC0, s11;
	s17 =	sor.u32 $0x100, s11  }
0xd: {  	s12 =	sadd.s32 s10, s12;
	s3 =	sshrl.u32 s13, $0x3;
	s16 =	sshrl.u32 s15, $0x3  }
0xe: {  	s18 =	sshrl.u32 s17, $0x3;
	s13 =	sshll.u32 s13, $0x5;
	[dreg:$0x9] =	wrdreg s12  }
0xf: {  	s30 =	sadd.s32 s10, s3;
	s3 =	sor.u32 $0x80, s11;
	s16 =	sadd.s32 s10, s16  }
0x10: {  	s19 =	sadd.s32 s10, s18;
	s18 =	sor.u32 $0x180, s11;
	[dreg:$0xa] =	wrdreg s30  }
0x11: {  	s26 =	sadd.s32 s6, s13;
	s31 =	sshrl.u32 s3, $0x3;
	[dreg:$0xc] =	wrdreg s16  }
0x12: {  	s16 =	sor.u32 $0x140, s11;
	[dreg:$0xd] =	wrdreg s19;
	s19 =	sshrl.u32 s18, $0x3  }
0x13: {  	[dreg:$0x13] =	wrdreg s26;
	s3 =	sshll.u32 s3, $0x5;
	s12 =	sadd.s32 s10, s31  }
0x14: {  	s20 =	sshrl.u32 s16, $0x3;
	s22 =	sadd.s32 s10, s19;
	[dreg:$0xb] =	wrdreg s12  }
0x15: {  	s19 =	sadd.s32 s6, s3;
	s12 =	sadd.s32 s10, s20;
	[dreg:$0xf] =	wrdreg s22  }
0x16: {  	s20 =	sor.u32 $0x1C0, s11;
	s11 =	sshll.u32 s11, $0x5;
	[dreg:$0x16] =	wrdreg s19  }
0x17: {  	[dreg:$0xe] =	wrdreg s12;
	s24 =	sadd.s32 s6, s11  }
0x18: {  	s23 =	sshrl.u32 s20, $0x3;
	s31 =	sadd.s32 s2, s11;
	[dreg:$0x11] =	wrdreg s24  }
0x19: {  	s12 =	sadd.s32 $0x80, s6;
	s10 =	sadd.s32 s10, s23;
	[dreg:$0x15] =	wrdreg s31  }
0x1a: {  	s25 =	sadd.s32 s11, s12;
	[dreg:$0x10] =	wrdreg s10  }
0x1b: {  	s30 =	sadd.s32 s13, s12;
	[dreg:$0x12] =	wrdreg s25  }
0x1c: {  	s22 =	sadd.s32 s3, s12;
	[dreg:$0x14] =	wrdreg s30  }
0x1d: {  	s23 =	sadd.s32 s2, s13;
	s24 =	sshll.u32 s15, $0x5;
	[dreg:$0x17] =	wrdreg s22  }
0x1e: {  	[dreg:$0x18] =	wrdreg s23;
	s25 =	sadd.s32 s6, s24  }
0x1f: {  	s29 =	simm.s32 $0x400;
	s26 =	sadd.s32 s24, s12;
	[dreg:$0x19] =	wrdreg s25  }
0x20: {  	s31 =	sshll.u32 s17, $0x5;
	s30 =	sadd.s32 s2, s3;
	[dreg:$0x1a] =	wrdreg s26  }
0x21: {  	s28 =	simm.s32 $0x9;
	s15 =	sadd.s32 s6, s31;
	[dreg:$0x1b] =	wrdreg s30  }
0x22: {  	s3 =	sshll.u32 s21, $0xD;
	s17 =	sadd.s32 s31, s12;
	[dreg:$0x1c] =	wrdreg s15  }
0x23: {  	s19 =	sadd.s32 s2, s24;
	s22 =	sshll.u32 s16, $0x5;
	[dreg:$0x1d] =	wrdreg s17  }
0x24: {  	s23 =	sshll.u32 s8, $0x12;
	s8 =	ssub.s32 $0x2, s8;
	[dreg:$0x1e] =	wrdreg s19  }
0x25: {  	s24 =	sadd.s32 s6, s22;
	s15 =	sor.u32 s3, s23;
	s25 =	sadd.s32 s22, s12  }
0x26: {  	s26 =	sadd.s32 s2, s31;
	s30 =	sshll.u32 s18, $0x5;
	[dreg:$0x1f] =	wrdreg s24  }
0x27: {  	s16 =	sadd.s32 s2, s22;
	s17 =	sshll.u32 s20, $0x5;
	[smem:$0x7EF] =	sst s25  }
0x28: {  	s18 =	sshrl.u32 s8, $0x1;
	s22 =	sadd.s32 s3, s14;
	[smem:$0x7F0] =	sst s26  }
0x29: {  	s15 =	sshrl.u32 s15, $0x3;
	s31 =	sadd.s32 s6, s30;
	[smem:$0x7F3] =	sst s16  }
0x2a: {  	s6 =	sadd.s32 s6, s17;
	s19 =	sadd.s32 s17, s12;
	s8 =	ssub.s32 s8, s18  }
0x2b: {  	s20 =	sadd.s32 s2, s30;
	s2 =	sadd.s32 s2, s17;
	[smem:$0x7F1] =	sst s31  }
0x2c: {  	s24 =	sshll.u32 s21, $0x6;
	s26 =	sadd.s32 s3, s4;
	[smem:$0x7F4] =	sst s6  }
0x2d: {  	s21 =	simm.s32 $0x800;
	s17 =	simm.s32 $0x40;
	[smem:$0x7F5] =	sst s19  }
0x2e: {  	s16 =	simm.s32 $0xA000;
	s18 =	simm.s32 $0xE000;
	[smem:$0x7F6] =	sst s20  }
0x2f: {  	s9 =	sadd.s32 s15, s9;
	s15 =	sadd.s32 s30, s12;
	[smem:$0x7F8] =	sst s2  }
0x30: {  	s2 =	sor.u32 $0x1C0A, s24;
	s8 =	smax.u32 s8, $0x1;
	s30 =	sshrl.u32 s22, $0x3  }
0x31: {  	s31 =	sshrl.u32 s26, $0x3;
	s20 =	simm.s32 $0x1;
	[smem:$0x7F2] =	sst s15  }
0x32: {  	s22 =	simm.s32 $0x4;
	s12 =	simm.s32 $0x6;
	[smem:$0x7FA] =	sst s2  }
0x33: {  	s24 =	simm.s32 $0x8;
	s19 =	simm.s32 $0x3;
	[smem:$0x7FC] =	sst s30  }
0x34: {  	v2 =	vlaneseq.u32;
	s26 =	simm.s32 $0x7;
	s23 =	sadd.s32 $0xC00, s9;
	[smem:$0x7FD] =	sst s31  }
0x35: {  	vm0 =	vmmov $0xffff;
	v1 =	vshrl.u32 v2, $0x3;
	s6 =	simm.s32 $0xA;
	s25 =	sadd.s32 $0x4C00, s9;
	[smem:$0x7F9] =	sst s23  }
0x36: {  	v0 =	vand.u32 $0x7, v2;
	v2 =	vor.u32 $0x8, v2;
	v1 =	vmul.u32 $0x8, v1;
	[smem:$0x7FB] =	sst s25;
	s25 =	simm.s32 $0x5;
	s23 =	simm.s32 $0x2  }
.LBB2_1:
0x37: {  	s1 =	rddreg [dreg:$0x9]  }
0x38: {  	s9 =	rddreg [dreg:$0xa]  }
0x39: {  	s4 =	rddreg [dreg:$0xb]  }
0x3a: {  	s10 =	simm.s32 $0x14000;
	s7 =	rddreg [dreg:$0xc]  }
0x3b: {  	[tilespmem:s10], [sflag:$0x1] =	stream.linear.gather [hbm4b:s1+s5], $0x40, $0x38;
	[tilespmem:$0x14400] =	vst v63  }
0x3c: {  	s13 =	simm.s32 $0x14080;
	s11 =	rddreg [dreg:$0xd]  }
0x3d: {  	[tilespmem:s13], [sflag:$0x1] =	stream.linear.gather [hbm4b:s9+s5], $0x40, $0x38;
	[tilespmem:$0x14400] =	vst v63  }
0x3e: {  	s2 =	simm.s32 $0x14100;
	s15 =	rddreg [dreg:$0xe]  }
0x3f: {  	[tilespmem:s2], [sflag:$0x1] =	stream.linear.gather [hbm4b:s4+s5], $0x40, $0x38;
	[tilespmem:$0x14400] =	vst v63  }
0x40: {  	s14 =	simm.s32 $0x14180;
	s30 =	rddreg [dreg:$0xf]  }
0x41: {  	[tilespmem:s14], [sflag:$0x1] =	stream.linear.gather [hbm4b:s7+s5], $0x40, $0x38;
	[tilespmem:$0x14400] =	vst v63  }
0x42: {  	s4 =	simm.s32 $0x14200;
	s14 =	sld [smem:$0x7FC]  }
0x43: {  	[tilespmem:s4], [sflag:$0x1] =	stream.linear.gather [hbm4b:s11+s5], $0x40, $0x38;
	[tilespmem:$0x14400] =	vst v63  }
0x44: {  	s31 =	simm.s32 $0x14280;
	s11 =	sld [smem:$0x7F7]  }
0x45: {  	[tilespmem:s31], [sflag:$0x1] =	stream.linear.gather [hbm4b:s15+s5], $0x40, $0x38;
	[tilespmem:$0x14400] =	vst v63  }
0x46: {  	s3 =	simm.s32 $0x14300;
	s15 =	sld [smem:$0x7FA]  }
0x47: {  	[tilespmem:s3], [sflag:$0x1] =	stream.linear.gather [hbm4b:s30+s5], $0x40, $0x38;
	[tilespmem:$0x14400] =	vst v63  }
0x48: {  	s2 =	rddreg [dreg:$0x10];
	s7 =	simm.s32 $0x14380  }
0x49: {  	[tilespmem:s7], [sflag:$0x1] =	stream.linear.gather [hbm4b:s2+s5], $0x40, $0x38;
	[tilespmem:$0x14400] =	vst v63  }
0x4a: {  	[spmem:s14], [sflag:s15] =	dma.local [hbm:s11], $0x400  }
0x4b: {  	_ =	swait.ge [sflag:s6], $0x400  }
0x4c: {  	s30 =	sld [smem:$0x7FD]  }
0x4d: {  	[sflag:s6] =	ssyncset.done $0x0  }
0x4e: {  	[sflag:s6] =	ssyncadd.s32 $0xFFFFFC00  }
0x4f: {  	[spmem:s30], [sflag:s15] =	dma.local [hbm:s11], $0x400  }
0x50: {  	_ =	swait.ge [sflag:s6], $0x400  }
0x51: {  	[sflag:s6] =	ssyncset.done $0x0  }
0x52: {  	[sflag:s6] =	ssyncadd.s32 $0xFFFFFC00  }
0x53: {  	[bflag:$0x0] =	sbarrier.arrive $0xFFFF  }
0x54: {  	_ =	swait.ge [sflag:s20], $0x40  }
0x55: {  	[sflag:s20] =	ssyncset.done $0x0  }
0x56: {  	[sflag:s20] =	ssyncadd.s32 $0xFFFFFFC0  }
0x57: {  	_ =	swait.ge [sflag:s20], $0x40  }
0x58: {  	[sflag:s20] =	ssyncset.done $0x0  }
0x59: {  	[sflag:s20] =	ssyncadd.s32 $0xFFFFFFC0  }
0x5a: {  	_ =	swait.ge [sflag:s20], $0x40  }
0x5b: {  	[sflag:s20] =	ssyncset.done $0x0  }
0x5c: {  	[sflag:s20] =	ssyncadd.s32 $0xFFFFFFC0  }
0x5d: {  	_ =	swait.ge [sflag:s20], $0x40  }
0x5e: {  	[sflag:s20] =	ssyncset.done $0x0  }
0x5f: {  	[sflag:s20] =	ssyncadd.s32 $0xFFFFFFC0  }
0x60: {  	_ =	swait.ge [sflag:s20], $0x40  }
0x61: {  	[sflag:s20] =	ssyncset.done $0x0  }
0x62: {  	[sflag:s20] =	ssyncadd.s32 $0xFFFFFFC0  }
0x63: {  	_ =	swait.ge [sflag:s20], $0x40  }
0x64: {  	[sflag:s20] =	ssyncset.done $0x0  }
0x65: {  	[sflag:s20] =	ssyncadd.s32 $0xFFFFFFC0  }
0x66: {  	_ =	swait.ge [sflag:s20], $0x40  }
0x67: {  	[sflag:s20] =	ssyncset.done $0x0  }
0x68: {  	[sflag:s20] =	ssyncadd.s32 $0xFFFFFFC0  }
0x69: {  	_ =	swait.ge [sflag:s20], $0x40  }
0x6a: {  	[sflag:s20] =	ssyncset.done $0x0  }
0x6b: {  	[sflag:s20] =	ssyncadd.s32 $0xFFFFFFC0  }
0x6c: {  	v3 =	vld [tilespmem:$0x14000];
	_ =	sdelay $0x4  }
0x6d: {  	v4 =	vshll.u32 v3, $0x1  }
0x6e: {  	v3 =	vand.u32 $0x7, v3;
	v4 =	vand.u32 $0xFFFFFFF0, v4  }
0x6f: {  	v3 =	vor.u32 v3, v4  }
0x70: {  	v4 =	vperm.xlane v3, v0;
	_ =	sdelay $0x1  }
0x71: {  	v3 =	vperm.xlane v3, v2;
	v4 =	vadd.s32 v1, v4;
	_ =	sdelay $0x1  }
0x72: {  	v3 =	vadd.s32 v1, v3;
	_ =	sdelay $0x2  }
0x73: {  	[tilespmem:s5], [sflag:$0x2] =	stream.indirect_vreg.gather [hbm4b:s0+s5], $0x80, v4, vm0, $0xb8;
	[tilespmem:$0x14400] =	vst v63  }
0x74: {  	_ = 	snop  }
0x75: {  	[tilespmem:s21], [sflag:$0x2] =	stream.indirect_vreg.gather [hbm4b:s0+s5], $0x80, v3, vm0, $0xb8;
	[tilespmem:$0x14400] =	vst v63  }
0x76: {  	v3 =	vld [tilespmem:$0x14010];
	_ =	sdelay $0x4  }
0x77: {  	v33 =	vshll.u32 v3, $0x1  }
0x78: {  	v3 =	vand.u32 $0x7, v3;
	v4 =	vand.u32 $0xFFFFFFF0, v33  }
0x79: {  	v3 =	vor.u32 v3, v4  }
0x7a: {  	v4 =	vperm.xlane v3, v0;
	_ =	sdelay $0x1  }
0x7b: {  	v3 =	vperm.xlane v3, v2;
	v4 =	vadd.s32 v1, v4;
	_ =	sdelay $0x1  }
0x7c: {  	v3 =	vadd.s32 v1, v3;
	_ =	sdelay $0x1  }
0x7d: {  	s31 =	simm.s32 $0x1000  }
0x7e: {  	[tilespmem:s31], [sflag:$0x2] =	stream.indirect_vreg.gather [hbm4b:s0+s5], $0x80, v4, vm0, $0xb8;
	[tilespmem:$0x14400] =	vst v63  }
0x7f: {  	s2 =	simm.s32 $0x1800  }
0x80: {  	[tilespmem:s2], [sflag:$0x2] =	stream.indirect_vreg.gather [hbm4b:s0+s5], $0x80, v3, vm0, $0xb8;
	[tilespmem:$0x14400] =	vst v63  }
0x81: {  	v3 =	vld [tilespmem:$0x14020];
	_ =	sdelay $0x4  }
0x82: {  	v34 =	vshll.u32 v3, $0x1  }
0x83: {  	v3 =	vand.u32 $0x7, v3;
	v4 =	vand.u32 $0xFFFFFFF0, v34  }
0x84: {  	v3 =	vor.u32 v3, v4  }
0x85: {  	v4 =	vperm.xlane v3, v0;
	_ =	sdelay $0x1  }
0x86: {  	v3 =	vperm.xlane v3, v2;
	v4 =	vadd.s32 v1, v4;
	_ =	sdelay $0x1  }
0x87: {  	v3 =	vadd.s32 v1, v3;
	_ =	sdelay $0x1  }
0x88: {  	s3 =	simm.s32 $0x2000  }
0x89: {  	[tilespmem:s3], [sflag:$0x2] =	stream.indirect_vreg.gather [hbm4b:s0+s5], $0x80, v4, vm0, $0xb8;
	[tilespmem:$0x14400] =	vst v63  }
0x8a: {  	s4 =	simm.s32 $0x2800  }
0x8b: {  	[tilespmem:s4], [sflag:$0x2] =	stream.indirect_vreg.gather [hbm4b:s0+s5], $0x80, v3, vm0, $0xb8;
	[tilespmem:$0x14400] =	vst v63  }
0x8c: {  	v3 =	vld [tilespmem:$0x14030];
	_ =	sdelay $0x4  }
0x8d: {  	v35 =	vshll.u32 v3, $0x1  }
0x8e: {  	v3 =	vand.u32 $0x7, v3;
	v4 =	vand.u32 $0xFFFFFFF0, v35  }
0x8f: {  	v3 =	vor.u32 v3, v4  }
0x90: {  	v4 =	vperm.xlane v3, v0;
	_ =	sdelay $0x1  }
0x91: {  	v3 =	vperm.xlane v3, v2;
	v4 =	vadd.s32 v1, v4;
	_ =	sdelay $0x1  }
0x92: {  	v3 =	vadd.s32 v1, v3;
	_ =	sdelay $0x1  }
0x93: {  	s7 =	simm.s32 $0x3000  }
0x94: {  	[tilespmem:s7], [sflag:$0x2] =	stream.indirect_vreg.gather [hbm4b:s0+s5], $0x80, v4, vm0, $0xb8;
	[tilespmem:$0x14400] =	vst v63  }
0x95: {  	s31 =	simm.s32 $0x3800  }
0x96: {  	[tilespmem:s31], [sflag:$0x2] =	stream.indirect_vreg.gather [hbm4b:s0+s5], $0x80, v3, vm0, $0xb8;
	[tilespmem:$0x14400] =	vst v63  }
0x97: {  	s9 =	rddreg [dreg:$0x11];
	s4 =	simm.s32 $0x8000  }
0x98: {  	[tilespmem:s4], [sflag:$0x4] =	stream.strided.gather [hbm4b:s9+s29], $0x2000, s21, s29, $0x38;
	[tilespmem:$0x14400] =	vst v63  }
0x99: {  	s3 =	rddreg [dreg:$0x12];
	s7 =	simm.s32 $0xC000  }
0x9a: {  	[tilespmem:s7], [sflag:$0x4] =	stream.strided.gather [hbm4b:s3+s29], $0x2000, s21, s29, $0x38;
	[tilespmem:$0x14400] =	vst v63  }
0x9b: {  	v3 =	vld [tilespmem:$0x14080];
	_ =	sdelay $0x4  }
0x9c: {  	v36 =	vshll.u32 v3, $0x1  }
0x9d: {  	v3 =	vand.u32 $0x7, v3;
	v4 =	vand.u32 $0xFFFFFFF0, v36  }
0x9e: {  	v3 =	vor.u32 v3, v4  }
0x9f: {  	v4 =	vperm.xlane v3, v0;
	_ =	sdelay $0x1  }
0xa0: {  	v3 =	vperm.xlane v3, v2;
	v4 =	vadd.s32 v1, v4;
	_ =	sdelay $0x1  }
0xa1: {  	v3 =	vadd.s32 v1, v3;
	_ =	sdelay $0x1  }
0xa2: {  	s31 =	simm.s32 $0x4000  }
0xa3: {  	[tilespmem:s31], [sflag:$0x3] =	stream.indirect_vreg.gather [hbm4b:s0+s5], $0x80, v4, vm0, $0xb8;
	[tilespmem:$0x14400] =	vst v63  }
0xa4: {  	s2 =	simm.s32 $0x4800  }
0xa5: {  	[tilespmem:s2], [sflag:$0x3] =	stream.indirect_vreg.gather [hbm4b:s0+s5], $0x80, v3, vm0, $0xb8;
	[tilespmem:$0x14400] =	vst v63  }
0xa6: {  	v3 =	vld [tilespmem:$0x14090];
	_ =	sdelay $0x4  }
0xa7: {  	v37 =	vshll.u32 v3, $0x1  }
0xa8: {  	v3 =	vand.u32 $0x7, v3;
	v4 =	vand.u32 $0xFFFFFFF0, v37  }
0xa9: {  	v3 =	vor.u32 v3, v4  }
0xaa: {  	v4 =	vperm.xlane v3, v0;
	_ =	sdelay $0x1  }
0xab: {  	v3 =	vperm.xlane v3, v2;
	v4 =	vadd.s32 v1, v4;
	_ =	sdelay $0x1  }
0xac: {  	v3 =	vadd.s32 v1, v3;
	_ =	sdelay $0x1  }
0xad: {  	s3 =	simm.s32 $0x5000  }
0xae: {  	[tilespmem:s3], [sflag:$0x3] =	stream.indirect_vreg.gather [hbm4b:s0+s5], $0x80, v4, vm0, $0xb8;
	[tilespmem:$0x14400] =	vst v63  }
0xaf: {  	s4 =	simm.s32 $0x5800  }
0xb0: {  	[tilespmem:s4], [sflag:$0x3] =	stream.indirect_vreg.gather [hbm4b:s0+s5], $0x80, v3, vm0, $0xb8;
	[tilespmem:$0x14400] =	vst v63  }
0xb1: {  	v3 =	vld [tilespmem:$0x140A0];
	_ =	sdelay $0x4  }
0xb2: {  	v38 =	vshll.u32 v3, $0x1  }
0xb3: {  	v3 =	vand.u32 $0x7, v3;
	v4 =	vand.u32 $0xFFFFFFF0, v38  }
0xb4: {  	v3 =	vor.u32 v3, v4  }
0xb5: {  	v4 =	vperm.xlane v3, v0;
	_ =	sdelay $0x1  }
0xb6: {  	v3 =	vperm.xlane v3, v2;
	v4 =	vadd.s32 v1, v4;
	_ =	sdelay $0x1  }
0xb7: {  	v3 =	vadd.s32 v1, v3;
	_ =	sdelay $0x1  }
0xb8: {  	s7 =	simm.s32 $0x6000  }
0xb9: {  	[tilespmem:s7], [sflag:$0x3] =	stream.indirect_vreg.gather [hbm4b:s0+s5], $0x80, v4, vm0, $0xb8;
	[tilespmem:$0x14400] =	vst v63  }
0xba: {  	s9 =	simm.s32 $0x6800  }
0xbb: {  	[tilespmem:s9], [sflag:$0x3] =	stream.indirect_vreg.gather [hbm4b:s0+s5], $0x80, v3, vm0, $0xb8;
	[tilespmem:$0x14400] =	vst v63  }
0xbc: {  	v3 =	vld [tilespmem:$0x140B0];
	_ =	sdelay $0x4  }
0xbd: {  	v39 =	vshll.u32 v3, $0x1  }
0xbe: {  	v3 =	vand.u32 $0x7, v3;
	v4 =	vand.u32 $0xFFFFFFF0, v39  }
0xbf: {  	v3 =	vor.u32 v3, v4  }
0xc0: {  	v4 =	vperm.xlane v3, v0;
	_ =	sdelay $0x1  }
0xc1: {  	v3 =	vperm.xlane v3, v2;
	v4 =	vadd.s32 v1, v4;
	_ =	sdelay $0x1  }
0xc2: {  	v3 =	vadd.s32 v1, v3;
	_ =	sdelay $0x1  }
0xc3: {  	s31 =	simm.s32 $0x7000  }
0xc4: {  	[tilespmem:s31], [sflag:$0x3] =	stream.indirect_vreg.gather [hbm4b:s0+s5], $0x80, v4, vm0, $0xb8;
	[tilespmem:$0x14400] =	vst v63  }
0xc5: {  	s3 =	simm.s32 $0x7800  }
0xc6: {  	[tilespmem:s3], [sflag:$0x3] =	stream.indirect_vreg.gather [hbm4b:s0+s5], $0x80, v3, vm0, $0xb8;
	[tilespmem:$0x14400] =	vst v63  }
0xc7: {  	s2 =	rddreg [dreg:$0x13]  }
0xc8: {  	[tilespmem:s16], [sflag:$0x5] =	stream.strided.gather [hbm4b:s2+s29], $0x2000, s21, s29, $0x38;
	[tilespmem:$0x14400] =	vst v63  }
0xc9: {  	s7 =	rddreg [dreg:$0x14]  }
0xca: {  	[tilespmem:s18], [sflag:$0x5] =	stream.strided.gather [hbm4b:s7+s29], $0x2000, s21, s29, $0x38;
	[tilespmem:$0x14400] =	vst v63  }
0xcb: {  	_ =	swait.ge [sflag:s23], $0x4000  }
0xcc: {  	[sflag:s23] =	ssyncset.done $0x0  }
0xcd: {  	s9 =	rddreg [dreg:$0x15];
	[sflag:s23] =	ssyncadd.s32 $0xFFFFC000  }
0xce: {  	[hbm4b:s9+s5] =	stream.linear.scatter [tilespmem:s5], [sflag:$0x6], $0x4000, $0x38;
	[tilespmem:$0x14400] =	vst v63  }
0xcf: {  	_ =	swait.ge [sflag:s22], $0x2000  }
0xd0: {  	[sflag:s22] =	ssyncset.done $0x0  }
0xd1: {  	[sflag:s22] =	ssyncadd.s32 $0xFFFFE000  }
0xd2: {  	_ =	swait.ge [sflag:s22], $0x2000  }
0xd3: {  	[sflag:s22] =	ssyncset.done $0x0  }
0xd4: {  	[sflag:s22] =	ssyncadd.s32 $0xFFFFE000  }
0xd5: {  	s3 =	simm.s32 $0x8000;
	s4 =	rddreg [dreg:$0x6]  }
0xd6: {  	[spmem:s4] =	stream.indirect.scatter.add.f32 [tilespmem:s3], [sflag:$0x8], $0x80, s10, s17, $0xb8;
	[tilespmem:$0x14400] =	vst v63  }
0xd7: {  	s31 =	simm.s32 $0xC000;
	s7 =	rddreg [dreg:$0x7]  }
0xd8: {  	[spmem:s7] =	stream.indirect.scatter.add.f32 [tilespmem:s31], [sflag:$0x8], $0x80, s10, s17, $0xb8;
	[tilespmem:$0x14400] =	vst v63  }
0xd9: {  	_ =	swait.ge [sflag:s12], $0x4000  }
0xda: {  	[sflag:s12] =	ssyncset.done $0x0  }
0xdb: {  	[sflag:s12] =	ssyncadd.s32 $0xFFFFC000  }
0xdc: {  	_ =	swait.ge [sflag:s24], $0x2000  }
0xdd: {  	[sflag:s24] =	ssyncset.done $0x0  }
0xde: {  	[sflag:s24] =	ssyncadd.s32 $0xFFFFE000  }
0xdf: {  	_ =	swait.ge [sflag:s24], $0x2000  }
0xe0: {  	[sflag:s24] =	ssyncset.done $0x0  }
0xe1: {  	[sflag:s24] =	ssyncadd.s32 $0xFFFFE000  }
0xe2: {  	v3 =	vld [tilespmem:$0x14100];
	_ =	sdelay $0x4  }
0xe3: {  	v40 =	vshll.u32 v3, $0x1  }
0xe4: {  	v3 =	vand.u32 $0x7, v3;
	v4 =	vand.u32 $0xFFFFFFF0, v40  }
0xe5: {  	v3 =	vor.u32 v3, v4  }
0xe6: {  	v4 =	vperm.xlane v3, v0;
	_ =	sdelay $0x1  }
0xe7: {  	v3 =	vperm.xlane v3, v2;
	v4 =	vadd.s32 v1, v4;
	_ =	sdelay $0x1  }
0xe8: {  	v3 =	vadd.s32 v1, v3;
	_ =	sdelay $0x2  }
0xe9: {  	[tilespmem:s5], [sflag:$0x2] =	stream.indirect_vreg.gather [hbm4b:s0+s5], $0x80, v4, vm0, $0xb8;
	[tilespmem:$0x14400] =	vst v63  }
0xea: {  	_ = 	snop  }
0xeb: {  	[tilespmem:s21], [sflag:$0x2] =	stream.indirect_vreg.gather [hbm4b:s0+s5], $0x80, v3, vm0, $0xb8;
	[tilespmem:$0x14400] =	vst v63  }
0xec: {  	v3 =	vld [tilespmem:$0x14110];
	_ =	sdelay $0x4  }
0xed: {  	v41 =	vshll.u32 v3, $0x1  }
0xee: {  	v3 =	vand.u32 $0x7, v3;
	v4 =	vand.u32 $0xFFFFFFF0, v41  }
0xef: {  	v3 =	vor.u32 v3, v4  }
0xf0: {  	v4 =	vperm.xlane v3, v0;
	_ =	sdelay $0x1  }
0xf1: {  	v3 =	vperm.xlane v3, v2;
	v4 =	vadd.s32 v1, v4;
	_ =	sdelay $0x1  }
0xf2: {  	v3 =	vadd.s32 v1, v3;
	_ =	sdelay $0x1  }
0xf3: {  	s10 =	simm.s32 $0x1000  }
0xf4: {  	[tilespmem:s10], [sflag:$0x2] =	stream.indirect_vreg.gather [hbm4b:s0+s5], $0x80, v4, vm0, $0xb8;
	[tilespmem:$0x14400] =	vst v63  }
0xf5: {  	s14 =	simm.s32 $0x1800  }
0xf6: {  	[tilespmem:s14], [sflag:$0x2] =	stream.indirect_vreg.gather [hbm4b:s0+s5], $0x80, v3, vm0, $0xb8;
	[tilespmem:$0x14400] =	vst v63  }
0xf7: {  	v3 =	vld [tilespmem:$0x14120];
	_ =	sdelay $0x4  }
0xf8: {  	v42 =	vshll.u32 v3, $0x1  }
0xf9: {  	v3 =	vand.u32 $0x7, v3;
	v4 =	vand.u32 $0xFFFFFFF0, v42  }
0xfa: {  	v3 =	vor.u32 v3, v4  }
0xfb: {  	v4 =	vperm.xlane v3, v0;
	_ =	sdelay $0x1  }
0xfc: {  	v3 =	vperm.xlane v3, v2;
	v4 =	vadd.s32 v1, v4;
	_ =	sdelay $0x1  }
0xfd: {  	v3 =	vadd.s32 v1, v3;
	_ =	sdelay $0x1  }
0xfe: {  	s15 =	simm.s32 $0x2000  }
0xff: {  	[tilespmem:s15], [sflag:$0x2] =	stream.indirect_vreg.gather [hbm4b:s0+s5], $0x80, v4, vm0, $0xb8;
	[tilespmem:$0x14400] =	vst v63  }
0x100: {  	s30 =	simm.s32 $0x2800  }
0x101: {  	[tilespmem:s30], [sflag:$0x2] =	stream.indirect_vreg.gather [hbm4b:s0+s5], $0x80, v3, vm0, $0xb8;
	[tilespmem:$0x14400] =	vst v63  }
0x102: {  	v3 =	vld [tilespmem:$0x14130];
	_ =	sdelay $0x4  }
0x103: {  	v43 =	vshll.u32 v3, $0x1  }
0x104: {  	v3 =	vand.u32 $0x7, v3;
	v4 =	vand.u32 $0xFFFFFFF0, v43  }
0x105: {  	v3 =	vor.u32 v3, v4  }
0x106: {  	v4 =	vperm.xlane v3, v0;
	_ =	sdelay $0x1  }
0x107: {  	v3 =	vperm.xlane v3, v2;
	v4 =	vadd.s32 v1, v4;
	_ =	sdelay $0x1  }
0x108: {  	v3 =	vadd.s32 v1, v3;
	_ =	sdelay $0x1  }
0x109: {  	s15 =	simm.s32 $0x3000  }
0x10a: {  	[tilespmem:s15], [sflag:$0x2] =	stream.indirect_vreg.gather [hbm4b:s0+s5], $0x80, v4, vm0, $0xb8;
	[tilespmem:$0x14400] =	vst v63  }
0x10b: {  	s11 =	simm.s32 $0x3800  }
0x10c: {  	[tilespmem:s11], [sflag:$0x2] =	stream.indirect_vreg.gather [hbm4b:s0+s5], $0x80, v3, vm0, $0xb8;
	[tilespmem:$0x14400] =	vst v63  }
0x10d: {  	s30 =	rddreg [dreg:$0x16]  }
0x10e: {  	[tilespmem:s3], [sflag:$0x4] =	stream.strided.gather [hbm4b:s30+s29], $0x2000, s21, s29, $0x38;
	[tilespmem:$0x14400] =	vst v63  }
0x10f: {  	s2 =	rddreg [dreg:$0x17]  }
0x110: {  	[tilespmem:s31], [sflag:$0x4] =	stream.strided.gather [hbm4b:s2+s29], $0x2000, s21, s29, $0x38;
	[tilespmem:$0x14400] =	vst v63  }
0x111: {  	_ =	swait.ge [sflag:s19], $0x4000  }
0x112: {  	[sflag:s19] =	ssyncset.done $0x0  }
0x113: {  	s10 =	simm.s32 $0x4000;
	s9 =	rddreg [dreg:$0x18];
	[sflag:s19] =	ssyncadd.s32 $0xFFFFC000  }
0x114: {  	[hbm4b:s9+s5] =	stream.linear.scatter [tilespmem:s10], [sflag:$0x7], $0x4000, $0x38;
	[tilespmem:$0x14400] =	vst v63  }
0x115: {  	_ =	swait.ge [sflag:s25], $0x2000  }
0x116: {  	[sflag:s25] =	ssyncset.done $0x0  }
0x117: {  	[sflag:s25] =	ssyncadd.s32 $0xFFFFE000  }
0x118: {  	_ =	swait.ge [sflag:s25], $0x2000  }
0x119: {  	[sflag:s25] =	ssyncset.done $0x0  }
0x11a: {  	[sflag:s25] =	ssyncadd.s32 $0xFFFFE000  }
0x11b: {  	[spmem:s4] =	stream.indirect.scatter.add.f32 [tilespmem:s16], [sflag:$0x9], $0x80, s13, s17, $0xb8;
	[tilespmem:$0x14400] =	vst v63  }
0x11c: {  	_ = 	snop  }
0x11d: {  	[spmem:s7] =	stream.indirect.scatter.add.f32 [tilespmem:s18], [sflag:$0x9], $0x80, s13, s17, $0xb8;
	[tilespmem:$0x14400] =	vst v63  }
0x11e: {  	_ =	swait.ge [sflag:s26], $0x4000  }
0x11f: {  	[sflag:s26] =	ssyncset.done $0x0  }
0x120: {  	[sflag:s26] =	ssyncadd.s32 $0xFFFFC000  }
0x121: {  	_ =	swait.ge [sflag:s28], $0x2000  }
0x122: {  	[sflag:s28] =	ssyncset.done $0x0  }
0x123: {  	[sflag:s28] =	ssyncadd.s32 $0xFFFFE000  }
0x124: {  	_ =	swait.ge [sflag:s28], $0x2000  }
0x125: {  	[sflag:s28] =	ssyncset.done $0x0  }
0x126: {  	[sflag:s28] =	ssyncadd.s32 $0xFFFFE000  }
0x127: {  	v3 =	vld [tilespmem:$0x14180];
	_ =	sdelay $0x4  }
0x128: {  	v44 =	vshll.u32 v3, $0x1  }
0x129: {  	v3 =	vand.u32 $0x7, v3;
	v4 =	vand.u32 $0xFFFFFFF0, v44  }
0x12a: {  	v3 =	vor.u32 v3, v4  }
0x12b: {  	v4 =	vperm.xlane v3, v0;
	_ =	sdelay $0x1  }
0x12c: {  	v3 =	vperm.xlane v3, v2;
	v4 =	vadd.s32 v1, v4;
	_ =	sdelay $0x1  }
0x12d: {  	v3 =	vadd.s32 v1, v3;
	_ =	sdelay $0x2  }
0x12e: {  	[tilespmem:s10], [sflag:$0x3] =	stream.indirect_vreg.gather [hbm4b:s0+s5], $0x80, v4, vm0, $0xb8;
	[tilespmem:$0x14400] =	vst v63  }
0x12f: {  	s11 =	simm.s32 $0x4800  }
0x130: {  	[tilespmem:s11], [sflag:$0x3] =	stream.indirect_vreg.gather [hbm4b:s0+s5], $0x80, v3, vm0, $0xb8;
	[tilespmem:$0x14400] =	vst v63  }
0x131: {  	v3 =	vld [tilespmem:$0x14190];
	_ =	sdelay $0x4  }
0x132: {  	v45 =	vshll.u32 v3, $0x1  }
0x133: {  	v3 =	vand.u32 $0x7, v3;
	v4 =	vand.u32 $0xFFFFFFF0, v45  }
0x134: {  	v3 =	vor.u32 v3, v4  }
0x135: {  	v4 =	vperm.xlane v3, v0;
	_ =	sdelay $0x1  }
0x136: {  	v3 =	vperm.xlane v3, v2;
	v4 =	vadd.s32 v1, v4;
	_ =	sdelay $0x1  }
0x137: {  	v3 =	vadd.s32 v1, v3;
	_ =	sdelay $0x1  }
0x138: {  	s13 =	simm.s32 $0x5000  }
0x139: {  	[tilespmem:s13], [sflag:$0x3] =	stream.indirect_vreg.gather [hbm4b:s0+s5], $0x80, v4, vm0, $0xb8;
	[tilespmem:$0x14400] =	vst v63  }
0x13a: {  	s13 =	simm.s32 $0x5800  }
0x13b: {  	[tilespmem:s13], [sflag:$0x3] =	stream.indirect_vreg.gather [hbm4b:s0+s5], $0x80, v3, vm0, $0xb8;
	[tilespmem:$0x14400] =	vst v63  }
0x13c: {  	v3 =	vld [tilespmem:$0x141A0];
	_ =	sdelay $0x4  }
0x13d: {  	v46 =	vshll.u32 v3, $0x1  }
0x13e: {  	v3 =	vand.u32 $0x7, v3;
	v4 =	vand.u32 $0xFFFFFFF0, v46  }
0x13f: {  	v3 =	vor.u32 v3, v4  }
0x140: {  	v4 =	vperm.xlane v3, v0;
	_ =	sdelay $0x1  }
0x141: {  	v3 =	vperm.xlane v3, v2;
	v4 =	vadd.s32 v1, v4;
	_ =	sdelay $0x1  }
0x142: {  	v3 =	vadd.s32 v1, v3;
	_ =	sdelay $0x1  }
0x143: {  	s14 =	simm.s32 $0x6000  }
0x144: {  	[tilespmem:s14], [sflag:$0x3] =	stream.indirect_vreg.gather [hbm4b:s0+s5], $0x80, v4, vm0, $0xb8;
	[tilespmem:$0x14400] =	vst v63  }
0x145: {  	s14 =	simm.s32 $0x6800  }
0x146: {  	[tilespmem:s14], [sflag:$0x3] =	stream.indirect_vreg.gather [hbm4b:s0+s5], $0x80, v3, vm0, $0xb8;
	[tilespmem:$0x14400] =	vst v63  }
0x147: {  	v3 =	vld [tilespmem:$0x141B0];
	_ =	sdelay $0x4  }
0x148: {  	v47 =	vshll.u32 v3, $0x1  }
0x149: {  	v3 =	vand.u32 $0x7, v3;
	v4 =	vand.u32 $0xFFFFFFF0, v47  }
0x14a: {  	v3 =	vor.u32 v3, v4  }
0x14b: {  	v4 =	vperm.xlane v3, v0;
	_ =	sdelay $0x1  }
0x14c: {  	v3 =	vperm.xlane v3, v2;
	v4 =	vadd.s32 v1, v4;
	_ =	sdelay $0x1  }
0x14d: {  	v3 =	vadd.s32 v1, v3;
	_ =	sdelay $0x1  }
0x14e: {  	s30 =	simm.s32 $0x7000  }
0x14f: {  	[tilespmem:s30], [sflag:$0x3] =	stream.indirect_vreg.gather [hbm4b:s0+s5], $0x80, v4, vm0, $0xb8;
	[tilespmem:$0x14400] =	vst v63  }
0x150: {  	s30 =	simm.s32 $0x7800  }
0x151: {  	[tilespmem:s30], [sflag:$0x3] =	stream.indirect_vreg.gather [hbm4b:s0+s5], $0x80, v3, vm0, $0xb8;
	[tilespmem:$0x14400] =	vst v63  }
0x152: {  	s2 =	rddreg [dreg:$0x19]  }
0x153: {  	[tilespmem:s16], [sflag:$0x5] =	stream.strided.gather [hbm4b:s2+s29], $0x2000, s21, s29, $0x38;
	[tilespmem:$0x14400] =	vst v63  }
0x154: {  	s3 =	rddreg [dreg:$0x1a]  }
0x155: {  	[tilespmem:s18], [sflag:$0x5] =	stream.strided.gather [hbm4b:s3+s29], $0x2000, s21, s29, $0x38;
	[tilespmem:$0x14400] =	vst v63  }
0x156: {  	_ =	swait.ge [sflag:s23], $0x4000  }
0x157: {  	[sflag:s23] =	ssyncset.done $0x0  }
0x158: {  	s9 =	rddreg [dreg:$0x1b];
	[sflag:s23] =	ssyncadd.s32 $0xFFFFC000  }
0x159: {  	[hbm4b:s9+s5] =	stream.linear.scatter [tilespmem:s5], [sflag:$0x6], $0x4000, $0x38;
	[tilespmem:$0x14400] =	vst v63  }
0x15a: {  	_ =	swait.ge [sflag:s22], $0x2000  }
0x15b: {  	[sflag:s22] =	ssyncset.done $0x0  }
0x15c: {  	[sflag:s22] =	ssyncadd.s32 $0xFFFFE000  }
0x15d: {  	_ =	swait.ge [sflag:s22], $0x2000  }
0x15e: {  	[sflag:s22] =	ssyncset.done $0x0  }
0x15f: {  	s15 =	simm.s32 $0x8000;
	s11 =	simm.s32 $0x14100;
	[sflag:s22] =	ssyncadd.s32 $0xFFFFE000  }
0x160: {  	[spmem:s4] =	stream.indirect.scatter.add.f32 [tilespmem:s15], [sflag:$0x8], $0x80, s11, s17, $0xb8;
	[tilespmem:$0x14400] =	vst v63  }
0x161: {  	s31 =	simm.s32 $0xC000  }
0x162: {  	[spmem:s7] =	stream.indirect.scatter.add.f32 [tilespmem:s31], [sflag:$0x8], $0x80, s11, s17, $0xb8;
	[tilespmem:$0x14400] =	vst v63  }
0x163: {  	_ =	swait.ge [sflag:s12], $0x4000  }
0x164: {  	[sflag:s12] =	ssyncset.done $0x0  }
0x165: {  	[sflag:s12] =	ssyncadd.s32 $0xFFFFC000  }
0x166: {  	_ =	swait.ge [sflag:s24], $0x2000  }
0x167: {  	[sflag:s24] =	ssyncset.done $0x0  }
0x168: {  	[sflag:s24] =	ssyncadd.s32 $0xFFFFE000  }
0x169: {  	_ =	swait.ge [sflag:s24], $0x2000  }
0x16a: {  	[sflag:s24] =	ssyncset.done $0x0  }
0x16b: {  	[sflag:s24] =	ssyncadd.s32 $0xFFFFE000  }
0x16c: {  	v3 =	vld [tilespmem:$0x14200];
	_ =	sdelay $0x4  }
0x16d: {  	v48 =	vshll.u32 v3, $0x1  }
0x16e: {  	v3 =	vand.u32 $0x7, v3;
	v4 =	vand.u32 $0xFFFFFFF0, v48  }
0x16f: {  	v3 =	vor.u32 v3, v4  }
0x170: {  	v4 =	vperm.xlane v3, v0;
	_ =	sdelay $0x1  }
0x171: {  	v3 =	vperm.xlane v3, v2;
	v4 =	vadd.s32 v1, v4;
	_ =	sdelay $0x1  }
0x172: {  	v3 =	vadd.s32 v1, v3;
	_ =	sdelay $0x2  }
0x173: {  	[tilespmem:s5], [sflag:$0x2] =	stream.indirect_vreg.gather [hbm4b:s0+s5], $0x80, v4, vm0, $0xb8;
	[tilespmem:$0x14400] =	vst v63  }
0x174: {  	_ = 	snop  }
0x175: {  	[tilespmem:s21], [sflag:$0x2] =	stream.indirect_vreg.gather [hbm4b:s0+s5], $0x80, v3, vm0, $0xb8;
	[tilespmem:$0x14400] =	vst v63  }
0x176: {  	v3 =	vld [tilespmem:$0x14210];
	_ =	sdelay $0x4  }
0x177: {  	v49 =	vshll.u32 v3, $0x1  }
0x178: {  	v3 =	vand.u32 $0x7, v3;
	v4 =	vand.u32 $0xFFFFFFF0, v49  }
0x179: {  	v3 =	vor.u32 v3, v4  }
0x17a: {  	v4 =	vperm.xlane v3, v0;
	_ =	sdelay $0x1  }
0x17b: {  	v3 =	vperm.xlane v3, v2;
	v4 =	vadd.s32 v1, v4;
	_ =	sdelay $0x1  }
0x17c: {  	v3 =	vadd.s32 v1, v3;
	_ =	sdelay $0x1  }
0x17d: {  	s15 =	simm.s32 $0x1000  }
0x17e: {  	[tilespmem:s15], [sflag:$0x2] =	stream.indirect_vreg.gather [hbm4b:s0+s5], $0x80, v4, vm0, $0xb8;
	[tilespmem:$0x14400] =	vst v63  }
0x17f: {  	s3 =	simm.s32 $0x1800  }
0x180: {  	[tilespmem:s3], [sflag:$0x2] =	stream.indirect_vreg.gather [hbm4b:s0+s5], $0x80, v3, vm0, $0xb8;
	[tilespmem:$0x14400] =	vst v63  }
0x181: {  	v3 =	vld [tilespmem:$0x14220];
	_ =	sdelay $0x4  }
0x182: {  	v50 =	vshll.u32 v3, $0x1  }
0x183: {  	v3 =	vand.u32 $0x7, v3;
	v4 =	vand.u32 $0xFFFFFFF0, v50  }
0x184: {  	v3 =	vor.u32 v3, v4  }
0x185: {  	v4 =	vperm.xlane v3, v0;
	_ =	sdelay $0x1  }
0x186: {  	v3 =	vperm.xlane v3, v2;
	v4 =	vadd.s32 v1, v4;
	_ =	sdelay $0x1  }
0x187: {  	v3 =	vadd.s32 v1, v3;
	_ =	sdelay $0x1  }
0x188: {  	s9 =	simm.s32 $0x2000  }
0x189: {  	[tilespmem:s9], [sflag:$0x2] =	stream.indirect_vreg.gather [hbm4b:s0+s5], $0x80, v4, vm0, $0xb8;
	[tilespmem:$0x14400] =	vst v63  }
0x18a: {  	s31 =	simm.s32 $0x2800  }
0x18b: {  	[tilespmem:s31], [sflag:$0x2] =	stream.indirect_vreg.gather [hbm4b:s0+s5], $0x80, v3, vm0, $0xb8;
	[tilespmem:$0x14400] =	vst v63  }
0x18c: {  	v3 =	vld [tilespmem:$0x14230];
	_ =	sdelay $0x4  }
0x18d: {  	v51 =	vshll.u32 v3, $0x1  }
0x18e: {  	v3 =	vand.u32 $0x7, v3;
	v4 =	vand.u32 $0xFFFFFFF0, v51  }
0x18f: {  	v3 =	vor.u32 v3, v4  }
0x190: {  	v4 =	vperm.xlane v3, v0;
	_ =	sdelay $0x1  }
0x191: {  	v3 =	vperm.xlane v3, v2;
	v4 =	vadd.s32 v1, v4;
	_ =	sdelay $0x1  }
0x192: {  	v3 =	vadd.s32 v1, v3;
	_ =	sdelay $0x1  }
0x193: {  	s3 =	simm.s32 $0x3000  }
0x194: {  	[tilespmem:s3], [sflag:$0x2] =	stream.indirect_vreg.gather [hbm4b:s0+s5], $0x80, v4, vm0, $0xb8;
	[tilespmem:$0x14400] =	vst v63  }
0x195: {  	s31 =	simm.s32 $0x3800  }
0x196: {  	[tilespmem:s31], [sflag:$0x2] =	stream.indirect_vreg.gather [hbm4b:s0+s5], $0x80, v3, vm0, $0xb8;
	[tilespmem:$0x14400] =	vst v63  }
0x197: {  	s2 =	simm.s32 $0x8000;
	s9 =	rddreg [dreg:$0x1c]  }
0x198: {  	[tilespmem:s2], [sflag:$0x4] =	stream.strided.gather [hbm4b:s9+s29], $0x2000, s21, s29, $0x38;
	[tilespmem:$0x14400] =	vst v63  }
0x199: {  	s11 =	simm.s32 $0xC000;
	s3 =	rddreg [dreg:$0x1d]  }
0x19a: {  	[tilespmem:s11], [sflag:$0x4] =	stream.strided.gather [hbm4b:s3+s29], $0x2000, s21, s29, $0x38;
	[tilespmem:$0x14400] =	vst v63  }
0x19b: {  	_ =	swait.ge [sflag:s19], $0x4000  }
0x19c: {  	[sflag:s19] =	ssyncset.done $0x0  }
0x19d: {  	s10 =	simm.s32 $0x4000;
	s11 =	rddreg [dreg:$0x1e];
	[sflag:s19] =	ssyncadd.s32 $0xFFFFC000  }
0x19e: {  	[hbm4b:s11+s5] =	stream.linear.scatter [tilespmem:s10], [sflag:$0x7], $0x4000, $0x38;
	[tilespmem:$0x14400] =	vst v63  }
0x19f: {  	_ =	swait.ge [sflag:s25], $0x2000  }
0x1a0: {  	[sflag:s25] =	ssyncset.done $0x0  }
0x1a1: {  	[sflag:s25] =	ssyncadd.s32 $0xFFFFE000  }
0x1a2: {  	_ =	swait.ge [sflag:s25], $0x2000  }
0x1a3: {  	[sflag:s25] =	ssyncset.done $0x0  }
0x1a4: {  	s9 =	simm.s32 $0x14180;
	[sflag:s25] =	ssyncadd.s32 $0xFFFFE000  }
0x1a5: {  	[spmem:s4] =	stream.indirect.scatter.add.f32 [tilespmem:s16], [sflag:$0x9], $0x80, s9, s17, $0xb8;
	[tilespmem:$0x14400] =	vst v63  }
0x1a6: {  	_ = 	snop  }
0x1a7: {  	[spmem:s7] =	stream.indirect.scatter.add.f32 [tilespmem:s18], [sflag:$0x9], $0x80, s9, s17, $0xb8;
	[tilespmem:$0x14400] =	vst v63  }
0x1a8: {  	_ =	swait.ge [sflag:s26], $0x4000  }
0x1a9: {  	[sflag:s26] =	ssyncset.done $0x0  }
0x1aa: {  	[sflag:s26] =	ssyncadd.s32 $0xFFFFC000  }
0x1ab: {  	_ =	swait.ge [sflag:s28], $0x2000  }
0x1ac: {  	[sflag:s28] =	ssyncset.done $0x0  }
0x1ad: {  	[sflag:s28] =	ssyncadd.s32 $0xFFFFE000  }
0x1ae: {  	_ =	swait.ge [sflag:s28], $0x2000  }
0x1af: {  	[sflag:s28] =	ssyncset.done $0x0  }
0x1b0: {  	[sflag:s28] =	ssyncadd.s32 $0xFFFFE000  }
0x1b1: {  	v3 =	vld [tilespmem:$0x14280];
	_ =	sdelay $0x4  }
0x1b2: {  	v52 =	vshll.u32 v3, $0x1  }
0x1b3: {  	v3 =	vand.u32 $0x7, v3;
	v4 =	vand.u32 $0xFFFFFFF0, v52  }
0x1b4: {  	v3 =	vor.u32 v3, v4  }
0x1b5: {  	v4 =	vperm.xlane v3, v0;
	_ =	sdelay $0x1  }
0x1b6: {  	v3 =	vperm.xlane v3, v2;
	v4 =	vadd.s32 v1, v4;
	_ =	sdelay $0x1  }
0x1b7: {  	v3 =	vadd.s32 v1, v3;
	_ =	sdelay $0x2  }
0x1b8: {  	[tilespmem:s10], [sflag:$0x3] =	stream.indirect_vreg.gather [hbm4b:s0+s5], $0x80, v4, vm0, $0xb8;
	[tilespmem:$0x14400] =	vst v63  }
0x1b9: {  	s10 =	simm.s32 $0x4800  }
0x1ba: {  	[tilespmem:s10], [sflag:$0x3] =	stream.indirect_vreg.gather [hbm4b:s0+s5], $0x80, v3, vm0, $0xb8;
	[tilespmem:$0x14400] =	vst v63  }
0x1bb: {  	v3 =	vld [tilespmem:$0x14290];
	_ =	sdelay $0x4  }
0x1bc: {  	v53 =	vshll.u32 v3, $0x1  }
0x1bd: {  	v3 =	vand.u32 $0x7, v3;
	v4 =	vand.u32 $0xFFFFFFF0, v53  }
0x1be: {  	v3 =	vor.u32 v3, v4  }
0x1bf: {  	v4 =	vperm.xlane v3, v0;
	_ =	sdelay $0x1  }
0x1c0: {  	v3 =	vperm.xlane v3, v2;
	v4 =	vadd.s32 v1, v4;
	_ =	sdelay $0x1  }
0x1c1: {  	v3 =	vadd.s32 v1, v3;
	_ =	sdelay $0x1  }
0x1c2: {  	s11 =	simm.s32 $0x5000  }
0x1c3: {  	[tilespmem:s11], [sflag:$0x3] =	stream.indirect_vreg.gather [hbm4b:s0+s5], $0x80, v4, vm0, $0xb8;
	[tilespmem:$0x14400] =	vst v63  }
0x1c4: {  	_ = 	snop  }
0x1c5: {  	[tilespmem:s13], [sflag:$0x3] =	stream.indirect_vreg.gather [hbm4b:s0+s5], $0x80, v3, vm0, $0xb8;
	[tilespmem:$0x14400] =	vst v63  }
0x1c6: {  	v3 =	vld [tilespmem:$0x142A0];
	_ =	sdelay $0x4  }
0x1c7: {  	v54 =	vshll.u32 v3, $0x1  }
0x1c8: {  	v3 =	vand.u32 $0x7, v3;
	v4 =	vand.u32 $0xFFFFFFF0, v54  }
0x1c9: {  	v3 =	vor.u32 v3, v4  }
0x1ca: {  	v4 =	vperm.xlane v3, v0;
	_ =	sdelay $0x1  }
0x1cb: {  	v3 =	vperm.xlane v3, v2;
	v4 =	vadd.s32 v1, v4;
	_ =	sdelay $0x1  }
0x1cc: {  	v3 =	vadd.s32 v1, v3;
	_ =	sdelay $0x1  }
0x1cd: {  	s13 =	simm.s32 $0x6000  }
0x1ce: {  	[tilespmem:s13], [sflag:$0x3] =	stream.indirect_vreg.gather [hbm4b:s0+s5], $0x80, v4, vm0, $0xb8;
	[tilespmem:$0x14400] =	vst v63  }
0x1cf: {  	_ = 	snop  }
0x1d0: {  	[tilespmem:s14], [sflag:$0x3] =	stream.indirect_vreg.gather [hbm4b:s0+s5], $0x80, v3, vm0, $0xb8;
	[tilespmem:$0x14400] =	vst v63  }
0x1d1: {  	v3 =	vld [tilespmem:$0x142B0];
	_ =	sdelay $0x4  }
0x1d2: {  	v55 =	vshll.u32 v3, $0x1  }
0x1d3: {  	v3 =	vand.u32 $0x7, v3;
	v4 =	vand.u32 $0xFFFFFFF0, v55  }
0x1d4: {  	v3 =	vor.u32 v3, v4  }
0x1d5: {  	v4 =	vperm.xlane v3, v0;
	_ =	sdelay $0x1  }
0x1d6: {  	v3 =	vperm.xlane v3, v2;
	v4 =	vadd.s32 v1, v4;
	_ =	sdelay $0x1  }
0x1d7: {  	v3 =	vadd.s32 v1, v3;
	_ =	sdelay $0x1  }
0x1d8: {  	s14 =	simm.s32 $0x7000  }
0x1d9: {  	[tilespmem:s14], [sflag:$0x3] =	stream.indirect_vreg.gather [hbm4b:s0+s5], $0x80, v4, vm0, $0xb8;
	[tilespmem:$0x14400] =	vst v63  }
0x1da: {  	s9 =	rddreg [dreg:$0x1f]  }
0x1db: {  	[tilespmem:s30], [sflag:$0x3] =	stream.indirect_vreg.gather [hbm4b:s0+s5], $0x80, v3, vm0, $0xb8;
	[tilespmem:$0x14400] =	vst v63  }
0x1dc: {  	s30 =	sld [smem:$0x7EF]  }
0x1dd: {  	[tilespmem:s16], [sflag:$0x5] =	stream.strided.gather [hbm4b:s9+s29], $0x2000, s21, s29, $0x38;
	[tilespmem:$0x14400] =	vst v63  }
0x1de: {  	_ = 	snop  }
0x1df: {  	[tilespmem:s18], [sflag:$0x5] =	stream.strided.gather [hbm4b:s30+s29], $0x2000, s21, s29, $0x38;
	[tilespmem:$0x14400] =	vst v63  }
0x1e0: {  	_ =	swait.ge [sflag:s23], $0x4000  }
0x1e1: {  	s30 =	sld [smem:$0x7F0]  }
0x1e2: {  	[sflag:s23] =	ssyncset.done $0x0  }
0x1e3: {  	[sflag:s23] =	ssyncadd.s32 $0xFFFFC000  }
0x1e4: {  	[hbm4b:s30+s5] =	stream.linear.scatter [tilespmem:s5], [sflag:$0x6], $0x4000, $0x38;
	[tilespmem:$0x14400] =	vst v63  }
0x1e5: {  	_ =	swait.ge [sflag:s22], $0x2000  }
0x1e6: {  	[sflag:s22] =	ssyncset.done $0x0  }
0x1e7: {  	[sflag:s22] =	ssyncadd.s32 $0xFFFFE000  }
0x1e8: {  	_ =	swait.ge [sflag:s22], $0x2000  }
0x1e9: {  	[sflag:s22] =	ssyncset.done $0x0  }
0x1ea: {  	s2 =	simm.s32 $0x8000;
	s9 =	simm.s32 $0x14200;
	[sflag:s22] =	ssyncadd.s32 $0xFFFFE000  }
0x1eb: {  	[spmem:s4] =	stream.indirect.scatter.add.f32 [tilespmem:s2], [sflag:$0x8], $0x80, s9, s17, $0xb8;
	[tilespmem:$0x14400] =	vst v63  }
0x1ec: {  	s3 =	simm.s32 $0xC000  }
0x1ed: {  	[spmem:s7] =	stream.indirect.scatter.add.f32 [tilespmem:s3], [sflag:$0x8], $0x80, s9, s17, $0xb8;
	[tilespmem:$0x14400] =	vst v63  }
0x1ee: {  	_ =	swait.ge [sflag:s12], $0x4000  }
0x1ef: {  	[sflag:s12] =	ssyncset.done $0x0  }
0x1f0: {  	[sflag:s12] =	ssyncadd.s32 $0xFFFFC000  }
0x1f1: {  	_ =	swait.ge [sflag:s24], $0x2000  }
0x1f2: {  	[sflag:s24] =	ssyncset.done $0x0  }
0x1f3: {  	[sflag:s24] =	ssyncadd.s32 $0xFFFFE000  }
0x1f4: {  	_ =	swait.ge [sflag:s24], $0x2000  }
0x1f5: {  	[sflag:s24] =	ssyncset.done $0x0  }
0x1f6: {  	[sflag:s24] =	ssyncadd.s32 $0xFFFFE000  }
0x1f7: {  	v3 =	vld [tilespmem:$0x14300];
	_ =	sdelay $0x4  }
0x1f8: {  	v56 =	vshll.u32 v3, $0x1  }
0x1f9: {  	v3 =	vand.u32 $0x7, v3;
	v4 =	vand.u32 $0xFFFFFFF0, v56  }
0x1fa: {  	v3 =	vor.u32 v3, v4  }
0x1fb: {  	v4 =	vperm.xlane v3, v0;
	_ =	sdelay $0x1  }
0x1fc: {  	v3 =	vperm.xlane v3, v2;
	v4 =	vadd.s32 v1, v4;
	_ =	sdelay $0x1  }
0x1fd: {  	v3 =	vadd.s32 v1, v3;
	_ =	sdelay $0x2  }
0x1fe: {  	[tilespmem:s5], [sflag:$0x2] =	stream.indirect_vreg.gather [hbm4b:s0+s5], $0x80, v4, vm0, $0xb8;
	[tilespmem:$0x14400] =	vst v63  }
0x1ff: {  	_ = 	snop  }
0x200: {  	[tilespmem:s21], [sflag:$0x2] =	stream.indirect_vreg.gather [hbm4b:s0+s5], $0x80, v3, vm0, $0xb8;
	[tilespmem:$0x14400] =	vst v63  }
0x201: {  	v3 =	vld [tilespmem:$0x14310];
	_ =	sdelay $0x4  }
0x202: {  	v57 =	vshll.u32 v3, $0x1  }
0x203: {  	v3 =	vand.u32 $0x7, v3;
	v4 =	vand.u32 $0xFFFFFFF0, v57  }
0x204: {  	v3 =	vor.u32 v3, v4  }
0x205: {  	v4 =	vperm.xlane v3, v0;
	_ =	sdelay $0x1  }
0x206: {  	v3 =	vperm.xlane v3, v2;
	v4 =	vadd.s32 v1, v4;
	_ =	sdelay $0x1  }
0x207: {  	v3 =	vadd.s32 v1, v3;
	_ =	sdelay $0x2  }
0x208: {  	[tilespmem:s15], [sflag:$0x2] =	stream.indirect_vreg.gather [hbm4b:s0+s5], $0x80, v4, vm0, $0xb8;
	[tilespmem:$0x14400] =	vst v63  }
0x209: {  	s9 =	simm.s32 $0x1800  }
0x20a: {  	[tilespmem:s9], [sflag:$0x2] =	stream.indirect_vreg.gather [hbm4b:s0+s5], $0x80, v3, vm0, $0xb8;
	[tilespmem:$0x14400] =	vst v63  }
0x20b: {  	v3 =	vld [tilespmem:$0x14320];
	_ =	sdelay $0x4  }
0x20c: {  	v58 =	vshll.u32 v3, $0x1  }
0x20d: {  	v3 =	vand.u32 $0x7, v3;
	v4 =	vand.u32 $0xFFFFFFF0, v58  }
0x20e: {  	v3 =	vor.u32 v3, v4  }
0x20f: {  	v4 =	vperm.xlane v3, v0;
	_ =	sdelay $0x1  }
0x210: {  	v3 =	vperm.xlane v3, v2;
	v4 =	vadd.s32 v1, v4;
	_ =	sdelay $0x1  }
0x211: {  	v3 =	vadd.s32 v1, v3;
	_ =	sdelay $0x1  }
0x212: {  	s15 =	simm.s32 $0x2000  }
0x213: {  	[tilespmem:s15], [sflag:$0x2] =	stream.indirect_vreg.gather [hbm4b:s0+s5], $0x80, v4, vm0, $0xb8;
	[tilespmem:$0x14400] =	vst v63  }
0x214: {  	s2 =	simm.s32 $0x2800  }
0x215: {  	[tilespmem:s2], [sflag:$0x2] =	stream.indirect_vreg.gather [hbm4b:s0+s5], $0x80, v3, vm0, $0xb8;
	[tilespmem:$0x14400] =	vst v63  }
0x216: {  	v3 =	vld [tilespmem:$0x14330];
	_ =	sdelay $0x4  }
0x217: {  	v59 =	vshll.u32 v3, $0x1  }
0x218: {  	v3 =	vand.u32 $0x7, v3;
	v4 =	vand.u32 $0xFFFFFFF0, v59  }
0x219: {  	v3 =	vor.u32 v3, v4  }
0x21a: {  	v4 =	vperm.xlane v3, v0;
	_ =	sdelay $0x1  }
0x21b: {  	v3 =	vperm.xlane v3, v2;
	v4 =	vadd.s32 v1, v4;
	_ =	sdelay $0x1  }
0x21c: {  	v3 =	vadd.s32 v1, v3;
	_ =	sdelay $0x1  }
0x21d: {  	s9 =	simm.s32 $0x3000  }
0x21e: {  	[tilespmem:s9], [sflag:$0x2] =	stream.indirect_vreg.gather [hbm4b:s0+s5], $0x80, v4, vm0, $0xb8;
	[tilespmem:$0x14400] =	vst v63  }
0x21f: {  	s15 =	sld [smem:$0x7F1]  }
0x220: {  	[tilespmem:s31], [sflag:$0x2] =	stream.indirect_vreg.gather [hbm4b:s0+s5], $0x80, v3, vm0, $0xb8;
	[tilespmem:$0x14400] =	vst v63  }
0x221: {  	s30 =	simm.s32 $0x8000;
	s31 =	sld [smem:$0x7F2]  }
0x222: {  	[tilespmem:s30], [sflag:$0x4] =	stream.strided.gather [hbm4b:s15+s29], $0x2000, s21, s29, $0x38;
	[tilespmem:$0x14400] =	vst v63  }
0x223: {  	s3 =	simm.s32 $0xC000  }
0x224: {  	[tilespmem:s3], [sflag:$0x4] =	stream.strided.gather [hbm4b:s31+s29], $0x2000, s21, s29, $0x38;
	[tilespmem:$0x14400] =	vst v63  }
0x225: {  	_ =	swait.ge [sflag:s19], $0x4000  }
0x226: {  	s2 =	sld [smem:$0x7F3]  }
0x227: {  	[sflag:s19] =	ssyncset.done $0x0  }
0x228: {  	s9 =	simm.s32 $0x4000;
	[sflag:s19] =	ssyncadd.s32 $0xFFFFC000  }
0x229: {  	[hbm4b:s2+s5] =	stream.linear.scatter [tilespmem:s9], [sflag:$0x7], $0x4000, $0x38;
	[tilespmem:$0x14400] =	vst v63  }
0x22a: {  	_ =	swait.ge [sflag:s25], $0x2000  }
0x22b: {  	[sflag:s25] =	ssyncset.done $0x0  }
0x22c: {  	[sflag:s25] =	ssyncadd.s32 $0xFFFFE000  }
0x22d: {  	_ =	swait.ge [sflag:s25], $0x2000  }
0x22e: {  	[sflag:s25] =	ssyncset.done $0x0  }
0x22f: {  	s15 =	simm.s32 $0x14280;
	[sflag:s25] =	ssyncadd.s32 $0xFFFFE000  }
0x230: {  	[spmem:s4] =	stream.indirect.scatter.add.f32 [tilespmem:s16], [sflag:$0x9], $0x80, s15, s17, $0xb8;
	[tilespmem:$0x14400] =	vst v63  }
0x231: {  	_ = 	snop  }
0x232: {  	[spmem:s7] =	stream.indirect.scatter.add.f32 [tilespmem:s18], [sflag:$0x9], $0x80, s15, s17, $0xb8;
	[tilespmem:$0x14400] =	vst v63  }
0x233: {  	_ =	swait.ge [sflag:s26], $0x4000  }
0x234: {  	[sflag:s26] =	ssyncset.done $0x0  }
0x235: {  	[sflag:s26] =	ssyncadd.s32 $0xFFFFC000  }
0x236: {  	_ =	swait.ge [sflag:s28], $0x2000  }
0x237: {  	[sflag:s28] =	ssyncset.done $0x0  }
0x238: {  	[sflag:s28] =	ssyncadd.s32 $0xFFFFE000  }
0x239: {  	_ =	swait.ge [sflag:s28], $0x2000  }
0x23a: {  	[sflag:s28] =	ssyncset.done $0x0  }
0x23b: {  	[sflag:s28] =	ssyncadd.s32 $0xFFFFE000  }
0x23c: {  	v3 =	vld [tilespmem:$0x14380];
	_ =	sdelay $0x4  }
0x23d: {  	v60 =	vshll.u32 v3, $0x1  }
0x23e: {  	v3 =	vand.u32 $0x7, v3;
	v4 =	vand.u32 $0xFFFFFFF0, v60  }
0x23f: {  	v3 =	vor.u32 v3, v4  }
0x240: {  	v4 =	vperm.xlane v3, v0;
	_ =	sdelay $0x1  }
0x241: {  	v3 =	vperm.xlane v3, v2;
	v4 =	vadd.s32 v1, v4;
	_ =	sdelay $0x1  }
0x242: {  	v3 =	vadd.s32 v1, v3;
	_ =	sdelay $0x2  }
0x243: {  	[tilespmem:s9], [sflag:$0x3] =	stream.indirect_vreg.gather [hbm4b:s0+s5], $0x80, v4, vm0, $0xb8;
	[tilespmem:$0x14400] =	vst v63  }
0x244: {  	s31 =	simm.s32 $0x4800  }
0x245: {  	[tilespmem:s31], [sflag:$0x3] =	stream.indirect_vreg.gather [hbm4b:s0+s5], $0x80, v3, vm0, $0xb8;
	[tilespmem:$0x14400] =	vst v63  }
0x246: {  	v3 =	vld [tilespmem:$0x14390];
	_ =	sdelay $0x4  }
0x247: {  	v61 =	vshll.u32 v3, $0x1  }
0x248: {  	v3 =	vand.u32 $0x7, v3;
	v4 =	vand.u32 $0xFFFFFFF0, v61  }
0x249: {  	v3 =	vor.u32 v3, v4  }
0x24a: {  	v4 =	vperm.xlane v3, v0;
	_ =	sdelay $0x1  }
0x24b: {  	v3 =	vperm.xlane v3, v2;
	v4 =	vadd.s32 v1, v4;
	_ =	sdelay $0x1  }
0x24c: {  	v3 =	vadd.s32 v1, v3;
	_ =	sdelay $0x1  }
0x24d: {  	s10 =	simm.s32 $0x5000  }
0x24e: {  	[tilespmem:s10], [sflag:$0x3] =	stream.indirect_vreg.gather [hbm4b:s0+s5], $0x80, v4, vm0, $0xb8;
	[tilespmem:$0x14400] =	vst v63  }
0x24f: {  	s9 =	simm.s32 $0x5800  }
0x250: {  	[tilespmem:s9], [sflag:$0x3] =	stream.indirect_vreg.gather [hbm4b:s0+s5], $0x80, v3, vm0, $0xb8;
	[tilespmem:$0x14400] =	vst v63  }
0x251: {  	v3 =	vld [tilespmem:$0x143A0];
	_ =	sdelay $0x4  }
0x252: {  	v62 =	vshll.u32 v3, $0x1  }
0x253: {  	v3 =	vand.u32 $0x7, v3;
	v4 =	vand.u32 $0xFFFFFFF0, v62  }
0x254: {  	v3 =	vor.u32 v3, v4  }
0x255: {  	v4 =	vperm.xlane v3, v0;
	_ =	sdelay $0x1  }
0x256: {  	v3 =	vperm.xlane v3, v2;
	v4 =	vadd.s32 v1, v4;
	_ =	sdelay $0x1  }
0x257: {  	v3 =	vadd.s32 v1, v3;
	_ =	sdelay $0x1  }
0x258: {  	s10 =	simm.s32 $0x6000  }
0x259: {  	[tilespmem:s10], [sflag:$0x3] =	stream.indirect_vreg.gather [hbm4b:s0+s5], $0x80, v4, vm0, $0xb8;
	[tilespmem:$0x14400] =	vst v63  }
0x25a: {  	s13 =	simm.s32 $0x6800  }
0x25b: {  	[tilespmem:s13], [sflag:$0x3] =	stream.indirect_vreg.gather [hbm4b:s0+s5], $0x80, v3, vm0, $0xb8;
	[tilespmem:$0x14400] =	vst v63  }
0x25c: {  	v3 =	vld [tilespmem:$0x143B0];
	_ =	sdelay $0x4  }
0x25d: {  	v63 =	vshll.u32 v3, $0x1  }
0x25e: {  	v3 =	vand.u32 $0x7, v3;
	v4 =	vand.u32 $0xFFFFFFF0, v63  }
0x25f: {  	v3 =	vor.u32 v3, v4  }
0x260: {  	v4 =	vperm.xlane v3, v0;
	_ =	sdelay $0x1  }
0x261: {  	v3 =	vperm.xlane v3, v2;
	v4 =	vadd.s32 v1, v4;
	_ =	sdelay $0x1  }
0x262: {  	v3 =	vadd.s32 v1, v3;
	_ =	sdelay $0x1  }
0x263: {  	s11 =	simm.s32 $0x7000  }
0x264: {  	[tilespmem:s11], [sflag:$0x3] =	stream.indirect_vreg.gather [hbm4b:s0+s5], $0x80, v4, vm0, $0xb8;
	[tilespmem:$0x14400] =	vst v63  }
0x265: {  	s14 =	simm.s32 $0x7800;
	s13 =	sld [smem:$0x7F4]  }
0x266: {  	[tilespmem:s14], [sflag:$0x3] =	stream.indirect_vreg.gather [hbm4b:s0+s5], $0x80, v3, vm0, $0xb8;
	[tilespmem:$0x14400] =	vst v63  }
0x267: {  	s15 =	sld [smem:$0x7F5]  }
0x268: {  	[tilespmem:s16], [sflag:$0x5] =	stream.strided.gather [hbm4b:s13+s29], $0x2000, s21, s29, $0x38;
	[tilespmem:$0x14400] =	vst v63  }
0x269: {  	_ = 	snop  }
0x26a: {  	[tilespmem:s18], [sflag:$0x5] =	stream.strided.gather [hbm4b:s15+s29], $0x2000, s21, s29, $0x38;
	[tilespmem:$0x14400] =	vst v63  }
0x26b: {  	_ =	swait.ge [sflag:s23], $0x4000  }
0x26c: {  	s31 =	sld [smem:$0x7F6]  }
0x26d: {  	[sflag:s23] =	ssyncset.done $0x0  }
0x26e: {  	[sflag:s23] =	ssyncadd.s32 $0xFFFFC000  }
0x26f: {  	[hbm4b:s31+s5] =	stream.linear.scatter [tilespmem:s5], [sflag:$0x6], $0x4000, $0x38;
	[tilespmem:$0x14400] =	vst v63  }
0x270: {  	_ =	swait.ge [sflag:s22], $0x2000  }
0x271: {  	[sflag:s22] =	ssyncset.done $0x0  }
0x272: {  	[sflag:s22] =	ssyncadd.s32 $0xFFFFE000  }
0x273: {  	_ =	swait.ge [sflag:s22], $0x2000  }
0x274: {  	[sflag:s22] =	ssyncset.done $0x0  }
0x275: {  	s9 =	simm.s32 $0x14300;
	[sflag:s22] =	ssyncadd.s32 $0xFFFFE000  }
0x276: {  	[spmem:s4] =	stream.indirect.scatter.add.f32 [tilespmem:s30], [sflag:$0x8], $0x80, s9, s17, $0xb8;
	[tilespmem:$0x14400] =	vst v63  }
0x277: {  	_ = 	snop  }
0x278: {  	[spmem:s7] =	stream.indirect.scatter.add.f32 [tilespmem:s3], [sflag:$0x8], $0x80, s9, s17, $0xb8;
	[tilespmem:$0x14400] =	vst v63  }
0x279: {  	_ =	swait.ge [sflag:s19], $0x4000  }
0x27a: {  	s10 =	sld [smem:$0x7F8]  }
0x27b: {  	[sflag:s19] =	ssyncset.done $0x0  }
0x27c: {  	s2 =	simm.s32 $0x4000;
	[sflag:s19] =	ssyncadd.s32 $0xFFFFC000  }
0x27d: {  	[hbm4b:s10+s5] =	stream.linear.scatter [tilespmem:s2], [sflag:$0x7], $0x4000, $0x38;
	[tilespmem:$0x14400] =	vst v63  }
0x27e: {  	_ =	swait.ge [sflag:s25], $0x2000  }
0x27f: {  	[sflag:s25] =	ssyncset.done $0x0  }
0x280: {  	[sflag:s25] =	ssyncadd.s32 $0xFFFFE000  }
0x281: {  	_ =	swait.ge [sflag:s25], $0x2000  }
0x282: {  	[sflag:s25] =	ssyncset.done $0x0  }
0x283: {  	s11 =	simm.s32 $0x14380;
	[sflag:s25] =	ssyncadd.s32 $0xFFFFE000  }
0x284: {  	[spmem:s4] =	stream.indirect.scatter.add.f32 [tilespmem:s16], [sflag:$0x9], $0x80, s11, s17, $0xb8;
	[tilespmem:$0x14400] =	vst v63  }
0x285: {  	_ = 	snop  }
0x286: {  	[spmem:s7] =	stream.indirect.scatter.add.f32 [tilespmem:s18], [sflag:$0x9], $0x80, s11, s17, $0xb8;
	[tilespmem:$0x14400] =	vst v63  }
0x287: {  	_ =	swait.ge [sflag:s12], $0x4000  }
0x288: {  	[sflag:s12] =	ssyncset.done $0x0  }
0x289: {  	[sflag:s12] =	ssyncadd.s32 $0xFFFFC000  }
0x28a: {  	_ =	swait.ge [sflag:s24], $0x2000  }
0x28b: {  	[sflag:s24] =	ssyncset.done $0x0  }
0x28c: {  	[sflag:s24] =	ssyncadd.s32 $0xFFFFE000  }
0x28d: {  	_ =	swait.ge [sflag:s24], $0x2000  }
0x28e: {  	[sflag:s24] =	ssyncset.done $0x0  }
0x28f: {  	[sflag:s24] =	ssyncadd.s32 $0xFFFFE000  }
0x290: {  	_ =	swait.ge [sflag:s26], $0x4000  }
0x291: {  	[sflag:s26] =	ssyncset.done $0x0  }
0x292: {  	[sflag:s26] =	ssyncadd.s32 $0xFFFFC000  }
0x293: {  	_ =	swait.ge [sflag:s28], $0x2000  }
0x294: {  	[sflag:s28] =	ssyncset.done $0x0  }
0x295: {  	[sflag:s28] =	ssyncadd.s32 $0xFFFFE000  }
0x296: {  	_ =	swait.ge [sflag:s28], $0x2000  }
0x297: {  	[sflag:s28] =	ssyncset.done $0x0  }
0x298: {  	[sflag:s28] =	ssyncadd.s32 $0xFFFFE000  }
0x299: {  	[bflag:$0x0] =	sbarrier.arrive $0xFFFF  }
0x29a: {  	s13 =	sld [smem:$0x7F9]  }
0x29b: {  	s14 =	sld [smem:$0x7FC]  }
0x29c: {  	s15 =	sld [smem:$0x7FA];
	_ =	sdelay $0x2  }
0x29d: {  	[hbm:s13], [sflag:s15] =	dma.local [spmem:s14], $0x400  }
0x29e: {  	_ =	swait.ge [sflag:s6], $0x400  }
0x29f: {  	s30 =	sld [smem:$0x7FB]  }
0x2a0: {  	s31 =	sld [smem:$0x7FD]  }
0x2a1: {  	p0 =	sne.s32 s8, $0x1;
	[sflag:s6] =	ssyncset.done $0x0  }
.Ltmp0:
0x2a2: {  	[sflag:s6] =	ssyncadd.s32 $0xFFFFFC00;
	(pc) =	sbr.rel @p0 .LBB2_1-.Ltmp0, $4  }
0x2a3: {  	[hbm:s30], [sflag:s15] =	dma.local [spmem:s31], $0x400  }
0x2a4: {  	_ =	swait.ge [sflag:s6], $0x400  }
0x2a5: {  	[sflag:s6] =	ssyncset.done $0x0  }
0x2a6: {  	s8 =	sadd.s32 $0xFFFFFFFF, s8;
	[sflag:s6] =	ssyncadd.s32 $0xFFFFFC00  }
0x2a7: {  	_ =	sfence.sel $0x180000  }
0x2a8: {  	[bflag:$0x0] =	sbarrier.arrive $0xFFFF  }
0x2a9: {  	_ =	strace $0x90000047  }
0x2aa: {  	s0 =	stileid.u32;
	[bflag:$0x2] =	sbarrier.arrive $0xFFFF  }
0x2ab: {  	p0 =	sne.s32 s0, $0x0;
	s0 =	rddreg [dreg:$0x8]  }
0x2ac: {  	s0 =	sadd.s32 @!p0 $0x100000, s0  }
0x2ad: {  	[sflag:s0] =	ssyncadd.tile.s32 @!p0 $0x1;
	_ =	shalt  }
.Lfunc_end2:
_tile_overlayer_lowered:
.L_overlay_start_2:
0x2ae: {  	(tag) =	ssettag $0x2  }
0x2af: {  	s0 =	rddreg [dreg:$0x0];
	s2 =	stileid.u32  }
0x2b0: {  	s1 =	rddreg [dreg:$0x1];
	p0 =	sne.s32 s2, $0x0  }
0x2b1: {  	s3 =	rddreg [dreg:$0x2];
	[bflag:$0x3] =	sbarrier.arrive $0xFFFF;
	s2 =	simm.s32 @!p0 $0x1C0A  }
0x2b2: {  	[timem:s3], [sflag:s2] =	dma.local @!p0 [hbm:s0], s1  }
0x2b3: {  	s0 =	simm.s32 @!p0 $0xA  }
0x2b4: {  	_ =	swait.ge @!p0 [sflag:s0], s1  }
0x2b5: {  	s1 =	ssub.s32 @!p0 $0x0, s1;
	[sflag:s0] =	ssyncset.done @!p0 $0x0  }
0x2b6: {  	[sflag:s0] =	ssyncadd.s32 @!p0 s1  }
0x2b7: {  	[bflag:$0x3] =	sbarrier.arrive $0xFFFF  }
0x2b8: {  	_ =	shalt  }

</sc_bundles>
